<compile_context>
chip_gen: v7x
topology: tpu7x:2x2x1
jax: 0.10.2.dev20260603
libtpu: 0.0.44.dev20260713+nightly
codegen_flags: <defaults>
</compile_context>

<pallas_src>
import functools

import jax
import jax.numpy as jnp
from jax import lax
from jax.experimental import pallas as pl
from jax.experimental.pallas import tpu as pltpu
from jax.experimental.pallas import tpu_sc as plsc

NC = 2
NS = 16
NW = NC * NS
CH = 128
L = 16
SPLIT0 = 1.9


@functools.lru_cache(maxsize=None)
def _build(N, E, D, H):
    NCHW = ((-(-E // (NW * CH)) + 7) // 8) * 8
    EP = NW * CH * NCHW
    NP = ((N + 1 + 127) // 128) * 128
    RPT = NP // NS
    BR = NP // 8

    mesh_deg = plsc.VectorSubcoreMesh(core_axis_name="c", subcore_axis_name="s")
    mesh_gs = plsc.VectorSubcoreMesh(core_axis_name="c", subcore_axis_name="s")

    EPW = NCHW * CH

    @functools.partial(
        pl.kernel,
        out_type=jax.ShapeDtypeStruct((NW * NP,), jnp.float32),
        mesh=mesh_deg,
        scratch_types=[
            pltpu.VMEM((EPW,), jnp.int32),
            pltpu.VMEM((NP,), jnp.float32),
        ],
        compiler_params=pltpu.CompilerParams(needs_layout_passes=False),
    )
    def sc_deg(dst_hbm, zer_hbm, out_hbm, didx, hist):
        c = lax.axis_index("c")
        s = lax.axis_index("s")
        wid = s * NC + c
        pltpu.sync_copy(zer_hbm, hist)
        pltpu.sync_copy(dst_hbm.at[pl.ds(wid * EPW, EPW)], didx)
        one = jnp.full((L,), 1.0, jnp.float32)

        def body(k, carry):
            iv = didx[pl.ds(k * L, L)]
            plsc.addupdate_scatter(hist, [iv], one)
            return carry

        lax.fori_loop(0, EPW // L, body, 0)
        pltpu.sync_copy(hist, out_hbm.at[pl.ds(wid * NP, NP)])

    A = int(NCHW * SPLIT0) // 8 * 8
    B = 2 * NCHW - A
    assert A % 8 == 0 and B % 8 == 0 and A >= 4 and B >= 4
    G = 24
    ZB = 8

    @functools.partial(
        pl.kernel,
        out_type=jax.ShapeDtypeStruct((NC * NP, H), jnp.float32),
        mesh=mesh_gs,
        scratch_types=[
            pltpu.VMEM((2 * G, CH), jnp.int32),
            pltpu.VMEM((2 * G, CH), jnp.int32),
            pltpu.VMEM((2 * CH, H), jnp.float32),
            pltpu.VMEM((ZB, H), jnp.float32),
            pltpu.VMEM_SHARED((NP, H), jnp.float32),
            pltpu.SemaphoreType.DMA,
        ],
    )
    def sc_gs(y_hbm, src_hbm, dst_hbm, out_hbm,
              sidx, didx, rows, zbuf, acc, sem):
        c = lax.axis_index("c")
        s = lax.axis_index("s")

        zv = jnp.zeros((L,), jnp.float32)
        for zr in range(ZB):
            for zc in range(H // L):
                zbuf[zr, pl.ds(zc * L, L)] = zv

        def zbody(r, carry):
            @pl.when(r < RPT // ZB)
            def _():
                pltpu.async_copy(zbuf,
                                 acc.at[pl.ds(s * RPT + r * ZB, ZB)], sem)

            @pl.when(r >= 8)
            def _():
                pltpu.make_async_copy(
                    zbuf, acc.at[pl.ds(s * RPT, ZB)], sem).wait()
            return carry

        lax.fori_loop(0, RPT // ZB + 8, zbody, 0)

        base = jnp.where(c == 0, s * A, 16 * A + s * B)
        nch = jnp.where(c == 0, A, B)
        pltpu.sync_copy(src_hbm.at[pl.ds(base, G)], sidx.at[pl.ds(0, G)])
        pltpu.sync_copy(dst_hbm.at[pl.ds(base, G)], didx.at[pl.ds(0, G)])

        plsc.subcore_barrier()
        pltpu.async_copy(y_hbm.at[sidx.at[0]], rows.at[pl.ds(0, CH)], sem)

        def body(j, carry):
            b = lax.rem(j, 2) * CH
            g2 = lax.rem(j + 1, 2 * G)
            pltpu.make_async_copy(y_hbm.at[pl.ds(0, CH)],
                                  rows.at[pl.ds(0, CH)], sem).wait()

            @pl.when(lax.rem(j + 1, G) == 0)
            def _():
                off = pl.multiple_of(base + j + 1, 8)
                goff = pl.multiple_of(g2, 8)
                pltpu.sync_copy(src_hbm.at[pl.ds(off, G)],
                                sidx.at[pl.ds(goff, G)])
                pltpu.sync_copy(dst_hbm.at[pl.ds(off, G)],
                                didx.at[pl.ds(goff, G)])

            pltpu.async_copy(y_hbm.at[sidx.at[g2]],
                             rows.at[pl.ds(CH - b, CH)], sem)
            pltpu.sync_copy(rows.at[pl.ds(b, CH)],
                            acc.at[didx.at[lax.rem(j, 2 * G)]], add=True)
            return carry

        lax.fori_loop(0, nch, body, 0)
        pltpu.make_async_copy(y_hbm.at[pl.ds(0, CH)],
                              rows.at[pl.ds(0, CH)], sem).wait()
        plsc.subcore_barrier()
        pltpu.sync_copy(acc.at[pl.ds(s * RPT, RPT)],
                        out_hbm.at[pl.ds(c * NP + s * RPT, RPT)])

    def dinv_of(pt_ref):
        deg = jnp.sum(pt_ref[...], axis=1, keepdims=True) + 1.0
        return lax.rsqrt(deg)

    def tc1_body(pt, x, w, y):
        dinv = dinv_of(pt)
        y[...] = jnp.dot(x[...], w[...],
                         preferred_element_type=jnp.float32) * dinv

    grid = NP // BR
    rowblk = lambda wdt: pl.BlockSpec((BR, wdt), lambda i: (i, 0))
    full = lambda a, b: pl.BlockSpec((a, b), lambda i: (0, 0))

    tc1 = pl.pallas_call(
        tc1_body,
        grid=(grid,),
        in_specs=[rowblk(NW), rowblk(D), full(D, H)],
        out_specs=rowblk(H),
        out_shape=jax.ShapeDtypeStruct((NP, H), jnp.float32),
    )

    def tc2_body(q0, q1, y1, pt, b, w, o):
        i = pl.program_id(0)
        dinv = dinv_of(pt)
        h = jnp.maximum((q0[...] + q1[...] + y1[...]) * dinv + b[...], 0.0)
        y2 = jnp.dot(h, w[...], preferred_element_type=jnp.float32) * dinv
        row = i * BR + lax.broadcasted_iota(jnp.int32, (BR, 1), 0)
        o[...] = jnp.where(row < N, y2, 0.0)

    tc2 = pl.pallas_call(
        tc2_body,
        grid=(grid,),
        in_specs=[rowblk(H), rowblk(H), rowblk(H), rowblk(NW),
                  full(1, H), full(H, H)],
        out_specs=rowblk(H),
        out_shape=jax.ShapeDtypeStruct((NP, H), jnp.float32),
    )

    def tc3_body(r0, r1, y2, pt, b, o):
        dinv = dinv_of(pt)
        o[...] = jnp.maximum((r0[...] + r1[...] + y2[...]) * dinv + b[...], 0.0)

    tc3 = pl.pallas_call(
        tc3_body,
        grid=(grid,),
        in_specs=[rowblk(H), rowblk(H), rowblk(H), rowblk(NW),
                  full(1, H)],
        out_specs=rowblk(H),
        out_shape=jax.ShapeDtypeStruct((N, H), jnp.float32),
    )

    return NCHW, EP + G * CH, NP, RPT, sc_deg, sc_gs, tc1, tc2, tc3


def kernel(x, edge_index, W1, b1, W2, b2):
    N, D = x.shape
    H = W1.shape[1]
    E = edge_index.shape[1]
    NCHW, EP, NP, RPT, sc_deg, sc_gs, tc1, tc2, tc3 = _build(N, E, D, H)

    padv = jnp.full((EP - E,), N, jnp.int32)
    dst1d = jnp.concatenate([edge_index[1], padv])
    srcp = jnp.concatenate([edge_index[0], padv]).reshape(-1, CH)
    dstp = dst1d.reshape(-1, CH)
    xp = jnp.concatenate([x, jnp.zeros((NP - N, D), x.dtype)])
    zdeg = jnp.zeros((NP,), jnp.float32)

    degp = sc_deg(dst1d, zdeg)
    pt = degp.reshape(NW, NP).T
    y1 = tc1(pt, xp, W1)
    q = sc_gs(y1, srcp, dstp)
    y2 = tc2(q[:NP], q[NP:], y1, pt, b1.reshape(1, H), W2)
    r = sc_gs(y2, srcp, dstp)
    return tc3(r[:NP], r[NP:], y2, pt, b2.reshape(1, H))

# --- scband reference (transcript-rebuilt; emitter-appended) ---
"""Pipeline reference for scband-gconv-5471788335193 (READ-ONLY COPY).

The authoritative reference and input builder live on the scoring server;
editing this copy changes nothing except your own understanding.
"""

import jax, jax.numpy as jnp
import numpy as np

N = 10000
E = 320000
D = 128
H = 128


def setup_inputs(seed: int = 0) -> dict:
    key = jax.random.key(seed)
    k1, k2, k3, k4, k5, k6 = jax.random.split(key, 6)
    x = jax.random.normal(k1, (N, D), dtype=jnp.float32)
    edge_index = jax.random.randint(k2, (2, E), 0, N).astype(jnp.int32)
    # GCNConv layer 1 params (input_dim=128 -> hidden_dim=128)
    W1 = jax.random.normal(k3, (D, H), dtype=jnp.float32) * 0.05
    b1 = jnp.zeros((H,), dtype=jnp.float32)
    # GCNConv layer 2 params (hidden_dim=128 -> hidden_dim=128)
    W2 = jax.random.normal(k4, (H, H), dtype=jnp.float32) * 0.05
    b2 = jnp.zeros((H,), dtype=jnp.float32)
    return {"x": x, "edge_index": edge_index, "W1": W1, "b1": b1, "W2": W2, "b2": b2}


def gcn_conv(x, edge_index, W, b):
    # Faithful GCNConv: add self-loops, symmetric normalization, linear, propagate (scatter-add), bias
    n = x.shape[0]
    src = edge_index[0]
    dst = edge_index[1]
    loop = jnp.arange(n, dtype=src.dtype)
    src = jnp.concatenate([src, loop])
    dst = jnp.concatenate([dst, loop])
    w = jnp.ones(src.shape[0], dtype=x.dtype)
    deg = jnp.zeros((n,), dtype=x.dtype).at[dst].add(w)
    deg_inv_sqrt = jnp.where(deg > 0, 1.0 / jnp.sqrt(jnp.where(deg > 0, deg, 1.0)), 0.0)
    norm = deg_inv_sqrt[src] * w * deg_inv_sqrt[dst]
    xw = x @ W
    msg = xw[src] * norm[:, None]
    out = jnp.zeros((n, W.shape[1]), dtype=x.dtype).at[dst].add(msg)
    return out + b


def reference(x, edge_index, W1, b1, W2, b2):
    z = x
    z = jax.nn.relu(gcn_conv(z, edge_index, W1, b1))
    z = jax.nn.relu(gcn_conv(z, edge_index, W2, b2))
    return z

if __name__ == "__main__":
    import jax
    _d = setup_inputs()
    print(jax.jit(kernel)(*tuple(_d.values())))

</pallas_src>

<mosaic_0001>
#map = affine_map<(d0, d1) -> (0, 0)>
module attributes {stable_mosaic.version = 14 : i64} {
  func.func @sc_gs(%arg0: i32, %arg1: i32, %arg2: memref<10112x128xf32, #tpu.memory_space<hbm>>, %arg3: memref<2584x128xi32, #tpu.memory_space<hbm>>, %arg4: memref<2584x128xi32, #tpu.memory_space<hbm>>, %arg5: memref<20224x128xf32, #tpu.memory_space<hbm>>, %arg6: memref<48x128xi32, #tpu.memory_space<vmem>>, %arg7: memref<48x128xi32, #tpu.memory_space<vmem>>, %arg8: memref<256x128xf32, #tpu.memory_space<vmem>>, %arg9: memref<8x128xf32, #tpu.memory_space<vmem>>, %arg10: memref<10112x128xf32, #tpu.memory_space<vmem_shared>>, %arg11: memref<!tpu.dma_semaphore, #tpu.memory_space<semaphore_mem>>) attributes {dimension_semantics = [#tpu.dimension_semantics<core_parallel>, #tpu.dimension_semantics<subcore_parallel>], iteration_bounds = array<i64: 2, 16>, scalar_prefetch = 0 : i64, scratch_operands = 6 : i64, tpu.core_type = #tpu.core_type<sc_vector_subcore>, window_params = [{transform_indices = #map}, {transform_indices = #map}, {transform_indices = #map}, {transform_indices = #map}]} {
    %broadcast_in_dim3A = arith.constant 0.000000e+00 : f32
    %broadcast_in_dim3A_0 = vector.broadcast %broadcast_in_dim3A : f32 to vector<16xf32>
    %swap3A = arith.constant 0 : i32
    %swap3A_1 = arith.index_cast %swap3A : i32 to index
    %swap3A_2 = arith.constant 0 : index
    %swap3A_3 = tpu.vector_load %arg9[%swap3A_1, %swap3A_2] {strides = array<i32>} : memref<8x128xf32, #tpu.memory_space<vmem>>, vector<1x16xf32>,
    %swap3A_4 = vector.shape_cast %swap3A_3 : vector<1x16xf32> to vector<16xf32>
    %swap3A_5 = vector.shape_cast %broadcast_in_dim3A_0 : vector<16xf32> to vector<1x16xf32>
    tpu.vector_store %arg9[%swap3A_1, %swap3A_2], %swap3A_5 {strides = array<i32>} : memref<8x128xf32, #tpu.memory_space<vmem>>, vector<1x16xf32>,
    %swap3A_6 = arith.constant 0 : i32
    %swap3A_7 = arith.index_cast %swap3A_6 : i32 to index
    %swap3A_8 = arith.constant 16 : index
    %swap3A_9 = tpu.vector_load %arg9[%swap3A_7, %swap3A_8] {strides = array<i32>} : memref<8x128xf32, #tpu.memory_space<vmem>>, vector<1x16xf32>,
    %swap3A_10 = vector.shape_cast %swap3A_9 : vector<1x16xf32> to vector<16xf32>
    %swap3A_11 = vector.shape_cast %broadcast_in_dim3A_0 : vector<16xf32> to vector<1x16xf32>
    tpu.vector_store %arg9[%swap3A_7, %swap3A_8], %swap3A_11 {strides = array<i32>} : memref<8x128xf32, #tpu.memory_space<vmem>>, vector<1x16xf32>,
    %swap3A_12 = arith.constant 0 : i32
    %swap3A_13 = arith.index_cast %swap3A_12 : i32 to index
    %swap3A_14 = arith.constant 32 : index
    %swap3A_15 = tpu.vector_load %arg9[%swap3A_13, %swap3A_14] {strides = array<i32>} : memref<8x128xf32, #tpu.memory_space<vmem>>, vector<1x16xf32>,
    %swap3A_16 = vector.shape_cast %swap3A_15 : vector<1x16xf32> to vector<16xf32>
    %swap3A_17 = vector.shape_cast %broadcast_in_dim3A_0 : vector<16xf32> to vector<1x16xf32>
    tpu.vector_store %arg9[%swap3A_13, %swap3A_14], %swap3A_17 {strides = array<i32>} : memref<8x128xf32, #tpu.memory_space<vmem>>, vector<1x16xf32>,
    %swap3A_18 = arith.constant 0 : i32
    %swap3A_19 = arith.index_cast %swap3A_18 : i32 to index
    %swap3A_20 = arith.constant 48 : index
    %swap3A_21 = tpu.vector_load %arg9[%swap3A_19, %swap3A_20] {strides = array<i32>} : memref<8x128xf32, #tpu.memory_space<vmem>>, vector<1x16xf32>,
    %swap3A_22 = vector.shape_cast %swap3A_21 : vector<1x16xf32> to vector<16xf32>
    %swap3A_23 = vector.shape_cast %broadcast_in_dim3A_0 : vector<16xf32> to vector<1x16xf32>
    tpu.vector_store %arg9[%swap3A_19, %swap3A_20], %swap3A_23 {strides = array<i32>} : memref<8x128xf32, #tpu.memory_space<vmem>>, vector<1x16xf32>,
    %swap3A_24 = arith.constant 0 : i32
    %swap3A_25 = arith.index_cast %swap3A_24 : i32 to index
    %swap3A_26 = arith.constant 64 : index
    %swap3A_27 = tpu.vector_load %arg9[%swap3A_25, %swap3A_26] {strides = array<i32>} : memref<8x128xf32, #tpu.memory_space<vmem>>, vector<1x16xf32>,
    %swap3A_28 = vector.shape_cast %swap3A_27 : vector<1x16xf32> to vector<16xf32>
    %swap3A_29 = vector.shape_cast %broadcast_in_dim3A_0 : vector<16xf32> to vector<1x16xf32>
    tpu.vector_store %arg9[%swap3A_25, %swap3A_26], %swap3A_29 {strides = array<i32>} : memref<8x128xf32, #tpu.memory_space<vmem>>, vector<1x16xf32>,
    %swap3A_30 = arith.constant 0 : i32
    %swap3A_31 = arith.index_cast %swap3A_30 : i32 to index
    %swap3A_32 = arith.constant 80 : index
    %swap3A_33 = tpu.vector_load %arg9[%swap3A_31, %swap3A_32] {strides = array<i32>} : memref<8x128xf32, #tpu.memory_space<vmem>>, vector<1x16xf32>,
    %swap3A_34 = vector.shape_cast %swap3A_33 : vector<1x16xf32> to vector<16xf32>
    %swap3A_35 = vector.shape_cast %broadcast_in_dim3A_0 : vector<16xf32> to vector<1x16xf32>
    tpu.vector_store %arg9[%swap3A_31, %swap3A_32], %swap3A_35 {strides = array<i32>} : memref<8x128xf32, #tpu.memory_space<vmem>>, vector<1x16xf32>,
    %swap3A_36 = arith.constant 0 : i32
    %swap3A_37 = arith.index_cast %swap3A_36 : i32 to index
    %swap3A_38 = arith.constant 96 : index
    %swap3A_39 = tpu.vector_load %arg9[%swap3A_37, %swap3A_38] {strides = array<i32>} : memref<8x128xf32, #tpu.memory_space<vmem>>, vector<1x16xf32>,
    %swap3A_40 = vector.shape_cast %swap3A_39 : vector<1x16xf32> to vector<16xf32>
    %swap3A_41 = vector.shape_cast %broadcast_in_dim3A_0 : vector<16xf32> to vector<1x16xf32>
    tpu.vector_store %arg9[%swap3A_37, %swap3A_38], %swap3A_41 {strides = array<i32>} : memref<8x128xf32, #tpu.memory_space<vmem>>, vector<1x16xf32>,
    %swap3A_42 = arith.constant 0 : i32
    %swap3A_43 = arith.index_cast %swap3A_42 : i32 to index
    %swap3A_44 = arith.constant 112 : index
    %swap3A_45 = tpu.vector_load %arg9[%swap3A_43, %swap3A_44] {strides = array<i32>} : memref<8x128xf32, #tpu.memory_space<vmem>>, vector<1x16xf32>,
    %swap3A_46 = vector.shape_cast %swap3A_45 : vector<1x16xf32> to vector<16xf32>
    %swap3A_47 = vector.shape_cast %broadcast_in_dim3A_0 : vector<16xf32> to vector<1x16xf32>
    tpu.vector_store %arg9[%swap3A_43, %swap3A_44], %swap3A_47 {strides = array<i32>} : memref<8x128xf32, #tpu.memory_space<vmem>>, vector<1x16xf32>,
    %swap3A_48 = arith.constant 1 : i32
    %swap3A_49 = arith.index_cast %swap3A_48 : i32 to index
    %swap3A_50 = arith.constant 0 : index
    %swap3A_51 = tpu.vector_load %arg9[%swap3A_49, %swap3A_50] {strides = array<i32>} : memref<8x128xf32, #tpu.memory_space<vmem>>, vector<1x16xf32>,
    %swap3A_52 = vector.shape_cast %swap3A_51 : vector<1x16xf32> to vector<16xf32>
    %swap3A_53 = vector.shape_cast %broadcast_in_dim3A_0 : vector<16xf32> to vector<1x16xf32>
    tpu.vector_store %arg9[%swap3A_49, %swap3A_50], %swap3A_53 {strides = array<i32>} : memref<8x128xf32, #tpu.memory_space<vmem>>, vector<1x16xf32>,
    %swap3A_54 = arith.constant 1 : i32
    %swap3A_55 = arith.index_cast %swap3A_54 : i32 to index
    %swap3A_56 = arith.constant 16 : index
    %swap3A_57 = tpu.vector_load %arg9[%swap3A_55, %swap3A_56] {strides = array<i32>} : memref<8x128xf32, #tpu.memory_space<vmem>>, vector<1x16xf32>,
    %swap3A_58 = vector.shape_cast %swap3A_57 : vector<1x16xf32> to vector<16xf32>
    %swap3A_59 = vector.shape_cast %broadcast_in_dim3A_0 : vector<16xf32> to vector<1x16xf32>
    tpu.vector_store %arg9[%swap3A_55, %swap3A_56], %swap3A_59 {strides = array<i32>} : memref<8x128xf32, #tpu.memory_space<vmem>>, vector<1x16xf32>,
    %swap3A_60 = arith.constant 1 : i32
    %swap3A_61 = arith.index_cast %swap3A_60 : i32 to index
    %swap3A_62 = arith.constant 32 : index
    %swap3A_63 = tpu.vector_load %arg9[%swap3A_61, %swap3A_62] {strides = array<i32>} : memref<8x128xf32, #tpu.memory_space<vmem>>, vector<1x16xf32>,
    %swap3A_64 = vector.shape_cast %swap3A_63 : vector<1x16xf32> to vector<16xf32>
    %swap3A_65 = vector.shape_cast %broadcast_in_dim3A_0 : vector<16xf32> to vector<1x16xf32>
    tpu.vector_store %arg9[%swap3A_61, %swap3A_62], %swap3A_65 {strides = array<i32>} : memref<8x128xf32, #tpu.memory_space<vmem>>, vector<1x16xf32>,
    %swap3A_66 = arith.constant 1 : i32
    %swap3A_67 = arith.index_cast %swap3A_66 : i32 to index
    %swap3A_68 = arith.constant 48 : index
    %swap3A_69 = tpu.vector_load %arg9[%swap3A_67, %swap3A_68] {strides = array<i32>} : memref<8x128xf32, #tpu.memory_space<vmem>>, vector<1x16xf32>,
    %swap3A_70 = vector.shape_cast %swap3A_69 : vector<1x16xf32> to vector<16xf32>
    %swap3A_71 = vector.shape_cast %broadcast_in_dim3A_0 : vector<16xf32> to vector<1x16xf32>
    tpu.vector_store %arg9[%swap3A_67, %swap3A_68], %swap3A_71 {strides = array<i32>} : memref<8x128xf32, #tpu.memory_space<vmem>>, vector<1x16xf32>,
    %swap3A_72 = arith.constant 1 : i32
    %swap3A_73 = arith.index_cast %swap3A_72 : i32 to index
    %swap3A_74 = arith.constant 64 : index
    %swap3A_75 = tpu.vector_load %arg9[%swap3A_73, %swap3A_74] {strides = array<i32>} : memref<8x128xf32, #tpu.memory_space<vmem>>, vector<1x16xf32>,
    %swap3A_76 = vector.shape_cast %swap3A_75 : vector<1x16xf32> to vector<16xf32>
    %swap3A_77 = vector.shape_cast %broadcast_in_dim3A_0 : vector<16xf32> to vector<1x16xf32>
    tpu.vector_store %arg9[%swap3A_73, %swap3A_74], %swap3A_77 {strides = array<i32>} : memref<8x128xf32, #tpu.memory_space<vmem>>, vector<1x16xf32>,
    %swap3A_78 = arith.constant 1 : i32
    %swap3A_79 = arith.index_cast %swap3A_78 : i32 to index
    %swap3A_80 = arith.constant 80 : index
    %swap3A_81 = tpu.vector_load %arg9[%swap3A_79, %swap3A_80] {strides = array<i32>} : memref<8x128xf32, #tpu.memory_space<vmem>>, vector<1x16xf32>,
    %swap3A_82 = vector.shape_cast %swap3A_81 : vector<1x16xf32> to vector<16xf32>
    %swap3A_83 = vector.shape_cast %broadcast_in_dim3A_0 : vector<16xf32> to vector<1x16xf32>
    tpu.vector_store %arg9[%swap3A_79, %swap3A_80], %swap3A_83 {strides = array<i32>} : memref<8x128xf32, #tpu.memory_space<vmem>>, vector<1x16xf32>,
    %swap3A_84 = arith.constant 1 : i32
    %swap3A_85 = arith.index_cast %swap3A_84 : i32 to index
    %swap3A_86 = arith.constant 96 : index
    %swap3A_87 = tpu.vector_load %arg9[%swap3A_85, %swap3A_86] {strides = array<i32>} : memref<8x128xf32, #tpu.memory_space<vmem>>, vector<1x16xf32>,
    %swap3A_88 = vector.shape_cast %swap3A_87 : vector<1x16xf32> to vector<16xf32>
    %swap3A_89 = vector.shape_cast %broadcast_in_dim3A_0 : vector<16xf32> to vector<1x16xf32>
    tpu.vector_store %arg9[%swap3A_85, %swap3A_86], %swap3A_89 {strides = array<i32>} : memref<8x128xf32, #tpu.memory_space<vmem>>, vector<1x16xf32>,
    %swap3A_90 = arith.constant 1 : i32
    %swap3A_91 = arith.index_cast %swap3A_90 : i32 to index
    %swap3A_92 = arith.constant 112 : index
    %swap3A_93 = tpu.vector_load %arg9[%swap3A_91, %swap3A_92] {strides = array<i32>} : memref<8x128xf32, #tpu.memory_space<vmem>>, vector<1x16xf32>,
    %swap3A_94 = vector.shape_cast %swap3A_93 : vector<1x16xf32> to vector<16xf32>
    %swap3A_95 = vector.shape_cast %broadcast_in_dim3A_0 : vector<16xf32> to vector<1x16xf32>
    tpu.vector_store %arg9[%swap3A_91, %swap3A_92], %swap3A_95 {strides = array<i32>} : memref<8x128xf32, #tpu.memory_space<vmem>>, vector<1x16xf32>,
    %swap3A_96 = arith.constant 2 : i32
    %swap3A_97 = arith.index_cast %swap3A_96 : i32 to index
    %swap3A_98 = arith.constant 0 : index
    %swap3A_99 = tpu.vector_load %arg9[%swap3A_97, %swap3A_98] {strides = array<i32>} : memref<8x128xf32, #tpu.memory_space<vmem>>, vector<1x16xf32>,
    %swap3A_100 = vector.shape_cast %swap3A_99 : vector<1x16xf32> to vector<16xf32>
    %swap3A_101 = vector.shape_cast %broadcast_in_dim3A_0 : vector<16xf32> to vector<1x16xf32>
    tpu.vector_store %arg9[%swap3A_97, %swap3A_98], %swap3A_101 {strides = array<i32>} : memref<8x128xf32, #tpu.memory_space<vmem>>, vector<1x16xf32>,
    %swap3A_102 = arith.constant 2 : i32
    %swap3A_103 = arith.index_cast %swap3A_102 : i32 to index
    %swap3A_104 = arith.constant 16 : index
    %swap3A_105 = tpu.vector_load %arg9[%swap3A_103, %swap3A_104] {strides = array<i32>} : memref<8x128xf32, #tpu.memory_space<vmem>>, vector<1x16xf32>,
    %swap3A_106 = vector.shape_cast %swap3A_105 : vector<1x16xf32> to vector<16xf32>
    %swap3A_107 = vector.shape_cast %broadcast_in_dim3A_0 : vector<16xf32> to vector<1x16xf32>
    tpu.vector_store %arg9[%swap3A_103, %swap3A_104], %swap3A_107 {strides = array<i32>} : memref<8x128xf32, #tpu.memory_space<vmem>>, vector<1x16xf32>,
    %swap3A_108 = arith.constant 2 : i32
    %swap3A_109 = arith.index_cast %swap3A_108 : i32 to index
    %swap3A_110 = arith.constant 32 : index
    %swap3A_111 = tpu.vector_load %arg9[%swap3A_109, %swap3A_110] {strides = array<i32>} : memref<8x128xf32, #tpu.memory_space<vmem>>, vector<1x16xf32>,
    %swap3A_112 = vector.shape_cast %swap3A_111 : vector<1x16xf32> to vector<16xf32>
    %swap3A_113 = vector.shape_cast %broadcast_in_dim3A_0 : vector<16xf32> to vector<1x16xf32>
    tpu.vector_store %arg9[%swap3A_109, %swap3A_110], %swap3A_113 {strides = array<i32>} : memref<8x128xf32, #tpu.memory_space<vmem>>, vector<1x16xf32>,
    %swap3A_114 = arith.constant 2 : i32
    %swap3A_115 = arith.index_cast %swap3A_114 : i32 to index
    %swap3A_116 = arith.constant 48 : index
    %swap3A_117 = tpu.vector_load %arg9[%swap3A_115, %swap3A_116] {strides = array<i32>} : memref<8x128xf32, #tpu.memory_space<vmem>>, vector<1x16xf32>,
    %swap3A_118 = vector.shape_cast %swap3A_117 : vector<1x16xf32> to vector<16xf32>
    %swap3A_119 = vector.shape_cast %broadcast_in_dim3A_0 : vector<16xf32> to vector<1x16xf32>
    tpu.vector_store %arg9[%swap3A_115, %swap3A_116], %swap3A_119 {strides = array<i32>} : memref<8x128xf32, #tpu.memory_space<vmem>>, vector<1x16xf32>,
    %swap3A_120 = arith.constant 2 : i32
    %swap3A_121 = arith.index_cast %swap3A_120 : i32 to index
    %swap3A_122 = arith.constant 64 : index
    %swap3A_123 = tpu.vector_load %arg9[%swap3A_121, %swap3A_122] {strides = array<i32>} : memref<8x128xf32, #tpu.memory_space<vmem>>, vector<1x16xf32>,
    %swap3A_124 = vector.shape_cast %swap3A_123 : vector<1x16xf32> to vector<16xf32>
    %swap3A_125 = vector.shape_cast %broadcast_in_dim3A_0 : vector<16xf32> to vector<1x16xf32>
    tpu.vector_store %arg9[%swap3A_121, %swap3A_122], %swap3A_125 {strides = array<i32>} : memref<8x128xf32, #tpu.memory_space<vmem>>, vector<1x16xf32>,
    %swap3A_126 = arith.constant 2 : i32
    %swap3A_127 = arith.index_cast %swap3A_126 : i32 to index
    %swap3A_128 = arith.constant 80 : index
    %swap3A_129 = tpu.vector_load %arg9[%swap3A_127, %swap3A_128] {strides = array<i32>} : memref<8x128xf32, #tpu.memory_space<vmem>>, vector<1x16xf32>,
    %swap3A_130 = vector.shape_cast %swap3A_129 : vector<1x16xf32> to vector<16xf32>
    %swap3A_131 = vector.shape_cast %broadcast_in_dim3A_0 : vector<16xf32> to vector<1x16xf32>
    tpu.vector_store %arg9[%swap3A_127, %swap3A_128], %swap3A_131 {strides = array<i32>} : memref<8x128xf32, #tpu.memory_space<vmem>>, vector<1x16xf32>,
    %swap3A_132 = arith.constant 2 : i32
    %swap3A_133 = arith.index_cast %swap3A_132 : i32 to index
    %swap3A_134 = arith.constant 96 : index
    %swap3A_135 = tpu.vector_load %arg9[%swap3A_133, %swap3A_134] {strides = array<i32>} : memref<8x128xf32, #tpu.memory_space<vmem>>, vector<1x16xf32>,
    %swap3A_136 = vector.shape_cast %swap3A_135 : vector<1x16xf32> to vector<16xf32>
    %swap3A_137 = vector.shape_cast %broadcast_in_dim3A_0 : vector<16xf32> to vector<1x16xf32>
    tpu.vector_store %arg9[%swap3A_133, %swap3A_134], %swap3A_137 {strides = array<i32>} : memref<8x128xf32, #tpu.memory_space<vmem>>, vector<1x16xf32>,
    %swap3A_138 = arith.constant 2 : i32
    %swap3A_139 = arith.index_cast %swap3A_138 : i32 to index
    %swap3A_140 = arith.constant 112 : index
    %swap3A_141 = tpu.vector_load %arg9[%swap3A_139, %swap3A_140] {strides = array<i32>} : memref<8x128xf32, #tpu.memory_space<vmem>>, vector<1x16xf32>,
    %swap3A_142 = vector.shape_cast %swap3A_141 : vector<1x16xf32> to vector<16xf32>
    %swap3A_143 = vector.shape_cast %broadcast_in_dim3A_0 : vector<16xf32> to vector<1x16xf32>
    tpu.vector_store %arg9[%swap3A_139, %swap3A_140], %swap3A_143 {strides = array<i32>} : memref<8x128xf32, #tpu.memory_space<vmem>>, vector<1x16xf32>,
    %swap3A_144 = arith.constant 3 : i32
    %swap3A_145 = arith.index_cast %swap3A_144 : i32 to index
    %swap3A_146 = arith.constant 0 : index
    %swap3A_147 = tpu.vector_load %arg9[%swap3A_145, %swap3A_146] {strides = array<i32>} : memref<8x128xf32, #tpu.memory_space<vmem>>, vector<1x16xf32>,
    %swap3A_148 = vector.shape_cast %swap3A_147 : vector<1x16xf32> to vector<16xf32>
    %swap3A_149 = vector.shape_cast %broadcast_in_dim3A_0 : vector<16xf32> to vector<1x16xf32>
    tpu.vector_store %arg9[%swap3A_145, %swap3A_146], %swap3A_149 {strides = array<i32>} : memref<8x128xf32, #tpu.memory_space<vmem>>, vector<1x16xf32>,
    %swap3A_150 = arith.constant 3 : i32
    %swap3A_151 = arith.index_cast %swap3A_150 : i32 to index
    %swap3A_152 = arith.constant 16 : index
    %swap3A_153 = tpu.vector_load %arg9[%swap3A_151, %swap3A_152] {strides = array<i32>} : memref<8x128xf32, #tpu.memory_space<vmem>>, vector<1x16xf32>,
    %swap3A_154 = vector.shape_cast %swap3A_153 : vector<1x16xf32> to vector<16xf32>
    %swap3A_155 = vector.shape_cast %broadcast_in_dim3A_0 : vector<16xf32> to vector<1x16xf32>
    tpu.vector_store %arg9[%swap3A_151, %swap3A_152], %swap3A_155 {strides = array<i32>} : memref<8x128xf32, #tpu.memory_space<vmem>>, vector<1x16xf32>,
    %swap3A_156 = arith.constant 3 : i32
    %swap3A_157 = arith.index_cast %swap3A_156 : i32 to index
    %swap3A_158 = arith.constant 32 : index
    %swap3A_159 = tpu.vector_load %arg9[%swap3A_157, %swap3A_158] {strides = array<i32>} : memref<8x128xf32, #tpu.memory_space<vmem>>, vector<1x16xf32>,
    %swap3A_160 = vector.shape_cast %swap3A_159 : vector<1x16xf32> to vector<16xf32>
    %swap3A_161 = vector.shape_cast %broadcast_in_dim3A_0 : vector<16xf32> to vector<1x16xf32>
    tpu.vector_store %arg9[%swap3A_157, %swap3A_158], %swap3A_161 {strides = array<i32>} : memref<8x128xf32, #tpu.memory_space<vmem>>, vector<1x16xf32>,
    %swap3A_162 = arith.constant 3 : i32
    %swap3A_163 = arith.index_cast %swap3A_162 : i32 to index
    %swap3A_164 = arith.constant 48 : index
    %swap3A_165 = tpu.vector_load %arg9[%swap3A_163, %swap3A_164] {strides = array<i32>} : memref<8x128xf32, #tpu.memory_space<vmem>>, vector<1x16xf32>,
    %swap3A_166 = vector.shape_cast %swap3A_165 : vector<1x16xf32> to vector<16xf32>
    %swap3A_167 = vector.shape_cast %broadcast_in_dim3A_0 : vector<16xf32> to vector<1x16xf32>
    tpu.vector_store %arg9[%swap3A_163, %swap3A_164], %swap3A_167 {strides = array<i32>} : memref<8x128xf32, #tpu.memory_space<vmem>>, vector<1x16xf32>,
    %swap3A_168 = arith.constant 3 : i32
    %swap3A_169 = arith.index_cast %swap3A_168 : i32 to index
    %swap3A_170 = arith.constant 64 : index
    %swap3A_171 = tpu.vector_load %arg9[%swap3A_169, %swap3A_170] {strides = array<i32>} : memref<8x128xf32, #tpu.memory_space<vmem>>, vector<1x16xf32>,
    %swap3A_172 = vector.shape_cast %swap3A_171 : vector<1x16xf32> to vector<16xf32>
    %swap3A_173 = vector.shape_cast %broadcast_in_dim3A_0 : vector<16xf32> to vector<1x16xf32>
    tpu.vector_store %arg9[%swap3A_169, %swap3A_170], %swap3A_173 {strides = array<i32>} : memref<8x128xf32, #tpu.memory_space<vmem>>, vector<1x16xf32>,
    %swap3A_174 = arith.constant 3 : i32
    %swap3A_175 = arith.index_cast %swap3A_174 : i32 to index
    %swap3A_176 = arith.constant 80 : index
    %swap3A_177 = tpu.vector_load %arg9[%swap3A_175, %swap3A_176] {strides = array<i32>} : memref<8x128xf32, #tpu.memory_space<vmem>>, vector<1x16xf32>,
    %swap3A_178 = vector.shape_cast %swap3A_177 : vector<1x16xf32> to vector<16xf32>
    %swap3A_179 = vector.shape_cast %broadcast_in_dim3A_0 : vector<16xf32> to vector<1x16xf32>
    tpu.vector_store %arg9[%swap3A_175, %swap3A_176], %swap3A_179 {strides = array<i32>} : memref<8x128xf32, #tpu.memory_space<vmem>>, vector<1x16xf32>,
    %swap3A_180 = arith.constant 3 : i32
    %swap3A_181 = arith.index_cast %swap3A_180 : i32 to index
    %swap3A_182 = arith.constant 96 : index
    %swap3A_183 = tpu.vector_load %arg9[%swap3A_181, %swap3A_182] {strides = array<i32>} : memref<8x128xf32, #tpu.memory_space<vmem>>, vector<1x16xf32>,
    %swap3A_184 = vector.shape_cast %swap3A_183 : vector<1x16xf32> to vector<16xf32>
    %swap3A_185 = vector.shape_cast %broadcast_in_dim3A_0 : vector<16xf32> to vector<1x16xf32>
    tpu.vector_store %arg9[%swap3A_181, %swap3A_182], %swap3A_185 {strides = array<i32>} : memref<8x128xf32, #tpu.memory_space<vmem>>, vector<1x16xf32>,
    %swap3A_186 = arith.constant 3 : i32
    %swap3A_187 = arith.index_cast %swap3A_186 : i32 to index
    %swap3A_188 = arith.constant 112 : index
    %swap3A_189 = tpu.vector_load %arg9[%swap3A_187, %swap3A_188] {strides = array<i32>} : memref<8x128xf32, #tpu.memory_space<vmem>>, vector<1x16xf32>,
    %swap3A_190 = vector.shape_cast %swap3A_189 : vector<1x16xf32> to vector<16xf32>
    %swap3A_191 = vector.shape_cast %broadcast_in_dim3A_0 : vector<16xf32> to vector<1x16xf32>
    tpu.vector_store %arg9[%swap3A_187, %swap3A_188], %swap3A_191 {strides = array<i32>} : memref<8x128xf32, #tpu.memory_space<vmem>>, vector<1x16xf32>,
    %swap3A_192 = arith.constant 4 : i32
    %swap3A_193 = arith.index_cast %swap3A_192 : i32 to index
    %swap3A_194 = arith.constant 0 : index
    %swap3A_195 = tpu.vector_load %arg9[%swap3A_193, %swap3A_194] {strides = array<i32>} : memref<8x128xf32, #tpu.memory_space<vmem>>, vector<1x16xf32>,
    %swap3A_196 = vector.shape_cast %swap3A_195 : vector<1x16xf32> to vector<16xf32>
    %swap3A_197 = vector.shape_cast %broadcast_in_dim3A_0 : vector<16xf32> to vector<1x16xf32>
    tpu.vector_store %arg9[%swap3A_193, %swap3A_194], %swap3A_197 {strides = array<i32>} : memref<8x128xf32, #tpu.memory_space<vmem>>, vector<1x16xf32>,
    %swap3A_198 = arith.constant 4 : i32
    %swap3A_199 = arith.index_cast %swap3A_198 : i32 to index
    %swap3A_200 = arith.constant 16 : index
    %swap3A_201 = tpu.vector_load %arg9[%swap3A_199, %swap3A_200] {strides = array<i32>} : memref<8x128xf32, #tpu.memory_space<vmem>>, vector<1x16xf32>,
    %swap3A_202 = vector.shape_cast %swap3A_201 : vector<1x16xf32> to vector<16xf32>
    %swap3A_203 = vector.shape_cast %broadcast_in_dim3A_0 : vector<16xf32> to vector<1x16xf32>
    tpu.vector_store %arg9[%swap3A_199, %swap3A_200], %swap3A_203 {strides = array<i32>} : memref<8x128xf32, #tpu.memory_space<vmem>>, vector<1x16xf32>,
    %swap3A_204 = arith.constant 4 : i32
    %swap3A_205 = arith.index_cast %swap3A_204 : i32 to index
    %swap3A_206 = arith.constant 32 : index
    %swap3A_207 = tpu.vector_load %arg9[%swap3A_205, %swap3A_206] {strides = array<i32>} : memref<8x128xf32, #tpu.memory_space<vmem>>, vector<1x16xf32>,
    %swap3A_208 = vector.shape_cast %swap3A_207 : vector<1x16xf32> to vector<16xf32>
    %swap3A_209 = vector.shape_cast %broadcast_in_dim3A_0 : vector<16xf32> to vector<1x16xf32>
    tpu.vector_store %arg9[%swap3A_205, %swap3A_206], %swap3A_209 {strides = array<i32>} : memref<8x128xf32, #tpu.memory_space<vmem>>, vector<1x16xf32>,
    %swap3A_210 = arith.constant 4 : i32
    %swap3A_211 = arith.index_cast %swap3A_210 : i32 to index
    %swap3A_212 = arith.constant 48 : index
    %swap3A_213 = tpu.vector_load %arg9[%swap3A_211, %swap3A_212] {strides = array<i32>} : memref<8x128xf32, #tpu.memory_space<vmem>>, vector<1x16xf32>,
    %swap3A_214 = vector.shape_cast %swap3A_213 : vector<1x16xf32> to vector<16xf32>
    %swap3A_215 = vector.shape_cast %broadcast_in_dim3A_0 : vector<16xf32> to vector<1x16xf32>
    tpu.vector_store %arg9[%swap3A_211, %swap3A_212], %swap3A_215 {strides = array<i32>} : memref<8x128xf32, #tpu.memory_space<vmem>>, vector<1x16xf32>,
    %swap3A_216 = arith.constant 4 : i32
    %swap3A_217 = arith.index_cast %swap3A_216 : i32 to index
    %swap3A_218 = arith.constant 64 : index
    %swap3A_219 = tpu.vector_load %arg9[%swap3A_217, %swap3A_218] {strides = array<i32>} : memref<8x128xf32, #tpu.memory_space<vmem>>, vector<1x16xf32>,
    %swap3A_220 = vector.shape_cast %swap3A_219 : vector<1x16xf32> to vector<16xf32>
    %swap3A_221 = vector.shape_cast %broadcast_in_dim3A_0 : vector<16xf32> to vector<1x16xf32>
    tpu.vector_store %arg9[%swap3A_217, %swap3A_218], %swap3A_221 {strides = array<i32>} : memref<8x128xf32, #tpu.memory_space<vmem>>, vector<1x16xf32>,
    %swap3A_222 = arith.constant 4 : i32
    %swap3A_223 = arith.index_cast %swap3A_222 : i32 to index
    %swap3A_224 = arith.constant 80 : index
    %swap3A_225 = tpu.vector_load %arg9[%swap3A_223, %swap3A_224] {strides = array<i32>} : memref<8x128xf32, #tpu.memory_space<vmem>>, vector<1x16xf32>,
    %swap3A_226 = vector.shape_cast %swap3A_225 : vector<1x16xf32> to vector<16xf32>
    %swap3A_227 = vector.shape_cast %broadcast_in_dim3A_0 : vector<16xf32> to vector<1x16xf32>
    tpu.vector_store %arg9[%swap3A_223, %swap3A_224], %swap3A_227 {strides = array<i32>} : memref<8x128xf32, #tpu.memory_space<vmem>>, vector<1x16xf32>,
    %swap3A_228 = arith.constant 4 : i32
    %swap3A_229 = arith.index_cast %swap3A_228 : i32 to index
    %swap3A_230 = arith.constant 96 : index
    %swap3A_231 = tpu.vector_load %arg9[%swap3A_229, %swap3A_230] {strides = array<i32>} : memref<8x128xf32, #tpu.memory_space<vmem>>, vector<1x16xf32>,
    %swap3A_232 = vector.shape_cast %swap3A_231 : vector<1x16xf32> to vector<16xf32>
    %swap3A_233 = vector.shape_cast %broadcast_in_dim3A_0 : vector<16xf32> to vector<1x16xf32>
    tpu.vector_store %arg9[%swap3A_229, %swap3A_230], %swap3A_233 {strides = array<i32>} : memref<8x128xf32, #tpu.memory_space<vmem>>, vector<1x16xf32>,
    %swap3A_234 = arith.constant 4 : i32
    %swap3A_235 = arith.index_cast %swap3A_234 : i32 to index
    %swap3A_236 = arith.constant 112 : index
    %swap3A_237 = tpu.vector_load %arg9[%swap3A_235, %swap3A_236] {strides = array<i32>} : memref<8x128xf32, #tpu.memory_space<vmem>>, vector<1x16xf32>,
    %swap3A_238 = vector.shape_cast %swap3A_237 : vector<1x16xf32> to vector<16xf32>
    %swap3A_239 = vector.shape_cast %broadcast_in_dim3A_0 : vector<16xf32> to vector<1x16xf32>
    tpu.vector_store %arg9[%swap3A_235, %swap3A_236], %swap3A_239 {strides = array<i32>} : memref<8x128xf32, #tpu.memory_space<vmem>>, vector<1x16xf32>,
    %swap3A_240 = arith.constant 5 : i32
    %swap3A_241 = arith.index_cast %swap3A_240 : i32 to index
    %swap3A_242 = arith.constant 0 : index
    %swap3A_243 = tpu.vector_load %arg9[%swap3A_241, %swap3A_242] {strides = array<i32>} : memref<8x128xf32, #tpu.memory_space<vmem>>, vector<1x16xf32>,
    %swap3A_244 = vector.shape_cast %swap3A_243 : vector<1x16xf32> to vector<16xf32>
    %swap3A_245 = vector.shape_cast %broadcast_in_dim3A_0 : vector<16xf32> to vector<1x16xf32>
    tpu.vector_store %arg9[%swap3A_241, %swap3A_242], %swap3A_245 {strides = array<i32>} : memref<8x128xf32, #tpu.memory_space<vmem>>, vector<1x16xf32>,
    %swap3A_246 = arith.constant 5 : i32
    %swap3A_247 = arith.index_cast %swap3A_246 : i32 to index
    %swap3A_248 = arith.constant 16 : index
    %swap3A_249 = tpu.vector_load %arg9[%swap3A_247, %swap3A_248] {strides = array<i32>} : memref<8x128xf32, #tpu.memory_space<vmem>>, vector<1x16xf32>,
    %swap3A_250 = vector.shape_cast %swap3A_249 : vector<1x16xf32> to vector<16xf32>
    %swap3A_251 = vector.shape_cast %broadcast_in_dim3A_0 : vector<16xf32> to vector<1x16xf32>
    tpu.vector_store %arg9[%swap3A_247, %swap3A_248], %swap3A_251 {strides = array<i32>} : memref<8x128xf32, #tpu.memory_space<vmem>>, vector<1x16xf32>,
    %swap3A_252 = arith.constant 5 : i32
    %swap3A_253 = arith.index_cast %swap3A_252 : i32 to index
    %swap3A_254 = arith.constant 32 : index
    %swap3A_255 = tpu.vector_load %arg9[%swap3A_253, %swap3A_254] {strides = array<i32>} : memref<8x128xf32, #tpu.memory_space<vmem>>, vector<1x16xf32>,
    %swap3A_256 = vector.shape_cast %swap3A_255 : vector<1x16xf32> to vector<16xf32>
    %swap3A_257 = vector.shape_cast %broadcast_in_dim3A_0 : vector<16xf32> to vector<1x16xf32>
    tpu.vector_store %arg9[%swap3A_253, %swap3A_254], %swap3A_257 {strides = array<i32>} : memref<8x128xf32, #tpu.memory_space<vmem>>, vector<1x16xf32>,
    %swap3A_258 = arith.constant 5 : i32
    %swap3A_259 = arith.index_cast %swap3A_258 : i32 to index
    %swap3A_260 = arith.constant 48 : index
    %swap3A_261 = tpu.vector_load %arg9[%swap3A_259, %swap3A_260] {strides = array<i32>} : memref<8x128xf32, #tpu.memory_space<vmem>>, vector<1x16xf32>,
    %swap3A_262 = vector.shape_cast %swap3A_261 : vector<1x16xf32> to vector<16xf32>
    %swap3A_263 = vector.shape_cast %broadcast_in_dim3A_0 : vector<16xf32> to vector<1x16xf32>
    tpu.vector_store %arg9[%swap3A_259, %swap3A_260], %swap3A_263 {strides = array<i32>} : memref<8x128xf32, #tpu.memory_space<vmem>>, vector<1x16xf32>,
    %swap3A_264 = arith.constant 5 : i32
    %swap3A_265 = arith.index_cast %swap3A_264 : i32 to index
    %swap3A_266 = arith.constant 64 : index
    %swap3A_267 = tpu.vector_load %arg9[%swap3A_265, %swap3A_266] {strides = array<i32>} : memref<8x128xf32, #tpu.memory_space<vmem>>, vector<1x16xf32>,
    %swap3A_268 = vector.shape_cast %swap3A_267 : vector<1x16xf32> to vector<16xf32>
    %swap3A_269 = vector.shape_cast %broadcast_in_dim3A_0 : vector<16xf32> to vector<1x16xf32>
    tpu.vector_store %arg9[%swap3A_265, %swap3A_266], %swap3A_269 {strides = array<i32>} : memref<8x128xf32, #tpu.memory_space<vmem>>, vector<1x16xf32>,
    %swap3A_270 = arith.constant 5 : i32
    %swap3A_271 = arith.index_cast %swap3A_270 : i32 to index
    %swap3A_272 = arith.constant 80 : index
    %swap3A_273 = tpu.vector_load %arg9[%swap3A_271, %swap3A_272] {strides = array<i32>} : memref<8x128xf32, #tpu.memory_space<vmem>>, vector<1x16xf32>,
    %swap3A_274 = vector.shape_cast %swap3A_273 : vector<1x16xf32> to vector<16xf32>
    %swap3A_275 = vector.shape_cast %broadcast_in_dim3A_0 : vector<16xf32> to vector<1x16xf32>
    tpu.vector_store %arg9[%swap3A_271, %swap3A_272], %swap3A_275 {strides = array<i32>} : memref<8x128xf32, #tpu.memory_space<vmem>>, vector<1x16xf32>,
    %swap3A_276 = arith.constant 5 : i32
    %swap3A_277 = arith.index_cast %swap3A_276 : i32 to index
    %swap3A_278 = arith.constant 96 : index
    %swap3A_279 = tpu.vector_load %arg9[%swap3A_277, %swap3A_278] {strides = array<i32>} : memref<8x128xf32, #tpu.memory_space<vmem>>, vector<1x16xf32>,
    %swap3A_280 = vector.shape_cast %swap3A_279 : vector<1x16xf32> to vector<16xf32>
    %swap3A_281 = vector.shape_cast %broadcast_in_dim3A_0 : vector<16xf32> to vector<1x16xf32>
    tpu.vector_store %arg9[%swap3A_277, %swap3A_278], %swap3A_281 {strides = array<i32>} : memref<8x128xf32, #tpu.memory_space<vmem>>, vector<1x16xf32>,
    %swap3A_282 = arith.constant 5 : i32
    %swap3A_283 = arith.index_cast %swap3A_282 : i32 to index
    %swap3A_284 = arith.constant 112 : index
    %swap3A_285 = tpu.vector_load %arg9[%swap3A_283, %swap3A_284] {strides = array<i32>} : memref<8x128xf32, #tpu.memory_space<vmem>>, vector<1x16xf32>,
    %swap3A_286 = vector.shape_cast %swap3A_285 : vector<1x16xf32> to vector<16xf32>
    %swap3A_287 = vector.shape_cast %broadcast_in_dim3A_0 : vector<16xf32> to vector<1x16xf32>
    tpu.vector_store %arg9[%swap3A_283, %swap3A_284], %swap3A_287 {strides = array<i32>} : memref<8x128xf32, #tpu.memory_space<vmem>>, vector<1x16xf32>,
    %swap3A_288 = arith.constant 6 : i32
    %swap3A_289 = arith.index_cast %swap3A_288 : i32 to index
    %swap3A_290 = arith.constant 0 : index
    %swap3A_291 = tpu.vector_load %arg9[%swap3A_289, %swap3A_290] {strides = array<i32>} : memref<8x128xf32, #tpu.memory_space<vmem>>, vector<1x16xf32>,
    %swap3A_292 = vector.shape_cast %swap3A_291 : vector<1x16xf32> to vector<16xf32>
    %swap3A_293 = vector.shape_cast %broadcast_in_dim3A_0 : vector<16xf32> to vector<1x16xf32>
    tpu.vector_store %arg9[%swap3A_289, %swap3A_290], %swap3A_293 {strides = array<i32>} : memref<8x128xf32, #tpu.memory_space<vmem>>, vector<1x16xf32>,
    %swap3A_294 = arith.constant 6 : i32
    %swap3A_295 = arith.index_cast %swap3A_294 : i32 to index
    %swap3A_296 = arith.constant 16 : index
    %swap3A_297 = tpu.vector_load %arg9[%swap3A_295, %swap3A_296] {strides = array<i32>} : memref<8x128xf32, #tpu.memory_space<vmem>>, vector<1x16xf32>,
    %swap3A_298 = vector.shape_cast %swap3A_297 : vector<1x16xf32> to vector<16xf32>
    %swap3A_299 = vector.shape_cast %broadcast_in_dim3A_0 : vector<16xf32> to vector<1x16xf32>
    tpu.vector_store %arg9[%swap3A_295, %swap3A_296], %swap3A_299 {strides = array<i32>} : memref<8x128xf32, #tpu.memory_space<vmem>>, vector<1x16xf32>,
    %swap3A_300 = arith.constant 6 : i32
    %swap3A_301 = arith.index_cast %swap3A_300 : i32 to index
    %swap3A_302 = arith.constant 32 : index
    %swap3A_303 = tpu.vector_load %arg9[%swap3A_301, %swap3A_302] {strides = array<i32>} : memref<8x128xf32, #tpu.memory_space<vmem>>, vector<1x16xf32>,
    %swap3A_304 = vector.shape_cast %swap3A_303 : vector<1x16xf32> to vector<16xf32>
    %swap3A_305 = vector.shape_cast %broadcast_in_dim3A_0 : vector<16xf32> to vector<1x16xf32>
    tpu.vector_store %arg9[%swap3A_301, %swap3A_302], %swap3A_305 {strides = array<i32>} : memref<8x128xf32, #tpu.memory_space<vmem>>, vector<1x16xf32>,
    %swap3A_306 = arith.constant 6 : i32
    %swap3A_307 = arith.index_cast %swap3A_306 : i32 to index
    %swap3A_308 = arith.constant 48 : index
    %swap3A_309 = tpu.vector_load %arg9[%swap3A_307, %swap3A_308] {strides = array<i32>} : memref<8x128xf32, #tpu.memory_space<vmem>>, vector<1x16xf32>,
    %swap3A_310 = vector.shape_cast %swap3A_309 : vector<1x16xf32> to vector<16xf32>
    %swap3A_311 = vector.shape_cast %broadcast_in_dim3A_0 : vector<16xf32> to vector<1x16xf32>
    tpu.vector_store %arg9[%swap3A_307, %swap3A_308], %swap3A_311 {strides = array<i32>} : memref<8x128xf32, #tpu.memory_space<vmem>>, vector<1x16xf32>,
    %swap3A_312 = arith.constant 6 : i32
    %swap3A_313 = arith.index_cast %swap3A_312 : i32 to index
    %swap3A_314 = arith.constant 64 : index
    %swap3A_315 = tpu.vector_load %arg9[%swap3A_313, %swap3A_314] {strides = array<i32>} : memref<8x128xf32, #tpu.memory_space<vmem>>, vector<1x16xf32>,
    %swap3A_316 = vector.shape_cast %swap3A_315 : vector<1x16xf32> to vector<16xf32>
    %swap3A_317 = vector.shape_cast %broadcast_in_dim3A_0 : vector<16xf32> to vector<1x16xf32>
    tpu.vector_store %arg9[%swap3A_313, %swap3A_314], %swap3A_317 {strides = array<i32>} : memref<8x128xf32, #tpu.memory_space<vmem>>, vector<1x16xf32>,
    %swap3A_318 = arith.constant 6 : i32
    %swap3A_319 = arith.index_cast %swap3A_318 : i32 to index
    %swap3A_320 = arith.constant 80 : index
    %swap3A_321 = tpu.vector_load %arg9[%swap3A_319, %swap3A_320] {strides = array<i32>} : memref<8x128xf32, #tpu.memory_space<vmem>>, vector<1x16xf32>,
    %swap3A_322 = vector.shape_cast %swap3A_321 : vector<1x16xf32> to vector<16xf32>
    %swap3A_323 = vector.shape_cast %broadcast_in_dim3A_0 : vector<16xf32> to vector<1x16xf32>
    tpu.vector_store %arg9[%swap3A_319, %swap3A_320], %swap3A_323 {strides = array<i32>} : memref<8x128xf32, #tpu.memory_space<vmem>>, vector<1x16xf32>,
    %swap3A_324 = arith.constant 6 : i32
    %swap3A_325 = arith.index_cast %swap3A_324 : i32 to index
    %swap3A_326 = arith.constant 96 : index
    %swap3A_327 = tpu.vector_load %arg9[%swap3A_325, %swap3A_326] {strides = array<i32>} : memref<8x128xf32, #tpu.memory_space<vmem>>, vector<1x16xf32>,
    %swap3A_328 = vector.shape_cast %swap3A_327 : vector<1x16xf32> to vector<16xf32>
    %swap3A_329 = vector.shape_cast %broadcast_in_dim3A_0 : vector<16xf32> to vector<1x16xf32>
    tpu.vector_store %arg9[%swap3A_325, %swap3A_326], %swap3A_329 {strides = array<i32>} : memref<8x128xf32, #tpu.memory_space<vmem>>, vector<1x16xf32>,
    %swap3A_330 = arith.constant 6 : i32
    %swap3A_331 = arith.index_cast %swap3A_330 : i32 to index
    %swap3A_332 = arith.constant 112 : index
    %swap3A_333 = tpu.vector_load %arg9[%swap3A_331, %swap3A_332] {strides = array<i32>} : memref<8x128xf32, #tpu.memory_space<vmem>>, vector<1x16xf32>,
    %swap3A_334 = vector.shape_cast %swap3A_333 : vector<1x16xf32> to vector<16xf32>
    %swap3A_335 = vector.shape_cast %broadcast_in_dim3A_0 : vector<16xf32> to vector<1x16xf32>
    tpu.vector_store %arg9[%swap3A_331, %swap3A_332], %swap3A_335 {strides = array<i32>} : memref<8x128xf32, #tpu.memory_space<vmem>>, vector<1x16xf32>,
    %swap3A_336 = arith.constant 7 : i32
    %swap3A_337 = arith.index_cast %swap3A_336 : i32 to index
    %swap3A_338 = arith.constant 0 : index
    %swap3A_339 = tpu.vector_load %arg9[%swap3A_337, %swap3A_338] {strides = array<i32>} : memref<8x128xf32, #tpu.memory_space<vmem>>, vector<1x16xf32>,
    %swap3A_340 = vector.shape_cast %swap3A_339 : vector<1x16xf32> to vector<16xf32>
    %swap3A_341 = vector.shape_cast %broadcast_in_dim3A_0 : vector<16xf32> to vector<1x16xf32>
    tpu.vector_store %arg9[%swap3A_337, %swap3A_338], %swap3A_341 {strides = array<i32>} : memref<8x128xf32, #tpu.memory_space<vmem>>, vector<1x16xf32>,
    %swap3A_342 = arith.constant 7 : i32
    %swap3A_343 = arith.index_cast %swap3A_342 : i32 to index
    %swap3A_344 = arith.constant 16 : index
    %swap3A_345 = tpu.vector_load %arg9[%swap3A_343, %swap3A_344] {strides = array<i32>} : memref<8x128xf32, #tpu.memory_space<vmem>>, vector<1x16xf32>,
    %swap3A_346 = vector.shape_cast %swap3A_345 : vector<1x16xf32> to vector<16xf32>
    %swap3A_347 = vector.shape_cast %broadcast_in_dim3A_0 : vector<16xf32> to vector<1x16xf32>
    tpu.vector_store %arg9[%swap3A_343, %swap3A_344], %swap3A_347 {strides = array<i32>} : memref<8x128xf32, #tpu.memory_space<vmem>>, vector<1x16xf32>,
    %swap3A_348 = arith.constant 7 : i32
    %swap3A_349 = arith.index_cast %swap3A_348 : i32 to index
    %swap3A_350 = arith.constant 32 : index
    %swap3A_351 = tpu.vector_load %arg9[%swap3A_349, %swap3A_350] {strides = array<i32>} : memref<8x128xf32, #tpu.memory_space<vmem>>, vector<1x16xf32>,
    %swap3A_352 = vector.shape_cast %swap3A_351 : vector<1x16xf32> to vector<16xf32>
    %swap3A_353 = vector.shape_cast %broadcast_in_dim3A_0 : vector<16xf32> to vector<1x16xf32>
    tpu.vector_store %arg9[%swap3A_349, %swap3A_350], %swap3A_353 {strides = array<i32>} : memref<8x128xf32, #tpu.memory_space<vmem>>, vector<1x16xf32>,
    %swap3A_354 = arith.constant 7 : i32
    %swap3A_355 = arith.index_cast %swap3A_354 : i32 to index
    %swap3A_356 = arith.constant 48 : index
    %swap3A_357 = tpu.vector_load %arg9[%swap3A_355, %swap3A_356] {strides = array<i32>} : memref<8x128xf32, #tpu.memory_space<vmem>>, vector<1x16xf32>,
    %swap3A_358 = vector.shape_cast %swap3A_357 : vector<1x16xf32> to vector<16xf32>
    %swap3A_359 = vector.shape_cast %broadcast_in_dim3A_0 : vector<16xf32> to vector<1x16xf32>
    tpu.vector_store %arg9[%swap3A_355, %swap3A_356], %swap3A_359 {strides = array<i32>} : memref<8x128xf32, #tpu.memory_space<vmem>>, vector<1x16xf32>,
    %swap3A_360 = arith.constant 7 : i32
    %swap3A_361 = arith.index_cast %swap3A_360 : i32 to index
    %swap3A_362 = arith.constant 64 : index
    %swap3A_363 = tpu.vector_load %arg9[%swap3A_361, %swap3A_362] {strides = array<i32>} : memref<8x128xf32, #tpu.memory_space<vmem>>, vector<1x16xf32>,
    %swap3A_364 = vector.shape_cast %swap3A_363 : vector<1x16xf32> to vector<16xf32>
    %swap3A_365 = vector.shape_cast %broadcast_in_dim3A_0 : vector<16xf32> to vector<1x16xf32>
    tpu.vector_store %arg9[%swap3A_361, %swap3A_362], %swap3A_365 {strides = array<i32>} : memref<8x128xf32, #tpu.memory_space<vmem>>, vector<1x16xf32>,
    %swap3A_366 = arith.constant 7 : i32
    %swap3A_367 = arith.index_cast %swap3A_366 : i32 to index
    %swap3A_368 = arith.constant 80 : index
    %swap3A_369 = tpu.vector_load %arg9[%swap3A_367, %swap3A_368] {strides = array<i32>} : memref<8x128xf32, #tpu.memory_space<vmem>>, vector<1x16xf32>,
    %swap3A_370 = vector.shape_cast %swap3A_369 : vector<1x16xf32> to vector<16xf32>
    %swap3A_371 = vector.shape_cast %broadcast_in_dim3A_0 : vector<16xf32> to vector<1x16xf32>
    tpu.vector_store %arg9[%swap3A_367, %swap3A_368], %swap3A_371 {strides = array<i32>} : memref<8x128xf32, #tpu.memory_space<vmem>>, vector<1x16xf32>,
    %swap3A_372 = arith.constant 7 : i32
    %swap3A_373 = arith.index_cast %swap3A_372 : i32 to index
    %swap3A_374 = arith.constant 96 : index
    %swap3A_375 = tpu.vector_load %arg9[%swap3A_373, %swap3A_374] {strides = array<i32>} : memref<8x128xf32, #tpu.memory_space<vmem>>, vector<1x16xf32>,
    %swap3A_376 = vector.shape_cast %swap3A_375 : vector<1x16xf32> to vector<16xf32>
    %swap3A_377 = vector.shape_cast %broadcast_in_dim3A_0 : vector<16xf32> to vector<1x16xf32>
    tpu.vector_store %arg9[%swap3A_373, %swap3A_374], %swap3A_377 {strides = array<i32>} : memref<8x128xf32, #tpu.memory_space<vmem>>, vector<1x16xf32>,
    %swap3A_378 = arith.constant 7 : i32
    %swap3A_379 = arith.index_cast %swap3A_378 : i32 to index
    %swap3A_380 = arith.constant 112 : index
    %swap3A_381 = tpu.vector_load %arg9[%swap3A_379, %swap3A_380] {strides = array<i32>} : memref<8x128xf32, #tpu.memory_space<vmem>>, vector<1x16xf32>,
    %swap3A_382 = vector.shape_cast %swap3A_381 : vector<1x16xf32> to vector<16xf32>
    %swap3A_383 = vector.shape_cast %broadcast_in_dim3A_0 : vector<16xf32> to vector<1x16xf32>
    tpu.vector_store %arg9[%swap3A_379, %swap3A_380], %swap3A_383 {strides = array<i32>} : memref<8x128xf32, #tpu.memory_space<vmem>>, vector<1x16xf32>,
    %scan3A = arith.constant 0 : i32
    %scan3A_384 = arith.constant 0 : i32
    %scan3A_385 = arith.constant 87 : i32
    %scan3A_386 = arith.addi %scan3A_384, %scan3A_385 : i32
    %scan3A_387 = arith.constant 1 : i32
    scf.for %scan3A_435 = %scan3A_384 to %scan3A_386 step %scan3A_387  : i32 {
      %lt3A = arith.constant 79 : i32
      %lt3A_436 = arith.cmpi slt, %scan3A_435, %lt3A : i32
      %convert_element_type3A = arith.extui %lt3A_436 : i1 to i32
      %cond3A = arith.constant 0 : i32
      %cond3A_437 = arith.cmpi ne, %convert_element_type3A, %cond3A : i32
      scf.if %cond3A_437 {
        %mul3A_442 = arith.constant 632 : i32
        %mul3A_443 = arith.muli %arg1, %mul3A_442 : i32
        %mul3A_444 = arith.constant 8 : i32
        %mul3A_445 = arith.muli %scan3A_435, %mul3A_444 : i32
        %add3A_446 = arith.addi %mul3A_443, %mul3A_445 : i32
        %dma_start3A_447 = arith.constant 0 : i32
        %dma_start3A_448 = tpu.memref_slice %arg10[%add3A_446, %dma_start3A_447] : memref<10112x128xf32, #tpu.memory_space<vmem_shared>> -> memref<8x128xf32, #tpu.memory_space<vmem_shared>>
        %dma_start3A_449 = arith.constant 0 : i32
        %dma_start3A_450 = tpu.memref_slice %arg10[%add3A_446, %dma_start3A_449] : memref<10112x128xf32, #tpu.memory_space<vmem_shared>> -> memref<8x128xf32, #tpu.memory_space<vmem_shared>>
        tpu.enqueue_dma source(%arg9 : memref<8x128xf32, #tpu.memory_space<vmem>>) target(%dma_start3A_450 : memref<8x128xf32, #tpu.memory_space<vmem_shared>>) target_semaphore(%arg11 : memref<!tpu.dma_semaphore, #tpu.memory_space<semaphore_mem>>)
      } else {
      }
      %ge3A = arith.constant 8 : i32
      %ge3A_438 = arith.cmpi sge, %scan3A_435, %ge3A : i32
      %convert_element_type3A_439 = arith.extui %ge3A_438 : i1 to i32
      %cond3A_440 = arith.constant 0 : i32
      %cond3A_441 = arith.cmpi ne, %convert_element_type3A_439, %cond3A_440 : i32
      scf.if %cond3A_441 {
        %mul3A_442 = arith.constant 632 : i32
        %mul3A_443 = arith.muli %arg1, %mul3A_442 : i32
        %dma_wait3A_444 = arith.constant 0 : i32
        %dma_wait3A_445 = tpu.memref_slice %arg10[%mul3A_443, %dma_wait3A_444] : memref<10112x128xf32, #tpu.memory_space<vmem_shared>> -> memref<8x128xf32, #tpu.memory_space<vmem_shared>>
        %dma_wait3A_446 = arith.constant 0 : i32
        %dma_wait3A_447 = tpu.memref_slice %arg10[%mul3A_443, %dma_wait3A_446] : memref<10112x128xf32, #tpu.memory_space<vmem_shared>> -> memref<8x128xf32, #tpu.memory_space<vmem_shared>>
        tpu.wait_dma2 semaphore(%arg11 : memref<!tpu.dma_semaphore, #tpu.memory_space<semaphore_mem>>) src(%arg9 : memref<8x128xf32, #tpu.memory_space<vmem>>) dst(%dma_wait3A_447 : memref<8x128xf32, #tpu.memory_space<vmem_shared>>)
      } else {
      }
    }
    %scan3A_388 = arith.constant 87 : i32
    %eq3A = arith.constant 0 : i32
    %eq3A_389 = arith.cmpi eq, %arg0, %eq3A : i32
    %mul3A = arith.constant 152 : i32
    %mul3A_390 = arith.muli %arg1, %mul3A : i32
    %mul3A_391 = arith.constant 8 : i32
    %mul3A_392 = arith.muli %arg1, %mul3A_391 : i32
    %add3A = arith.constant 2432 : i32
    %add3A_393 = arith.addi %add3A, %mul3A_392 : i32
    %select_n3A = arith.select %eq3A_389, %mul3A_390, %add3A_393 : i32
    %eq3A_394 = arith.constant 0 : i32
    %eq3A_395 = arith.cmpi eq, %arg0, %eq3A_394 : i32
    %jit3A = arith.constant 152 : i32
    %jit3A_396 = arith.constant 8 : i32
    %select_n3A_397 = arith.select %eq3A_395, %jit3A, %jit3A_396 : i32
    "tpu.region"() ({
      %run_scoped3A = tpu.sem_alloc : memref<!tpu.dma_semaphore, #tpu.memory_space<semaphore_mem>>
      %dma_start3A_435 = arith.constant 0 : i32
      %dma_start3A_436 = arith.constant 0 : i32
      %dma_start3A_437 = tpu.memref_slice %arg6[%dma_start3A_435, %dma_start3A_436] : memref<48x128xi32, #tpu.memory_space<vmem>> -> memref<24x128xi32, #tpu.memory_space<vmem>>
      %dma_start3A_438 = arith.constant 0 : i32
      %dma_start3A_439 = tpu.memref_slice %arg3[%select_n3A, %dma_start3A_438] : memref<2584x128xi32, #tpu.memory_space<hbm>> -> memref<24x128xi32, #tpu.memory_space<hbm>>
      %dma_start3A_440 = arith.constant 0 : i32
      %dma_start3A_441 = arith.constant 0 : i32
      %dma_start3A_442 = tpu.memref_slice %arg6[%dma_start3A_440, %dma_start3A_441] : memref<48x128xi32, #tpu.memory_space<vmem>> -> memref<24x128xi32, #tpu.memory_space<vmem>>
      %dma_start3A_443 = arith.constant 0 : i32
      %dma_start3A_444 = tpu.memref_slice %arg3[%select_n3A, %dma_start3A_443] : memref<2584x128xi32, #tpu.memory_space<hbm>> -> memref<24x128xi32, #tpu.memory_space<hbm>>
      tpu.enqueue_dma source(%dma_start3A_444 : memref<24x128xi32, #tpu.memory_space<hbm>>) target(%dma_start3A_442 : memref<24x128xi32, #tpu.memory_space<vmem>>) target_semaphore(%run_scoped3A : memref<!tpu.dma_semaphore, #tpu.memory_space<semaphore_mem>>)
      %dma_wait3A_445 = arith.constant 0 : i32
      %dma_wait3A_446 = arith.constant 0 : i32
      %dma_wait3A_447 = tpu.memref_slice %arg6[%dma_wait3A_445, %dma_wait3A_446] : memref<48x128xi32, #tpu.memory_space<vmem>> -> memref<24x128xi32, #tpu.memory_space<vmem>>
      %dma_wait3A_448 = arith.constant 0 : i32
      %dma_wait3A_449 = tpu.memref_slice %arg3[%select_n3A, %dma_wait3A_448] : memref<2584x128xi32, #tpu.memory_space<hbm>> -> memref<24x128xi32, #tpu.memory_space<hbm>>
      %dma_wait3A_450 = arith.constant 0 : i32
      %dma_wait3A_451 = arith.constant 0 : i32
      %dma_wait3A_452 = tpu.memref_slice %arg6[%dma_wait3A_450, %dma_wait3A_451] : memref<48x128xi32, #tpu.memory_space<vmem>> -> memref<24x128xi32, #tpu.memory_space<vmem>>
      %dma_wait3A_453 = arith.constant 0 : i32
      %dma_wait3A_454 = tpu.memref_slice %arg3[%select_n3A, %dma_wait3A_453] : memref<2584x128xi32, #tpu.memory_space<hbm>> -> memref<24x128xi32, #tpu.memory_space<hbm>>
      tpu.wait_dma2 semaphore(%run_scoped3A : memref<!tpu.dma_semaphore, #tpu.memory_space<semaphore_mem>>) src(%dma_wait3A_454 : memref<24x128xi32, #tpu.memory_space<hbm>>) dst(%dma_wait3A_452 : memref<24x128xi32, #tpu.memory_space<vmem>>)
      tpu.yield
    }) : () -> ()
    "tpu.region"() ({
      %run_scoped3A = tpu.sem_alloc : memref<!tpu.dma_semaphore, #tpu.memory_space<semaphore_mem>>
      %dma_start3A_435 = arith.constant 0 : i32
      %dma_start3A_436 = arith.constant 0 : i32
      %dma_start3A_437 = tpu.memref_slice %arg7[%dma_start3A_435, %dma_start3A_436] : memref<48x128xi32, #tpu.memory_space<vmem>> -> memref<24x128xi32, #tpu.memory_space<vmem>>
      %dma_start3A_438 = arith.constant 0 : i32
      %dma_start3A_439 = tpu.memref_slice %arg4[%select_n3A, %dma_start3A_438] : memref<2584x128xi32, #tpu.memory_space<hbm>> -> memref<24x128xi32, #tpu.memory_space<hbm>>
      %dma_start3A_440 = arith.constant 0 : i32
      %dma_start3A_441 = arith.constant 0 : i32
      %dma_start3A_442 = tpu.memref_slice %arg7[%dma_start3A_440, %dma_start3A_441] : memref<48x128xi32, #tpu.memory_space<vmem>> -> memref<24x128xi32, #tpu.memory_space<vmem>>
      %dma_start3A_443 = arith.constant 0 : i32
      %dma_start3A_444 = tpu.memref_slice %arg4[%select_n3A, %dma_start3A_443] : memref<2584x128xi32, #tpu.memory_space<hbm>> -> memref<24x128xi32, #tpu.memory_space<hbm>>
      tpu.enqueue_dma source(%dma_start3A_444 : memref<24x128xi32, #tpu.memory_space<hbm>>) target(%dma_start3A_442 : memref<24x128xi32, #tpu.memory_space<vmem>>) target_semaphore(%run_scoped3A : memref<!tpu.dma_semaphore, #tpu.memory_space<semaphore_mem>>)
      %dma_wait3A_445 = arith.constant 0 : i32
      %dma_wait3A_446 = arith.constant 0 : i32
      %dma_wait3A_447 = tpu.memref_slice %arg7[%dma_wait3A_445, %dma_wait3A_446] : memref<48x128xi32, #tpu.memory_space<vmem>> -> memref<24x128xi32, #tpu.memory_space<vmem>>
      %dma_wait3A_448 = arith.constant 0 : i32
      %dma_wait3A_449 = tpu.memref_slice %arg4[%select_n3A, %dma_wait3A_448] : memref<2584x128xi32, #tpu.memory_space<hbm>> -> memref<24x128xi32, #tpu.memory_space<hbm>>
      %dma_wait3A_450 = arith.constant 0 : i32
      %dma_wait3A_451 = arith.constant 0 : i32
      %dma_wait3A_452 = tpu.memref_slice %arg7[%dma_wait3A_450, %dma_wait3A_451] : memref<48x128xi32, #tpu.memory_space<vmem>> -> memref<24x128xi32, #tpu.memory_space<vmem>>
      %dma_wait3A_453 = arith.constant 0 : i32
      %dma_wait3A_454 = tpu.memref_slice %arg4[%select_n3A, %dma_wait3A_453] : memref<2584x128xi32, #tpu.memory_space<hbm>> -> memref<24x128xi32, #tpu.memory_space<hbm>>
      tpu.wait_dma2 semaphore(%run_scoped3A : memref<!tpu.dma_semaphore, #tpu.memory_space<semaphore_mem>>) src(%dma_wait3A_454 : memref<24x128xi32, #tpu.memory_space<hbm>>) dst(%dma_wait3A_452 : memref<24x128xi32, #tpu.memory_space<vmem>>)
      tpu.yield
    }) : () -> ()
    %barrier3A = arith.constant 0 : index
    tpu.barrier barrier_id(%barrier3A)
    %dma_start3A = arith.constant 0 : i32
    %dma_start3A_398 = arith.constant 0 : i32
    %dma_start3A_399 = arith.constant 0 : i32
    %dma_start3A_400 = tpu.memref_slice %arg8[%dma_start3A_398, %dma_start3A_399] : memref<256x128xf32, #tpu.memory_space<vmem>> -> memref<128x128xf32, #tpu.memory_space<vmem>>
    %dma_start3A_401 = arith.constant 0 : i32
    %dma_start3A_402 = tpu.memref_slice %arg6[%dma_start3A, %dma_start3A_401] : memref<48x128xi32, #tpu.memory_space<vmem>> -> memref<1x128xi32, #tpu.memory_space<vmem>>
    %dma_start3A_403 = tpu.memref_squeeze %dma_start3A_402 : memref<1x128xi32, #tpu.memory_space<vmem>> -> memref<128xi32, #tpu.memory_space<vmem>>
    %dma_start3A_404 = arith.constant 0 : i32
    %dma_start3A_405 = arith.constant 0 : i32
    %dma_start3A_406 = tpu.memref_slice %arg2[%dma_start3A_404, %dma_start3A_405] : memref<10112x128xf32, #tpu.memory_space<hbm>> -> memref<10112x128xf32, #tpu.memory_space<hbm>>
    tpu.enqueue_indirect_dma source(%dma_start3A_406 : memref<10112x128xf32, #tpu.memory_space<hbm>>) target(%dma_start3A_400 : memref<128x128xf32, #tpu.memory_space<vmem>>) offsets(%dma_start3A_403 : memref<128xi32, #tpu.memory_space<vmem>>) semaphore(%arg11 : memref<!tpu.dma_semaphore, #tpu.memory_space<semaphore_mem>>)
    %while3A = arith.constant 0 : i32
    %while3A_407 = arith.constant 0 : i32
    %while3A_408 = arith.subi %select_n3A_397, %while3A_407 : i32
    %while3A_409 = arith.addi %while3A_407, %while3A_408 : i32
    %while3A_410 = arith.constant 1 : i32
    %while3A_411 = arith.divsi %while3A_408, %while3A_410 : i32
    %while3A_412 = arith.muli %while3A_411, %while3A_410 : i32
    %while3A_413 = arith.addi %while3A_407, %while3A_412 : i32
    %while3A_414 = arith.constant 1 : i32
    scf.for %while3A_435 = %while3A_407 to %while3A_413 step %while3A_414  : i32 {
      %rem3A = arith.constant 2 : i32
      %rem3A_436 = arith.remsi %while3A_435, %rem3A : i32
      %mul3A_437 = arith.constant 128 : i32
      %mul3A_438 = arith.muli %rem3A_436, %mul3A_437 : i32
      %add3A_439 = arith.constant 1 : i32
      %add3A_440 = arith.addi %while3A_435, %add3A_439 : i32
      %rem3A_441 = arith.constant 48 : i32
      %rem3A_442 = arith.remsi %add3A_440, %rem3A_441 : i32
      %dma_wait3A_443 = arith.constant 0 : i32
      %dma_wait3A_444 = arith.constant 0 : i32
      %dma_wait3A_445 = tpu.memref_slice %arg8[%dma_wait3A_443, %dma_wait3A_444] : memref<256x128xf32, #tpu.memory_space<vmem>> -> memref<128x128xf32, #tpu.memory_space<vmem>>
      %dma_wait3A_446 = arith.constant 0 : i32
      %dma_wait3A_447 = arith.constant 0 : i32
      %dma_wait3A_448 = tpu.memref_slice %arg2[%dma_wait3A_446, %dma_wait3A_447] : memref<10112x128xf32, #tpu.memory_space<hbm>> -> memref<128x128xf32, #tpu.memory_space<hbm>>
      %dma_wait3A_449 = arith.constant 0 : i32
      %dma_wait3A_450 = arith.constant 0 : i32
      %dma_wait3A_451 = tpu.memref_slice %arg8[%dma_wait3A_449, %dma_wait3A_450] : memref<256x128xf32, #tpu.memory_space<vmem>> -> memref<128x128xf32, #tpu.memory_space<vmem>>
      %dma_wait3A_452 = arith.constant 0 : i32
      %dma_wait3A_453 = arith.constant 0 : i32
      %dma_wait3A_454 = tpu.memref_slice %arg2[%dma_wait3A_452, %dma_wait3A_453] : memref<10112x128xf32, #tpu.memory_space<hbm>> -> memref<128x128xf32, #tpu.memory_space<hbm>>
      tpu.wait_dma2 semaphore(%arg11 : memref<!tpu.dma_semaphore, #tpu.memory_space<semaphore_mem>>) src(%dma_wait3A_454 : memref<128x128xf32, #tpu.memory_space<hbm>>) dst(%dma_wait3A_451 : memref<128x128xf32, #tpu.memory_space<vmem>>)
      %add3A_455 = arith.constant 1 : i32
      %add3A_456 = arith.addi %while3A_435, %add3A_455 : i32
      %rem3A_457 = arith.constant 24 : i32
      %rem3A_458 = arith.remsi %add3A_456, %rem3A_457 : i32
      %eq3A_459 = arith.constant 0 : i32
      %eq3A_460 = arith.cmpi eq, %rem3A_458, %eq3A_459 : i32
      %convert_element_type3A = arith.extui %eq3A_460 : i1 to i32
      %cond3A = arith.constant 0 : i32
      %cond3A_461 = arith.cmpi ne, %convert_element_type3A, %cond3A : i32
      scf.if %cond3A_461 {
        %add3A_473 = arith.addi %select_n3A, %while3A_435 : i32
        %add3A_474 = arith.constant 1 : i32
        %add3A_475 = arith.addi %add3A_473, %add3A_474 : i32
        %multiple_of3A = tpu.assume_multiple %add3A_475, 8 : i32
        %multiple_of3A_476 = tpu.assume_multiple %rem3A_442, 8 : i32
        "tpu.region"() ({
          %run_scoped3A = tpu.sem_alloc : memref<!tpu.dma_semaphore, #tpu.memory_space<semaphore_mem>>
          %dma_start3A_477 = arith.constant 0 : i32
          %dma_start3A_478 = tpu.memref_slice %arg6[%multiple_of3A_476, %dma_start3A_477] : memref<48x128xi32, #tpu.memory_space<vmem>> -> memref<24x128xi32, #tpu.memory_space<vmem>>
          %dma_start3A_479 = arith.constant 0 : i32
          %dma_start3A_480 = tpu.memref_slice %arg3[%multiple_of3A, %dma_start3A_479] : memref<2584x128xi32, #tpu.memory_space<hbm>> -> memref<24x128xi32, #tpu.memory_space<hbm>>
          %dma_start3A_481 = arith.constant 0 : i32
          %dma_start3A_482 = tpu.memref_slice %arg6[%multiple_of3A_476, %dma_start3A_481] : memref<48x128xi32, #tpu.memory_space<vmem>> -> memref<24x128xi32, #tpu.memory_space<vmem>>
          %dma_start3A_483 = arith.constant 0 : i32
          %dma_start3A_484 = tpu.memref_slice %arg3[%multiple_of3A, %dma_start3A_483] : memref<2584x128xi32, #tpu.memory_space<hbm>> -> memref<24x128xi32, #tpu.memory_space<hbm>>
          tpu.enqueue_dma source(%dma_start3A_484 : memref<24x128xi32, #tpu.memory_space<hbm>>) target(%dma_start3A_482 : memref<24x128xi32, #tpu.memory_space<vmem>>) target_semaphore(%run_scoped3A : memref<!tpu.dma_semaphore, #tpu.memory_space<semaphore_mem>>)
          %dma_wait3A_485 = arith.constant 0 : i32
          %dma_wait3A_486 = tpu.memref_slice %arg6[%multiple_of3A_476, %dma_wait3A_485] : memref<48x128xi32, #tpu.memory_space<vmem>> -> memref<24x128xi32, #tpu.memory_space<vmem>>
          %dma_wait3A_487 = arith.constant 0 : i32
          %dma_wait3A_488 = tpu.memref_slice %arg3[%multiple_of3A, %dma_wait3A_487] : memref<2584x128xi32, #tpu.memory_space<hbm>> -> memref<24x128xi32, #tpu.memory_space<hbm>>
          %dma_wait3A_489 = arith.constant 0 : i32
          %dma_wait3A_490 = tpu.memref_slice %arg6[%multiple_of3A_476, %dma_wait3A_489] : memref<48x128xi32, #tpu.memory_space<vmem>> -> memref<24x128xi32, #tpu.memory_space<vmem>>
          %dma_wait3A_491 = arith.constant 0 : i32
          %dma_wait3A_492 = tpu.memref_slice %arg3[%multiple_of3A, %dma_wait3A_491] : memref<2584x128xi32, #tpu.memory_space<hbm>> -> memref<24x128xi32, #tpu.memory_space<hbm>>
          tpu.wait_dma2 semaphore(%run_scoped3A : memref<!tpu.dma_semaphore, #tpu.memory_space<semaphore_mem>>) src(%dma_wait3A_492 : memref<24x128xi32, #tpu.memory_space<hbm>>) dst(%dma_wait3A_490 : memref<24x128xi32, #tpu.memory_space<vmem>>)
          tpu.yield
        }) : () -> ()
        "tpu.region"() ({
          %run_scoped3A = tpu.sem_alloc : memref<!tpu.dma_semaphore, #tpu.memory_space<semaphore_mem>>
          %dma_start3A_477 = arith.constant 0 : i32
          %dma_start3A_478 = tpu.memref_slice %arg7[%multiple_of3A_476, %dma_start3A_477] : memref<48x128xi32, #tpu.memory_space<vmem>> -> memref<24x128xi32, #tpu.memory_space<vmem>>
          %dma_start3A_479 = arith.constant 0 : i32
          %dma_start3A_480 = tpu.memref_slice %arg4[%multiple_of3A, %dma_start3A_479] : memref<2584x128xi32, #tpu.memory_space<hbm>> -> memref<24x128xi32, #tpu.memory_space<hbm>>
          %dma_start3A_481 = arith.constant 0 : i32
          %dma_start3A_482 = tpu.memref_slice %arg7[%multiple_of3A_476, %dma_start3A_481] : memref<48x128xi32, #tpu.memory_space<vmem>> -> memref<24x128xi32, #tpu.memory_space<vmem>>
          %dma_start3A_483 = arith.constant 0 : i32
          %dma_start3A_484 = tpu.memref_slice %arg4[%multiple_of3A, %dma_start3A_483] : memref<2584x128xi32, #tpu.memory_space<hbm>> -> memref<24x128xi32, #tpu.memory_space<hbm>>
          tpu.enqueue_dma source(%dma_start3A_484 : memref<24x128xi32, #tpu.memory_space<hbm>>) target(%dma_start3A_482 : memref<24x128xi32, #tpu.memory_space<vmem>>) target_semaphore(%run_scoped3A : memref<!tpu.dma_semaphore, #tpu.memory_space<semaphore_mem>>)
          %dma_wait3A_485 = arith.constant 0 : i32
          %dma_wait3A_486 = tpu.memref_slice %arg7[%multiple_of3A_476, %dma_wait3A_485] : memref<48x128xi32, #tpu.memory_space<vmem>> -> memref<24x128xi32, #tpu.memory_space<vmem>>
          %dma_wait3A_487 = arith.constant 0 : i32
          %dma_wait3A_488 = tpu.memref_slice %arg4[%multiple_of3A, %dma_wait3A_487] : memref<2584x128xi32, #tpu.memory_space<hbm>> -> memref<24x128xi32, #tpu.memory_space<hbm>>
          %dma_wait3A_489 = arith.constant 0 : i32
          %dma_wait3A_490 = tpu.memref_slice %arg7[%multiple_of3A_476, %dma_wait3A_489] : memref<48x128xi32, #tpu.memory_space<vmem>> -> memref<24x128xi32, #tpu.memory_space<vmem>>
          %dma_wait3A_491 = arith.constant 0 : i32
          %dma_wait3A_492 = tpu.memref_slice %arg4[%multiple_of3A, %dma_wait3A_491] : memref<2584x128xi32, #tpu.memory_space<hbm>> -> memref<24x128xi32, #tpu.memory_space<hbm>>
          tpu.wait_dma2 semaphore(%run_scoped3A : memref<!tpu.dma_semaphore, #tpu.memory_space<semaphore_mem>>) src(%dma_wait3A_492 : memref<24x128xi32, #tpu.memory_space<hbm>>) dst(%dma_wait3A_490 : memref<24x128xi32, #tpu.memory_space<vmem>>)
          tpu.yield
        }) : () -> ()
      } else {
      }
      %sub3A = arith.constant 128 : i32
      %sub3A_462 = arith.subi %sub3A, %mul3A_438 : i32
      %dma_start3A_463 = arith.constant 0 : i32
      %dma_start3A_464 = tpu.memref_slice %arg8[%sub3A_462, %dma_start3A_463] : memref<256x128xf32, #tpu.memory_space<vmem>> -> memref<128x128xf32, #tpu.memory_space<vmem>>
      %dma_start3A_465 = arith.constant 0 : i32
      %dma_start3A_466 = tpu.memref_slice %arg6[%rem3A_442, %dma_start3A_465] : memref<48x128xi32, #tpu.memory_space<vmem>> -> memref<1x128xi32, #tpu.memory_space<vmem>>
      %dma_start3A_467 = tpu.memref_squeeze %dma_start3A_466 : memref<1x128xi32, #tpu.memory_space<vmem>> -> memref<128xi32, #tpu.memory_space<vmem>>
      %dma_start3A_468 = arith.constant 0 : i32
      %dma_start3A_469 = arith.constant 0 : i32
      %dma_start3A_470 = tpu.memref_slice %arg2[%dma_start3A_468, %dma_start3A_469] : memref<10112x128xf32, #tpu.memory_space<hbm>> -> memref<10112x128xf32, #tpu.memory_space<hbm>>
      tpu.enqueue_indirect_dma source(%dma_start3A_470 : memref<10112x128xf32, #tpu.memory_space<hbm>>) target(%dma_start3A_464 : memref<128x128xf32, #tpu.memory_space<vmem>>) offsets(%dma_start3A_467 : memref<128xi32, #tpu.memory_space<vmem>>) semaphore(%arg11 : memref<!tpu.dma_semaphore, #tpu.memory_space<semaphore_mem>>)
      %rem3A_471 = arith.constant 48 : i32
      %rem3A_472 = arith.remsi %while3A_435, %rem3A_471 : i32
      "tpu.region"() ({
        %run_scoped3A = tpu.sem_alloc : memref<!tpu.dma_semaphore, #tpu.memory_space<semaphore_mem>>
        %dma_start3A_473 = arith.constant 0 : i32
        %dma_start3A_474 = tpu.memref_slice %arg8[%mul3A_438, %dma_start3A_473] : memref<256x128xf32, #tpu.memory_space<vmem>> -> memref<128x128xf32, #tpu.memory_space<vmem>>
        %dma_start3A_475 = arith.constant 0 : i32
        %dma_start3A_476 = tpu.memref_slice %arg7[%rem3A_472, %dma_start3A_475] : memref<48x128xi32, #tpu.memory_space<vmem>> -> memref<1x128xi32, #tpu.memory_space<vmem>>
        %dma_start3A_477 = tpu.memref_squeeze %dma_start3A_476 : memref<1x128xi32, #tpu.memory_space<vmem>> -> memref<128xi32, #tpu.memory_space<vmem>>
        %dma_start3A_478 = arith.constant 0 : i32
        %dma_start3A_479 = arith.constant 0 : i32
        %dma_start3A_480 = tpu.memref_slice %arg10[%dma_start3A_478, %dma_start3A_479] : memref<10112x128xf32, #tpu.memory_space<vmem_shared>> -> memref<10112x128xf32, #tpu.memory_space<vmem_shared>>
        tpu.enqueue_indirect_dma source(%dma_start3A_474 : memref<128x128xf32, #tpu.memory_space<vmem>>) target(%dma_start3A_480 : memref<10112x128xf32, #tpu.memory_space<vmem_shared>>) offsets(%dma_start3A_477 : memref<128xi32, #tpu.memory_space<vmem>>) semaphore(%run_scoped3A : memref<!tpu.dma_semaphore, #tpu.memory_space<semaphore_mem>>) {add = true}
        %dma_wait3A_481 = arith.constant 0 : i32
        %dma_wait3A_482 = tpu.memref_slice %arg8[%mul3A_438, %dma_wait3A_481] : memref<256x128xf32, #tpu.memory_space<vmem>> -> memref<128x128xf32, #tpu.memory_space<vmem>>
        %dma_wait3A_483 = arith.constant 0 : i32
        %dma_wait3A_484 = tpu.memref_slice %arg7[%rem3A_472, %dma_wait3A_483] : memref<48x128xi32, #tpu.memory_space<vmem>> -> memref<1x128xi32, #tpu.memory_space<vmem>>
        %dma_wait3A_485 = tpu.memref_squeeze %dma_wait3A_484 : memref<1x128xi32, #tpu.memory_space<vmem>> -> memref<128xi32, #tpu.memory_space<vmem>>
        %dma_wait3A_486 = arith.constant 0 : i32
        %dma_wait3A_487 = arith.constant 0 : i32
        %dma_wait3A_488 = tpu.memref_slice %arg10[%dma_wait3A_486, %dma_wait3A_487] : memref<10112x128xf32, #tpu.memory_space<vmem_shared>> -> memref<10112x128xf32, #tpu.memory_space<vmem_shared>>
        tpu.wait_indirect_dma semaphore(%run_scoped3A : memref<!tpu.dma_semaphore, #tpu.memory_space<semaphore_mem>>) src(%dma_wait3A_482 : memref<128x128xf32, #tpu.memory_space<vmem>>) dst(%dma_wait3A_488 : memref<10112x128xf32, #tpu.memory_space<vmem_shared>>)
        tpu.yield
      }) : () -> ()
    }
    %while3A_415 = arith.constant 1 : i32
    scf.for %while3A_435 = %while3A_413 to %while3A_409 step %while3A_415  : i32 {
      %rem3A = arith.constant 2 : i32
      %rem3A_436 = arith.remsi %while3A_435, %rem3A : i32
      %mul3A_437 = arith.constant 128 : i32
      %mul3A_438 = arith.muli %rem3A_436, %mul3A_437 : i32
      %add3A_439 = arith.constant 1 : i32
      %add3A_440 = arith.addi %while3A_435, %add3A_439 : i32
      %rem3A_441 = arith.constant 48 : i32
      %rem3A_442 = arith.remsi %add3A_440, %rem3A_441 : i32
      %dma_wait3A_443 = arith.constant 0 : i32
      %dma_wait3A_444 = arith.constant 0 : i32
      %dma_wait3A_445 = tpu.memref_slice %arg8[%dma_wait3A_443, %dma_wait3A_444] : memref<256x128xf32, #tpu.memory_space<vmem>> -> memref<128x128xf32, #tpu.memory_space<vmem>>
      %dma_wait3A_446 = arith.constant 0 : i32
      %dma_wait3A_447 = arith.constant 0 : i32
      %dma_wait3A_448 = tpu.memref_slice %arg2[%dma_wait3A_446, %dma_wait3A_447] : memref<10112x128xf32, #tpu.memory_space<hbm>> -> memref<128x128xf32, #tpu.memory_space<hbm>>
      %dma_wait3A_449 = arith.constant 0 : i32
      %dma_wait3A_450 = arith.constant 0 : i32
      %dma_wait3A_451 = tpu.memref_slice %arg8[%dma_wait3A_449, %dma_wait3A_450] : memref<256x128xf32, #tpu.memory_space<vmem>> -> memref<128x128xf32, #tpu.memory_space<vmem>>
      %dma_wait3A_452 = arith.constant 0 : i32
      %dma_wait3A_453 = arith.constant 0 : i32
      %dma_wait3A_454 = tpu.memref_slice %arg2[%dma_wait3A_452, %dma_wait3A_453] : memref<10112x128xf32, #tpu.memory_space<hbm>> -> memref<128x128xf32, #tpu.memory_space<hbm>>
      tpu.wait_dma2 semaphore(%arg11 : memref<!tpu.dma_semaphore, #tpu.memory_space<semaphore_mem>>) src(%dma_wait3A_454 : memref<128x128xf32, #tpu.memory_space<hbm>>) dst(%dma_wait3A_451 : memref<128x128xf32, #tpu.memory_space<vmem>>)
      %add3A_455 = arith.constant 1 : i32
      %add3A_456 = arith.addi %while3A_435, %add3A_455 : i32
      %rem3A_457 = arith.constant 24 : i32
      %rem3A_458 = arith.remsi %add3A_456, %rem3A_457 : i32
      %eq3A_459 = arith.constant 0 : i32
      %eq3A_460 = arith.cmpi eq, %rem3A_458, %eq3A_459 : i32
      %convert_element_type3A = arith.extui %eq3A_460 : i1 to i32
      %cond3A = arith.constant 0 : i32
      %cond3A_461 = arith.cmpi ne, %convert_element_type3A, %cond3A : i32
      scf.if %cond3A_461 {
        %add3A_473 = arith.addi %select_n3A, %while3A_435 : i32
        %add3A_474 = arith.constant 1 : i32
        %add3A_475 = arith.addi %add3A_473, %add3A_474 : i32
        %multiple_of3A = tpu.assume_multiple %add3A_475, 8 : i32
        %multiple_of3A_476 = tpu.assume_multiple %rem3A_442, 8 : i32
        "tpu.region"() ({
          %run_scoped3A = tpu.sem_alloc : memref<!tpu.dma_semaphore, #tpu.memory_space<semaphore_mem>>
          %dma_start3A_477 = arith.constant 0 : i32
          %dma_start3A_478 = tpu.memref_slice %arg6[%multiple_of3A_476, %dma_start3A_477] : memref<48x128xi32, #tpu.memory_space<vmem>> -> memref<24x128xi32, #tpu.memory_space<vmem>>
          %dma_start3A_479 = arith.constant 0 : i32
          %dma_start3A_480 = tpu.memref_slice %arg3[%multiple_of3A, %dma_start3A_479] : memref<2584x128xi32, #tpu.memory_space<hbm>> -> memref<24x128xi32, #tpu.memory_space<hbm>>
          %dma_start3A_481 = arith.constant 0 : i32
          %dma_start3A_482 = tpu.memref_slice %arg6[%multiple_of3A_476, %dma_start3A_481] : memref<48x128xi32, #tpu.memory_space<vmem>> -> memref<24x128xi32, #tpu.memory_space<vmem>>
          %dma_start3A_483 = arith.constant 0 : i32
          %dma_start3A_484 = tpu.memref_slice %arg3[%multiple_of3A, %dma_start3A_483] : memref<2584x128xi32, #tpu.memory_space<hbm>> -> memref<24x128xi32, #tpu.memory_space<hbm>>
          tpu.enqueue_dma source(%dma_start3A_484 : memref<24x128xi32, #tpu.memory_space<hbm>>) target(%dma_start3A_482 : memref<24x128xi32, #tpu.memory_space<vmem>>) target_semaphore(%run_scoped3A : memref<!tpu.dma_semaphore, #tpu.memory_space<semaphore_mem>>)
          %dma_wait3A_485 = arith.constant 0 : i32
          %dma_wait3A_486 = tpu.memref_slice %arg6[%multiple_of3A_476, %dma_wait3A_485] : memref<48x128xi32, #tpu.memory_space<vmem>> -> memref<24x128xi32, #tpu.memory_space<vmem>>
          %dma_wait3A_487 = arith.constant 0 : i32
          %dma_wait3A_488 = tpu.memref_slice %arg3[%multiple_of3A, %dma_wait3A_487] : memref<2584x128xi32, #tpu.memory_space<hbm>> -> memref<24x128xi32, #tpu.memory_space<hbm>>
          %dma_wait3A_489 = arith.constant 0 : i32
          %dma_wait3A_490 = tpu.memref_slice %arg6[%multiple_of3A_476, %dma_wait3A_489] : memref<48x128xi32, #tpu.memory_space<vmem>> -> memref<24x128xi32, #tpu.memory_space<vmem>>
          %dma_wait3A_491 = arith.constant 0 : i32
          %dma_wait3A_492 = tpu.memref_slice %arg3[%multiple_of3A, %dma_wait3A_491] : memref<2584x128xi32, #tpu.memory_space<hbm>> -> memref<24x128xi32, #tpu.memory_space<hbm>>
          tpu.wait_dma2 semaphore(%run_scoped3A : memref<!tpu.dma_semaphore, #tpu.memory_space<semaphore_mem>>) src(%dma_wait3A_492 : memref<24x128xi32, #tpu.memory_space<hbm>>) dst(%dma_wait3A_490 : memref<24x128xi32, #tpu.memory_space<vmem>>)
          tpu.yield
        }) : () -> ()
        "tpu.region"() ({
          %run_scoped3A = tpu.sem_alloc : memref<!tpu.dma_semaphore, #tpu.memory_space<semaphore_mem>>
          %dma_start3A_477 = arith.constant 0 : i32
          %dma_start3A_478 = tpu.memref_slice %arg7[%multiple_of3A_476, %dma_start3A_477] : memref<48x128xi32, #tpu.memory_space<vmem>> -> memref<24x128xi32, #tpu.memory_space<vmem>>
          %dma_start3A_479 = arith.constant 0 : i32
          %dma_start3A_480 = tpu.memref_slice %arg4[%multiple_of3A, %dma_start3A_479] : memref<2584x128xi32, #tpu.memory_space<hbm>> -> memref<24x128xi32, #tpu.memory_space<hbm>>
          %dma_start3A_481 = arith.constant 0 : i32
          %dma_start3A_482 = tpu.memref_slice %arg7[%multiple_of3A_476, %dma_start3A_481] : memref<48x128xi32, #tpu.memory_space<vmem>> -> memref<24x128xi32, #tpu.memory_space<vmem>>
          %dma_start3A_483 = arith.constant 0 : i32
          %dma_start3A_484 = tpu.memref_slice %arg4[%multiple_of3A, %dma_start3A_483] : memref<2584x128xi32, #tpu.memory_space<hbm>> -> memref<24x128xi32, #tpu.memory_space<hbm>>
          tpu.enqueue_dma source(%dma_start3A_484 : memref<24x128xi32, #tpu.memory_space<hbm>>) target(%dma_start3A_482 : memref<24x128xi32, #tpu.memory_space<vmem>>) target_semaphore(%run_scoped3A : memref<!tpu.dma_semaphore, #tpu.memory_space<semaphore_mem>>)
          %dma_wait3A_485 = arith.constant 0 : i32
          %dma_wait3A_486 = tpu.memref_slice %arg7[%multiple_of3A_476, %dma_wait3A_485] : memref<48x128xi32, #tpu.memory_space<vmem>> -> memref<24x128xi32, #tpu.memory_space<vmem>>
          %dma_wait3A_487 = arith.constant 0 : i32
          %dma_wait3A_488 = tpu.memref_slice %arg4[%multiple_of3A, %dma_wait3A_487] : memref<2584x128xi32, #tpu.memory_space<hbm>> -> memref<24x128xi32, #tpu.memory_space<hbm>>
          %dma_wait3A_489 = arith.constant 0 : i32
          %dma_wait3A_490 = tpu.memref_slice %arg7[%multiple_of3A_476, %dma_wait3A_489] : memref<48x128xi32, #tpu.memory_space<vmem>> -> memref<24x128xi32, #tpu.memory_space<vmem>>
          %dma_wait3A_491 = arith.constant 0 : i32
          %dma_wait3A_492 = tpu.memref_slice %arg4[%multiple_of3A, %dma_wait3A_491] : memref<2584x128xi32, #tpu.memory_space<hbm>> -> memref<24x128xi32, #tpu.memory_space<hbm>>
          tpu.wait_dma2 semaphore(%run_scoped3A : memref<!tpu.dma_semaphore, #tpu.memory_space<semaphore_mem>>) src(%dma_wait3A_492 : memref<24x128xi32, #tpu.memory_space<hbm>>) dst(%dma_wait3A_490 : memref<24x128xi32, #tpu.memory_space<vmem>>)
          tpu.yield
        }) : () -> ()
      } else {
      }
      %sub3A = arith.constant 128 : i32
      %sub3A_462 = arith.subi %sub3A, %mul3A_438 : i32
      %dma_start3A_463 = arith.constant 0 : i32
      %dma_start3A_464 = tpu.memref_slice %arg8[%sub3A_462, %dma_start3A_463] : memref<256x128xf32, #tpu.memory_space<vmem>> -> memref<128x128xf32, #tpu.memory_space<vmem>>
      %dma_start3A_465 = arith.constant 0 : i32
      %dma_start3A_466 = tpu.memref_slice %arg6[%rem3A_442, %dma_start3A_465] : memref<48x128xi32, #tpu.memory_space<vmem>> -> memref<1x128xi32, #tpu.memory_space<vmem>>
      %dma_start3A_467 = tpu.memref_squeeze %dma_start3A_466 : memref<1x128xi32, #tpu.memory_space<vmem>> -> memref<128xi32, #tpu.memory_space<vmem>>
      %dma_start3A_468 = arith.constant 0 : i32
      %dma_start3A_469 = arith.constant 0 : i32
      %dma_start3A_470 = tpu.memref_slice %arg2[%dma_start3A_468, %dma_start3A_469] : memref<10112x128xf32, #tpu.memory_space<hbm>> -> memref<10112x128xf32, #tpu.memory_space<hbm>>
      tpu.enqueue_indirect_dma source(%dma_start3A_470 : memref<10112x128xf32, #tpu.memory_space<hbm>>) target(%dma_start3A_464 : memref<128x128xf32, #tpu.memory_space<vmem>>) offsets(%dma_start3A_467 : memref<128xi32, #tpu.memory_space<vmem>>) semaphore(%arg11 : memref<!tpu.dma_semaphore, #tpu.memory_space<semaphore_mem>>)
      %rem3A_471 = arith.constant 48 : i32
      %rem3A_472 = arith.remsi %while3A_435, %rem3A_471 : i32
      "tpu.region"() ({
        %run_scoped3A = tpu.sem_alloc : memref<!tpu.dma_semaphore, #tpu.memory_space<semaphore_mem>>
        %dma_start3A_473 = arith.constant 0 : i32
        %dma_start3A_474 = tpu.memref_slice %arg8[%mul3A_438, %dma_start3A_473] : memref<256x128xf32, #tpu.memory_space<vmem>> -> memref<128x128xf32, #tpu.memory_space<vmem>>
        %dma_start3A_475 = arith.constant 0 : i32
        %dma_start3A_476 = tpu.memref_slice %arg7[%rem3A_472, %dma_start3A_475] : memref<48x128xi32, #tpu.memory_space<vmem>> -> memref<1x128xi32, #tpu.memory_space<vmem>>
        %dma_start3A_477 = tpu.memref_squeeze %dma_start3A_476 : memref<1x128xi32, #tpu.memory_space<vmem>> -> memref<128xi32, #tpu.memory_space<vmem>>
        %dma_start3A_478 = arith.constant 0 : i32
        %dma_start3A_479 = arith.constant 0 : i32
        %dma_start3A_480 = tpu.memref_slice %arg10[%dma_start3A_478, %dma_start3A_479] : memref<10112x128xf32, #tpu.memory_space<vmem_shared>> -> memref<10112x128xf32, #tpu.memory_space<vmem_shared>>
        tpu.enqueue_indirect_dma source(%dma_start3A_474 : memref<128x128xf32, #tpu.memory_space<vmem>>) target(%dma_start3A_480 : memref<10112x128xf32, #tpu.memory_space<vmem_shared>>) offsets(%dma_start3A_477 : memref<128xi32, #tpu.memory_space<vmem>>) semaphore(%run_scoped3A : memref<!tpu.dma_semaphore, #tpu.memory_space<semaphore_mem>>) {add = true}
        %dma_wait3A_481 = arith.constant 0 : i32
        %dma_wait3A_482 = tpu.memref_slice %arg8[%mul3A_438, %dma_wait3A_481] : memref<256x128xf32, #tpu.memory_space<vmem>> -> memref<128x128xf32, #tpu.memory_space<vmem>>
        %dma_wait3A_483 = arith.constant 0 : i32
        %dma_wait3A_484 = tpu.memref_slice %arg7[%rem3A_472, %dma_wait3A_483] : memref<48x128xi32, #tpu.memory_space<vmem>> -> memref<1x128xi32, #tpu.memory_space<vmem>>
        %dma_wait3A_485 = tpu.memref_squeeze %dma_wait3A_484 : memref<1x128xi32, #tpu.memory_space<vmem>> -> memref<128xi32, #tpu.memory_space<vmem>>
        %dma_wait3A_486 = arith.constant 0 : i32
        %dma_wait3A_487 = arith.constant 0 : i32
        %dma_wait3A_488 = tpu.memref_slice %arg10[%dma_wait3A_486, %dma_wait3A_487] : memref<10112x128xf32, #tpu.memory_space<vmem_shared>> -> memref<10112x128xf32, #tpu.memory_space<vmem_shared>>
        tpu.wait_indirect_dma semaphore(%run_scoped3A : memref<!tpu.dma_semaphore, #tpu.memory_space<semaphore_mem>>) src(%dma_wait3A_482 : memref<128x128xf32, #tpu.memory_space<vmem>>) dst(%dma_wait3A_488 : memref<10112x128xf32, #tpu.memory_space<vmem_shared>>)
        tpu.yield
      }) : () -> ()
    }
    %dma_wait3A = arith.constant 0 : i32
    %dma_wait3A_416 = arith.constant 0 : i32
    %dma_wait3A_417 = tpu.memref_slice %arg8[%dma_wait3A, %dma_wait3A_416] : memref<256x128xf32, #tpu.memory_space<vmem>> -> memref<128x128xf32, #tpu.memory_space<vmem>>
    %dma_wait3A_418 = arith.constant 0 : i32
    %dma_wait3A_419 = arith.constant 0 : i32
    %dma_wait3A_420 = tpu.memref_slice %arg2[%dma_wait3A_418, %dma_wait3A_419] : memref<10112x128xf32, #tpu.memory_space<hbm>> -> memref<128x128xf32, #tpu.memory_space<hbm>>
    %dma_wait3A_421 = arith.constant 0 : i32
    %dma_wait3A_422 = arith.constant 0 : i32
    %dma_wait3A_423 = tpu.memref_slice %arg8[%dma_wait3A_421, %dma_wait3A_422] : memref<256x128xf32, #tpu.memory_space<vmem>> -> memref<128x128xf32, #tpu.memory_space<vmem>>
    %dma_wait3A_424 = arith.constant 0 : i32
    %dma_wait3A_425 = arith.constant 0 : i32
    %dma_wait3A_426 = tpu.memref_slice %arg2[%dma_wait3A_424, %dma_wait3A_425] : memref<10112x128xf32, #tpu.memory_space<hbm>> -> memref<128x128xf32, #tpu.memory_space<hbm>>
    tpu.wait_dma2 semaphore(%arg11 : memref<!tpu.dma_semaphore, #tpu.memory_space<semaphore_mem>>) src(%dma_wait3A_426 : memref<128x128xf32, #tpu.memory_space<hbm>>) dst(%dma_wait3A_423 : memref<128x128xf32, #tpu.memory_space<vmem>>)
    %barrier3A_427 = arith.constant 0 : index
    tpu.barrier barrier_id(%barrier3A_427)
    %mul3A_428 = arith.constant 632 : i32
    %mul3A_429 = arith.muli %arg1, %mul3A_428 : i32
    %mul3A_430 = arith.constant 10112 : i32
    %mul3A_431 = arith.muli %arg0, %mul3A_430 : i32
    %mul3A_432 = arith.constant 632 : i32
    %mul3A_433 = arith.muli %arg1, %mul3A_432 : i32
    %add3A_434 = arith.addi %mul3A_431, %mul3A_433 : i32
    "tpu.region"() ({
      %run_scoped3A = tpu.sem_alloc : memref<!tpu.dma_semaphore, #tpu.memory_space<semaphore_mem>>
      %dma_start3A_435 = arith.constant 0 : i32
      %dma_start3A_436 = tpu.memref_slice %arg5[%add3A_434, %dma_start3A_435] : memref<20224x128xf32, #tpu.memory_space<hbm>> -> memref<632x128xf32, #tpu.memory_space<hbm>>
      %dma_start3A_437 = arith.constant 0 : i32
      %dma_start3A_438 = tpu.memref_slice %arg10[%mul3A_429, %dma_start3A_437] : memref<10112x128xf32, #tpu.memory_space<vmem_shared>> -> memref<632x128xf32, #tpu.memory_space<vmem_shared>>
      tpu.enqueue_dma source(%dma_start3A_438 : memref<632x128xf32, #tpu.memory_space<vmem_shared>>) target(%dma_start3A_436 : memref<632x128xf32, #tpu.memory_space<hbm>>) target_semaphore(%run_scoped3A : memref<!tpu.dma_semaphore, #tpu.memory_space<semaphore_mem>>)
      %dma_wait3A_439 = arith.constant 0 : i32
      %dma_wait3A_440 = tpu.memref_slice %arg5[%add3A_434, %dma_wait3A_439] : memref<20224x128xf32, #tpu.memory_space<hbm>> -> memref<632x128xf32, #tpu.memory_space<hbm>>
      %dma_wait3A_441 = arith.constant 0 : i32
      %dma_wait3A_442 = tpu.memref_slice %arg10[%mul3A_429, %dma_wait3A_441] : memref<10112x128xf32, #tpu.memory_space<vmem_shared>> -> memref<632x128xf32, #tpu.memory_space<vmem_shared>>
      tpu.wait_dma2 semaphore(%run_scoped3A : memref<!tpu.dma_semaphore, #tpu.memory_space<semaphore_mem>>) src(%dma_wait3A_442 : memref<632x128xf32, #tpu.memory_space<vmem_shared>>) dst(%dma_wait3A_440 : memref<632x128xf32, #tpu.memory_space<hbm>>)
      tpu.yield
    }) : () -> ()
    return
  }
}

#map = affine_map<(d0, d1) -> (0, 0)>
module attributes {stable_mosaic.version = 14 : i64} {
  func.func @sc_gs(%arg0: i32, %arg1: i32, %arg2: memref<10112x128xf32, #tpu.memory_space<hbm>>, %arg3: memref<2584x128xi32, #tpu.memory_space<hbm>>, %arg4: memref<2584x128xi32, #tpu.memory_space<hbm>>, %arg5: memref<20224x128xf32, #tpu.memory_space<hbm>>, %arg6: memref<48x128xi32, #tpu.memory_space<vmem>>, %arg7: memref<48x128xi32, #tpu.memory_space<vmem>>, %arg8: memref<256x128xf32, #tpu.memory_space<vmem>>, %arg9: memref<8x128xf32, #tpu.memory_space<vmem>>, %arg10: memref<10112x128xf32, #tpu.memory_space<vmem_shared>>, %arg11: memref<!tpu.dma_semaphore, #tpu.memory_space<semaphore_mem>>) attributes {dimension_semantics = [#tpu.dimension_semantics<core_parallel>, #tpu.dimension_semantics<subcore_parallel>], iteration_bounds = array<i64: 2, 16>, scalar_prefetch = 0 : i64, scratch_operands = 6 : i64, tpu.core_type = #tpu.core_type<sc_vector_subcore>, window_params = [{transform_indices = #map}, {transform_indices = #map}, {transform_indices = #map}, {transform_indices = #map}]} {
    %broadcast_in_dim3A = arith.constant 0.000000e+00 : f32
    %broadcast_in_dim3A_0 = vector.broadcast %broadcast_in_dim3A : f32 to vector<16xf32>
    %swap3A = arith.constant 0 : i32
    %swap3A_1 = arith.index_cast %swap3A : i32 to index
    %swap3A_2 = arith.constant 0 : index
    %swap3A_3 = tpu.vector_load %arg9[%swap3A_1, %swap3A_2] {strides = array<i32>} : memref<8x128xf32, #tpu.memory_space<vmem>>, vector<1x16xf32>,
    %swap3A_4 = vector.shape_cast %swap3A_3 : vector<1x16xf32> to vector<16xf32>
    %swap3A_5 = vector.shape_cast %broadcast_in_dim3A_0 : vector<16xf32> to vector<1x16xf32>
    tpu.vector_store %arg9[%swap3A_1, %swap3A_2], %swap3A_5 {strides = array<i32>} : memref<8x128xf32, #tpu.memory_space<vmem>>, vector<1x16xf32>,
    %swap3A_6 = arith.constant 0 : i32
    %swap3A_7 = arith.index_cast %swap3A_6 : i32 to index
    %swap3A_8 = arith.constant 16 : index
    %swap3A_9 = tpu.vector_load %arg9[%swap3A_7, %swap3A_8] {strides = array<i32>} : memref<8x128xf32, #tpu.memory_space<vmem>>, vector<1x16xf32>,
    %swap3A_10 = vector.shape_cast %swap3A_9 : vector<1x16xf32> to vector<16xf32>
    %swap3A_11 = vector.shape_cast %broadcast_in_dim3A_0 : vector<16xf32> to vector<1x16xf32>
    tpu.vector_store %arg9[%swap3A_7, %swap3A_8], %swap3A_11 {strides = array<i32>} : memref<8x128xf32, #tpu.memory_space<vmem>>, vector<1x16xf32>,
    %swap3A_12 = arith.constant 0 : i32
    %swap3A_13 = arith.index_cast %swap3A_12 : i32 to index
    %swap3A_14 = arith.constant 32 : index
    %swap3A_15 = tpu.vector_load %arg9[%swap3A_13, %swap3A_14] {strides = array<i32>} : memref<8x128xf32, #tpu.memory_space<vmem>>, vector<1x16xf32>,
    %swap3A_16 = vector.shape_cast %swap3A_15 : vector<1x16xf32> to vector<16xf32>
    %swap3A_17 = vector.shape_cast %broadcast_in_dim3A_0 : vector<16xf32> to vector<1x16xf32>
    tpu.vector_store %arg9[%swap3A_13, %swap3A_14], %swap3A_17 {strides = array<i32>} : memref<8x128xf32, #tpu.memory_space<vmem>>, vector<1x16xf32>,
    %swap3A_18 = arith.constant 0 : i32
    %swap3A_19 = arith.index_cast %swap3A_18 : i32 to index
    %swap3A_20 = arith.constant 48 : index
    %swap3A_21 = tpu.vector_load %arg9[%swap3A_19, %swap3A_20] {strides = array<i32>} : memref<8x128xf32, #tpu.memory_space<vmem>>, vector<1x16xf32>,
    %swap3A_22 = vector.shape_cast %swap3A_21 : vector<1x16xf32> to vector<16xf32>
    %swap3A_23 = vector.shape_cast %broadcast_in_dim3A_0 : vector<16xf32> to vector<1x16xf32>
    tpu.vector_store %arg9[%swap3A_19, %swap3A_20], %swap3A_23 {strides = array<i32>} : memref<8x128xf32, #tpu.memory_space<vmem>>, vector<1x16xf32>,
    %swap3A_24 = arith.constant 0 : i32
    %swap3A_25 = arith.index_cast %swap3A_24 : i32 to index
    %swap3A_26 = arith.constant 64 : index
    %swap3A_27 = tpu.vector_load %arg9[%swap3A_25, %swap3A_26] {strides = array<i32>} : memref<8x128xf32, #tpu.memory_space<vmem>>, vector<1x16xf32>,
    %swap3A_28 = vector.shape_cast %swap3A_27 : vector<1x16xf32> to vector<16xf32>
    %swap3A_29 = vector.shape_cast %broadcast_in_dim3A_0 : vector<16xf32> to vector<1x16xf32>
    tpu.vector_store %arg9[%swap3A_25, %swap3A_26], %swap3A_29 {strides = array<i32>} : memref<8x128xf32, #tpu.memory_space<vmem>>, vector<1x16xf32>,
    %swap3A_30 = arith.constant 0 : i32
    %swap3A_31 = arith.index_cast %swap3A_30 : i32 to index
    %swap3A_32 = arith.constant 80 : index
    %swap3A_33 = tpu.vector_load %arg9[%swap3A_31, %swap3A_32] {strides = array<i32>} : memref<8x128xf32, #tpu.memory_space<vmem>>, vector<1x16xf32>,
    %swap3A_34 = vector.shape_cast %swap3A_33 : vector<1x16xf32> to vector<16xf32>
    %swap3A_35 = vector.shape_cast %broadcast_in_dim3A_0 : vector<16xf32> to vector<1x16xf32>
    tpu.vector_store %arg9[%swap3A_31, %swap3A_32], %swap3A_35 {strides = array<i32>} : memref<8x128xf32, #tpu.memory_space<vmem>>, vector<1x16xf32>,
    %swap3A_36 = arith.constant 0 : i32
    %swap3A_37 = arith.index_cast %swap3A_36 : i32 to index
    %swap3A_38 = arith.constant 96 : index
    %swap3A_39 = tpu.vector_load %arg9[%swap3A_37, %swap3A_38] {strides = array<i32>} : memref<8x128xf32, #tpu.memory_space<vmem>>, vector<1x16xf32>,
    %swap3A_40 = vector.shape_cast %swap3A_39 : vector<1x16xf32> to vector<16xf32>
    %swap3A_41 = vector.shape_cast %broadcast_in_dim3A_0 : vector<16xf32> to vector<1x16xf32>
    tpu.vector_store %arg9[%swap3A_37, %swap3A_38], %swap3A_41 {strides = array<i32>} : memref<8x128xf32, #tpu.memory_space<vmem>>, vector<1x16xf32>,
    %swap3A_42 = arith.constant 0 : i32
    %swap3A_43 = arith.index_cast %swap3A_42 : i32 to index
    %swap3A_44 = arith.constant 112 : index
    %swap3A_45 = tpu.vector_load %arg9[%swap3A_43, %swap3A_44] {strides = array<i32>} : memref<8x128xf32, #tpu.memory_space<vmem>>, vector<1x16xf32>,
    %swap3A_46 = vector.shape_cast %swap3A_45 : vector<1x16xf32> to vector<16xf32>
    %swap3A_47 = vector.shape_cast %broadcast_in_dim3A_0 : vector<16xf32> to vector<1x16xf32>
    tpu.vector_store %arg9[%swap3A_43, %swap3A_44], %swap3A_47 {strides = array<i32>} : memref<8x128xf32, #tpu.memory_space<vmem>>, vector<1x16xf32>,
    %swap3A_48 = arith.constant 1 : i32
    %swap3A_49 = arith.index_cast %swap3A_48 : i32 to index
    %swap3A_50 = arith.constant 0 : index
    %swap3A_51 = tpu.vector_load %arg9[%swap3A_49, %swap3A_50] {strides = array<i32>} : memref<8x128xf32, #tpu.memory_space<vmem>>, vector<1x16xf32>,
    %swap3A_52 = vector.shape_cast %swap3A_51 : vector<1x16xf32> to vector<16xf32>
    %swap3A_53 = vector.shape_cast %broadcast_in_dim3A_0 : vector<16xf32> to vector<1x16xf32>
    tpu.vector_store %arg9[%swap3A_49, %swap3A_50], %swap3A_53 {strides = array<i32>} : memref<8x128xf32, #tpu.memory_space<vmem>>, vector<1x16xf32>,
    %swap3A_54 = arith.constant 1 : i32
    %swap3A_55 = arith.index_cast %swap3A_54 : i32 to index
    %swap3A_56 = arith.constant 16 : index
    %swap3A_57 = tpu.vector_load %arg9[%swap3A_55, %swap3A_56] {strides = array<i32>} : memref<8x128xf32, #tpu.memory_space<vmem>>, vector<1x16xf32>,
    %swap3A_58 = vector.shape_cast %swap3A_57 : vector<1x16xf32> to vector<16xf32>
    %swap3A_59 = vector.shape_cast %broadcast_in_dim3A_0 : vector<16xf32> to vector<1x16xf32>
    tpu.vector_store %arg9[%swap3A_55, %swap3A_56], %swap3A_59 {strides = array<i32>} : memref<8x128xf32, #tpu.memory_space<vmem>>, vector<1x16xf32>,
    %swap3A_60 = arith.constant 1 : i32
    %swap3A_61 = arith.index_cast %swap3A_60 : i32 to index
    %swap3A_62 = arith.constant 32 : index
    %swap3A_63 = tpu.vector_load %arg9[%swap3A_61, %swap3A_62] {strides = array<i32>} : memref<8x128xf32, #tpu.memory_space<vmem>>, vector<1x16xf32>,
    %swap3A_64 = vector.shape_cast %swap3A_63 : vector<1x16xf32> to vector<16xf32>
    %swap3A_65 = vector.shape_cast %broadcast_in_dim3A_0 : vector<16xf32> to vector<1x16xf32>
    tpu.vector_store %arg9[%swap3A_61, %swap3A_62], %swap3A_65 {strides = array<i32>} : memref<8x128xf32, #tpu.memory_space<vmem>>, vector<1x16xf32>,
    %swap3A_66 = arith.constant 1 : i32
    %swap3A_67 = arith.index_cast %swap3A_66 : i32 to index
    %swap3A_68 = arith.constant 48 : index
    %swap3A_69 = tpu.vector_load %arg9[%swap3A_67, %swap3A_68] {strides = array<i32>} : memref<8x128xf32, #tpu.memory_space<vmem>>, vector<1x16xf32>,
    %swap3A_70 = vector.shape_cast %swap3A_69 : vector<1x16xf32> to vector<16xf32>
    %swap3A_71 = vector.shape_cast %broadcast_in_dim3A_0 : vector<16xf32> to vector<1x16xf32>
    tpu.vector_store %arg9[%swap3A_67, %swap3A_68], %swap3A_71 {strides = array<i32>} : memref<8x128xf32, #tpu.memory_space<vmem>>, vector<1x16xf32>,
    %swap3A_72 = arith.constant 1 : i32
    %swap3A_73 = arith.index_cast %swap3A_72 : i32 to index
    %swap3A_74 = arith.constant 64 : index
    %swap3A_75 = tpu.vector_load %arg9[%swap3A_73, %swap3A_74] {strides = array<i32>} : memref<8x128xf32, #tpu.memory_space<vmem>>, vector<1x16xf32>,
    %swap3A_76 = vector.shape_cast %swap3A_75 : vector<1x16xf32> to vector<16xf32>
    %swap3A_77 = vector.shape_cast %broadcast_in_dim3A_0 : vector<16xf32> to vector<1x16xf32>
    tpu.vector_store %arg9[%swap3A_73, %swap3A_74], %swap3A_77 {strides = array<i32>} : memref<8x128xf32, #tpu.memory_space<vmem>>, vector<1x16xf32>,
    %swap3A_78 = arith.constant 1 : i32
    %swap3A_79 = arith.index_cast %swap3A_78 : i32 to index
    %swap3A_80 = arith.constant 80 : index
    %swap3A_81 = tpu.vector_load %arg9[%swap3A_79, %swap3A_80] {strides = array<i32>} : memref<8x128xf32, #tpu.memory_space<vmem>>, vector<1x16xf32>,
    %swap3A_82 = vector.shape_cast %swap3A_81 : vector<1x16xf32> to vector<16xf32>
    %swap3A_83 = vector.shape_cast %broadcast_in_dim3A_0 : vector<16xf32> to vector<1x16xf32>
    tpu.vector_store %arg9[%swap3A_79, %swap3A_80], %swap3A_83 {strides = array<i32>} : memref<8x128xf32, #tpu.memory_space<vmem>>, vector<1x16xf32>,
    %swap3A_84 = arith.constant 1 : i32
    %swap3A_85 = arith.index_cast %swap3A_84 : i32 to index
    %swap3A_86 = arith.constant 96 : index
    %swap3A_87 = tpu.vector_load %arg9[%swap3A_85, %swap3A_86] {strides = array<i32>} : memref<8x128xf32, #tpu.memory_space<vmem>>, vector<1x16xf32>,
    %swap3A_88 = vector.shape_cast %swap3A_87 : vector<1x16xf32> to vector<16xf32>
    %swap3A_89 = vector.shape_cast %broadcast_in_dim3A_0 : vector<16xf32> to vector<1x16xf32>
    tpu.vector_store %arg9[%swap3A_85, %swap3A_86], %swap3A_89 {strides = array<i32>} : memref<8x128xf32, #tpu.memory_space<vmem>>, vector<1x16xf32>,
    %swap3A_90 = arith.constant 1 : i32
    %swap3A_91 = arith.index_cast %swap3A_90 : i32 to index
    %swap3A_92 = arith.constant 112 : index
    %swap3A_93 = tpu.vector_load %arg9[%swap3A_91, %swap3A_92] {strides = array<i32>} : memref<8x128xf32, #tpu.memory_space<vmem>>, vector<1x16xf32>,
    %swap3A_94 = vector.shape_cast %swap3A_93 : vector<1x16xf32> to vector<16xf32>
    %swap3A_95 = vector.shape_cast %broadcast_in_dim3A_0 : vector<16xf32> to vector<1x16xf32>
    tpu.vector_store %arg9[%swap3A_91, %swap3A_92], %swap3A_95 {strides = array<i32>} : memref<8x128xf32, #tpu.memory_space<vmem>>, vector<1x16xf32>,
    %swap3A_96 = arith.constant 2 : i32
    %swap3A_97 = arith.index_cast %swap3A_96 : i32 to index
    %swap3A_98 = arith.constant 0 : index
    %swap3A_99 = tpu.vector_load %arg9[%swap3A_97, %swap3A_98] {strides = array<i32>} : memref<8x128xf32, #tpu.memory_space<vmem>>, vector<1x16xf32>,
    %swap3A_100 = vector.shape_cast %swap3A_99 : vector<1x16xf32> to vector<16xf32>
    %swap3A_101 = vector.shape_cast %broadcast_in_dim3A_0 : vector<16xf32> to vector<1x16xf32>
    tpu.vector_store %arg9[%swap3A_97, %swap3A_98], %swap3A_101 {strides = array<i32>} : memref<8x128xf32, #tpu.memory_space<vmem>>, vector<1x16xf32>,
    %swap3A_102 = arith.constant 2 : i32
    %swap3A_103 = arith.index_cast %swap3A_102 : i32 to index
    %swap3A_104 = arith.constant 16 : index
    %swap3A_105 = tpu.vector_load %arg9[%swap3A_103, %swap3A_104] {strides = array<i32>} : memref<8x128xf32, #tpu.memory_space<vmem>>, vector<1x16xf32>,
    %swap3A_106 = vector.shape_cast %swap3A_105 : vector<1x16xf32> to vector<16xf32>
    %swap3A_107 = vector.shape_cast %broadcast_in_dim3A_0 : vector<16xf32> to vector<1x16xf32>
    tpu.vector_store %arg9[%swap3A_103, %swap3A_104], %swap3A_107 {strides = array<i32>} : memref<8x128xf32, #tpu.memory_space<vmem>>, vector<1x16xf32>,
    %swap3A_108 = arith.constant 2 : i32
    %swap3A_109 = arith.index_cast %swap3A_108 : i32 to index
    %swap3A_110 = arith.constant 32 : index
    %swap3A_111 = tpu.vector_load %arg9[%swap3A_109, %swap3A_110] {strides = array<i32>} : memref<8x128xf32, #tpu.memory_space<vmem>>, vector<1x16xf32>,
    %swap3A_112 = vector.shape_cast %swap3A_111 : vector<1x16xf32> to vector<16xf32>
    %swap3A_113 = vector.shape_cast %broadcast_in_dim3A_0 : vector<16xf32> to vector<1x16xf32>
    tpu.vector_store %arg9[%swap3A_109, %swap3A_110], %swap3A_113 {strides = array<i32>} : memref<8x128xf32, #tpu.memory_space<vmem>>, vector<1x16xf32>,
    %swap3A_114 = arith.constant 2 : i32
    %swap3A_115 = arith.index_cast %swap3A_114 : i32 to index
    %swap3A_116 = arith.constant 48 : index
    %swap3A_117 = tpu.vector_load %arg9[%swap3A_115, %swap3A_116] {strides = array<i32>} : memref<8x128xf32, #tpu.memory_space<vmem>>, vector<1x16xf32>,
    %swap3A_118 = vector.shape_cast %swap3A_117 : vector<1x16xf32> to vector<16xf32>
    %swap3A_119 = vector.shape_cast %broadcast_in_dim3A_0 : vector<16xf32> to vector<1x16xf32>
    tpu.vector_store %arg9[%swap3A_115, %swap3A_116], %swap3A_119 {strides = array<i32>} : memref<8x128xf32, #tpu.memory_space<vmem>>, vector<1x16xf32>,
    %swap3A_120 = arith.constant 2 : i32
    %swap3A_121 = arith.index_cast %swap3A_120 : i32 to index
    %swap3A_122 = arith.constant 64 : index
    %swap3A_123 = tpu.vector_load %arg9[%swap3A_121, %swap3A_122] {strides = array<i32>} : memref<8x128xf32, #tpu.memory_space<vmem>>, vector<1x16xf32>,
    %swap3A_124 = vector.shape_cast %swap3A_123 : vector<1x16xf32> to vector<16xf32>
    %swap3A_125 = vector.shape_cast %broadcast_in_dim3A_0 : vector<16xf32> to vector<1x16xf32>
    tpu.vector_store %arg9[%swap3A_121, %swap3A_122], %swap3A_125 {strides = array<i32>} : memref<8x128xf32, #tpu.memory_space<vmem>>, vector<1x16xf32>,
    %swap3A_126 = arith.constant 2 : i32
    %swap3A_127 = arith.index_cast %swap3A_126 : i32 to index
    %swap3A_128 = arith.constant 80 : index
    %swap3A_129 = tpu.vector_load %arg9[%swap3A_127, %swap3A_128] {strides = array<i32>} : memref<8x128xf32, #tpu.memory_space<vmem>>, vector<1x16xf32>,
    %swap3A_130 = vector.shape_cast %swap3A_129 : vector<1x16xf32> to vector<16xf32>
    %swap3A_131 = vector.shape_cast %broadcast_in_dim3A_0 : vector<16xf32> to vector<1x16xf32>
    tpu.vector_store %arg9[%swap3A_127, %swap3A_128], %swap3A_131 {strides = array<i32>} : memref<8x128xf32, #tpu.memory_space<vmem>>, vector<1x16xf32>,
    %swap3A_132 = arith.constant 2 : i32
    %swap3A_133 = arith.index_cast %swap3A_132 : i32 to index
    %swap3A_134 = arith.constant 96 : index
    %swap3A_135 = tpu.vector_load %arg9[%swap3A_133, %swap3A_134] {strides = array<i32>} : memref<8x128xf32, #tpu.memory_space<vmem>>, vector<1x16xf32>,
    %swap3A_136 = vector.shape_cast %swap3A_135 : vector<1x16xf32> to vector<16xf32>
    %swap3A_137 = vector.shape_cast %broadcast_in_dim3A_0 : vector<16xf32> to vector<1x16xf32>
    tpu.vector_store %arg9[%swap3A_133, %swap3A_134], %swap3A_137 {strides = array<i32>} : memref<8x128xf32, #tpu.memory_space<vmem>>, vector<1x16xf32>,
    %swap3A_138 = arith.constant 2 : i32
    %swap3A_139 = arith.index_cast %swap3A_138 : i32 to index
    %swap3A_140 = arith.constant 112 : index
    %swap3A_141 = tpu.vector_load %arg9[%swap3A_139, %swap3A_140] {strides = array<i32>} : memref<8x128xf32, #tpu.memory_space<vmem>>, vector<1x16xf32>,
    %swap3A_142 = vector.shape_cast %swap3A_141 : vector<1x16xf32> to vector<16xf32>
    %swap3A_143 = vector.shape_cast %broadcast_in_dim3A_0 : vector<16xf32> to vector<1x16xf32>
    tpu.vector_store %arg9[%swap3A_139, %swap3A_140], %swap3A_143 {strides = array<i32>} : memref<8x128xf32, #tpu.memory_space<vmem>>, vector<1x16xf32>,
    %swap3A_144 = arith.constant 3 : i32
    %swap3A_145 = arith.index_cast %swap3A_144 : i32 to index
    %swap3A_146 = arith.constant 0 : index
    %swap3A_147 = tpu.vector_load %arg9[%swap3A_145, %swap3A_146] {strides = array<i32>} : memref<8x128xf32, #tpu.memory_space<vmem>>, vector<1x16xf32>,
    %swap3A_148 = vector.shape_cast %swap3A_147 : vector<1x16xf32> to vector<16xf32>
    %swap3A_149 = vector.shape_cast %broadcast_in_dim3A_0 : vector<16xf32> to vector<1x16xf32>
    tpu.vector_store %arg9[%swap3A_145, %swap3A_146], %swap3A_149 {strides = array<i32>} : memref<8x128xf32, #tpu.memory_space<vmem>>, vector<1x16xf32>,
    %swap3A_150 = arith.constant 3 : i32
    %swap3A_151 = arith.index_cast %swap3A_150 : i32 to index
    %swap3A_152 = arith.constant 16 : index
    %swap3A_153 = tpu.vector_load %arg9[%swap3A_151, %swap3A_152] {strides = array<i32>} : memref<8x128xf32, #tpu.memory_space<vmem>>, vector<1x16xf32>,
    %swap3A_154 = vector.shape_cast %swap3A_153 : vector<1x16xf32> to vector<16xf32>
    %swap3A_155 = vector.shape_cast %broadcast_in_dim3A_0 : vector<16xf32> to vector<1x16xf32>
    tpu.vector_store %arg9[%swap3A_151, %swap3A_152], %swap3A_155 {strides = array<i32>} : memref<8x128xf32, #tpu.memory_space<vmem>>, vector<1x16xf32>,
    %swap3A_156 = arith.constant 3 : i32
    %swap3A_157 = arith.index_cast %swap3A_156 : i32 to index
    %swap3A_158 = arith.constant 32 : index
    %swap3A_159 = tpu.vector_load %arg9[%swap3A_157, %swap3A_158] {strides = array<i32>} : memref<8x128xf32, #tpu.memory_space<vmem>>, vector<1x16xf32>,
    %swap3A_160 = vector.shape_cast %swap3A_159 : vector<1x16xf32> to vector<16xf32>
    %swap3A_161 = vector.shape_cast %broadcast_in_dim3A_0 : vector<16xf32> to vector<1x16xf32>
    tpu.vector_store %arg9[%swap3A_157, %swap3A_158], %swap3A_161 {strides = array<i32>} : memref<8x128xf32, #tpu.memory_space<vmem>>, vector<1x16xf32>,
    %swap3A_162 = arith.constant 3 : i32
    %swap3A_163 = arith.index_cast %swap3A_162 : i32 to index
    %swap3A_164 = arith.constant 48 : index
    %swap3A_165 = tpu.vector_load %arg9[%swap3A_163, %swap3A_164] {strides = array<i32>} : memref<8x128xf32, #tpu.memory_space<vmem>>, vector<1x16xf32>,
    %swap3A_166 = vector.shape_cast %swap3A_165 : vector<1x16xf32> to vector<16xf32>
    %swap3A_167 = vector.shape_cast %broadcast_in_dim3A_0 : vector<16xf32> to vector<1x16xf32>
    tpu.vector_store %arg9[%swap3A_163, %swap3A_164], %swap3A_167 {strides = array<i32>} : memref<8x128xf32, #tpu.memory_space<vmem>>, vector<1x16xf32>,
    %swap3A_168 = arith.constant 3 : i32
    %swap3A_169 = arith.index_cast %swap3A_168 : i32 to index
    %swap3A_170 = arith.constant 64 : index
    %swap3A_171 = tpu.vector_load %arg9[%swap3A_169, %swap3A_170] {strides = array<i32>} : memref<8x128xf32, #tpu.memory_space<vmem>>, vector<1x16xf32>,
    %swap3A_172 = vector.shape_cast %swap3A_171 : vector<1x16xf32> to vector<16xf32>
    %swap3A_173 = vector.shape_cast %broadcast_in_dim3A_0 : vector<16xf32> to vector<1x16xf32>
    tpu.vector_store %arg9[%swap3A_169, %swap3A_170], %swap3A_173 {strides = array<i32>} : memref<8x128xf32, #tpu.memory_space<vmem>>, vector<1x16xf32>,
    %swap3A_174 = arith.constant 3 : i32
    %swap3A_175 = arith.index_cast %swap3A_174 : i32 to index
    %swap3A_176 = arith.constant 80 : index
    %swap3A_177 = tpu.vector_load %arg9[%swap3A_175, %swap3A_176] {strides = array<i32>} : memref<8x128xf32, #tpu.memory_space<vmem>>, vector<1x16xf32>,
    %swap3A_178 = vector.shape_cast %swap3A_177 : vector<1x16xf32> to vector<16xf32>
    %swap3A_179 = vector.shape_cast %broadcast_in_dim3A_0 : vector<16xf32> to vector<1x16xf32>
    tpu.vector_store %arg9[%swap3A_175, %swap3A_176], %swap3A_179 {strides = array<i32>} : memref<8x128xf32, #tpu.memory_space<vmem>>, vector<1x16xf32>,
    %swap3A_180 = arith.constant 3 : i32
    %swap3A_181 = arith.index_cast %swap3A_180 : i32 to index
    %swap3A_182 = arith.constant 96 : index
    %swap3A_183 = tpu.vector_load %arg9[%swap3A_181, %swap3A_182] {strides = array<i32>} : memref<8x128xf32, #tpu.memory_space<vmem>>, vector<1x16xf32>,
    %swap3A_184 = vector.shape_cast %swap3A_183 : vector<1x16xf32> to vector<16xf32>
    %swap3A_185 = vector.shape_cast %broadcast_in_dim3A_0 : vector<16xf32> to vector<1x16xf32>
    tpu.vector_store %arg9[%swap3A_181, %swap3A_182], %swap3A_185 {strides = array<i32>} : memref<8x128xf32, #tpu.memory_space<vmem>>, vector<1x16xf32>,
    %swap3A_186 = arith.constant 3 : i32
    %swap3A_187 = arith.index_cast %swap3A_186 : i32 to index
    %swap3A_188 = arith.constant 112 : index
    %swap3A_189 = tpu.vector_load %arg9[%swap3A_187, %swap3A_188] {strides = array<i32>} : memref<8x128xf32, #tpu.memory_space<vmem>>, vector<1x16xf32>,
    %swap3A_190 = vector.shape_cast %swap3A_189 : vector<1x16xf32> to vector<16xf32>
    %swap3A_191 = vector.shape_cast %broadcast_in_dim3A_0 : vector<16xf32> to vector<1x16xf32>
    tpu.vector_store %arg9[%swap3A_187, %swap3A_188], %swap3A_191 {strides = array<i32>} : memref<8x128xf32, #tpu.memory_space<vmem>>, vector<1x16xf32>,
    %swap3A_192 = arith.constant 4 : i32
    %swap3A_193 = arith.index_cast %swap3A_192 : i32 to index
    %swap3A_194 = arith.constant 0 : index
    %swap3A_195 = tpu.vector_load %arg9[%swap3A_193, %swap3A_194] {strides = array<i32>} : memref<8x128xf32, #tpu.memory_space<vmem>>, vector<1x16xf32>,
    %swap3A_196 = vector.shape_cast %swap3A_195 : vector<1x16xf32> to vector<16xf32>
    %swap3A_197 = vector.shape_cast %broadcast_in_dim3A_0 : vector<16xf32> to vector<1x16xf32>
    tpu.vector_store %arg9[%swap3A_193, %swap3A_194], %swap3A_197 {strides = array<i32>} : memref<8x128xf32, #tpu.memory_space<vmem>>, vector<1x16xf32>,
    %swap3A_198 = arith.constant 4 : i32
    %swap3A_199 = arith.index_cast %swap3A_198 : i32 to index
    %swap3A_200 = arith.constant 16 : index
    %swap3A_201 = tpu.vector_load %arg9[%swap3A_199, %swap3A_200] {strides = array<i32>} : memref<8x128xf32, #tpu.memory_space<vmem>>, vector<1x16xf32>,
    %swap3A_202 = vector.shape_cast %swap3A_201 : vector<1x16xf32> to vector<16xf32>
    %swap3A_203 = vector.shape_cast %broadcast_in_dim3A_0 : vector<16xf32> to vector<1x16xf32>
    tpu.vector_store %arg9[%swap3A_199, %swap3A_200], %swap3A_203 {strides = array<i32>} : memref<8x128xf32, #tpu.memory_space<vmem>>, vector<1x16xf32>,
    %swap3A_204 = arith.constant 4 : i32
    %swap3A_205 = arith.index_cast %swap3A_204 : i32 to index
    %swap3A_206 = arith.constant 32 : index
    %swap3A_207 = tpu.vector_load %arg9[%swap3A_205, %swap3A_206] {strides = array<i32>} : memref<8x128xf32, #tpu.memory_space<vmem>>, vector<1x16xf32>,
    %swap3A_208 = vector.shape_cast %swap3A_207 : vector<1x16xf32> to vector<16xf32>
    %swap3A_209 = vector.shape_cast %broadcast_in_dim3A_0 : vector<16xf32> to vector<1x16xf32>
    tpu.vector_store %arg9[%swap3A_205, %swap3A_206], %swap3A_209 {strides = array<i32>} : memref<8x128xf32, #tpu.memory_space<vmem>>, vector<1x16xf32>,
    %swap3A_210 = arith.constant 4 : i32
    %swap3A_211 = arith.index_cast %swap3A_210 : i32 to index
    %swap3A_212 = arith.constant 48 : index
    %swap3A_213 = tpu.vector_load %arg9[%swap3A_211, %swap3A_212] {strides = array<i32>} : memref<8x128xf32, #tpu.memory_space<vmem>>, vector<1x16xf32>,
    %swap3A_214 = vector.shape_cast %swap3A_213 : vector<1x16xf32> to vector<16xf32>
    %swap3A_215 = vector.shape_cast %broadcast_in_dim3A_0 : vector<16xf32> to vector<1x16xf32>
    tpu.vector_store %arg9[%swap3A_211, %swap3A_212], %swap3A_215 {strides = array<i32>} : memref<8x128xf32, #tpu.memory_space<vmem>>, vector<1x16xf32>,
    %swap3A_216 = arith.constant 4 : i32
    %swap3A_217 = arith.index_cast %swap3A_216 : i32 to index
    %swap3A_218 = arith.constant 64 : index
    %swap3A_219 = tpu.vector_load %arg9[%swap3A_217, %swap3A_218] {strides = array<i32>} : memref<8x128xf32, #tpu.memory_space<vmem>>, vector<1x16xf32>,
    %swap3A_220 = vector.shape_cast %swap3A_219 : vector<1x16xf32> to vector<16xf32>
    %swap3A_221 = vector.shape_cast %broadcast_in_dim3A_0 : vector<16xf32> to vector<1x16xf32>
    tpu.vector_store %arg9[%swap3A_217, %swap3A_218], %swap3A_221 {strides = array<i32>} : memref<8x128xf32, #tpu.memory_space<vmem>>, vector<1x16xf32>,
    %swap3A_222 = arith.constant 4 : i32
    %swap3A_223 = arith.index_cast %swap3A_222 : i32 to index
    %swap3A_224 = arith.constant 80 : index
    %swap3A_225 = tpu.vector_load %arg9[%swap3A_223, %swap3A_224] {strides = array<i32>} : memref<8x128xf32, #tpu.memory_space<vmem>>, vector<1x16xf32>,
    %swap3A_226 = vector.shape_cast %swap3A_225 : vector<1x16xf32> to vector<16xf32>
    %swap3A_227 = vector.shape_cast %broadcast_in_dim3A_0 : vector<16xf32> to vector<1x16xf32>
    tpu.vector_store %arg9[%swap3A_223, %swap3A_224], %swap3A_227 {strides = array<i32>} : memref<8x128xf32, #tpu.memory_space<vmem>>, vector<1x16xf32>,
    %swap3A_228 = arith.constant 4 : i32
    %swap3A_229 = arith.index_cast %swap3A_228 : i32 to index
    %swap3A_230 = arith.constant 96 : index
    %swap3A_231 = tpu.vector_load %arg9[%swap3A_229, %swap3A_230] {strides = array<i32>} : memref<8x128xf32, #tpu.memory_space<vmem>>, vector<1x16xf32>,
    %swap3A_232 = vector.shape_cast %swap3A_231 : vector<1x16xf32> to vector<16xf32>
    %swap3A_233 = vector.shape_cast %broadcast_in_dim3A_0 : vector<16xf32> to vector<1x16xf32>
    tpu.vector_store %arg9[%swap3A_229, %swap3A_230], %swap3A_233 {strides = array<i32>} : memref<8x128xf32, #tpu.memory_space<vmem>>, vector<1x16xf32>,
    %swap3A_234 = arith.constant 4 : i32
    %swap3A_235 = arith.index_cast %swap3A_234 : i32 to index
    %swap3A_236 = arith.constant 112 : index
    %swap3A_237 = tpu.vector_load %arg9[%swap3A_235, %swap3A_236] {strides = array<i32>} : memref<8x128xf32, #tpu.memory_space<vmem>>, vector<1x16xf32>,
    %swap3A_238 = vector.shape_cast %swap3A_237 : vector<1x16xf32> to vector<16xf32>
    %swap3A_239 = vector.shape_cast %broadcast_in_dim3A_0 : vector<16xf32> to vector<1x16xf32>
    tpu.vector_store %arg9[%swap3A_235, %swap3A_236], %swap3A_239 {strides = array<i32>} : memref<8x128xf32, #tpu.memory_space<vmem>>, vector<1x16xf32>,
    %swap3A_240 = arith.constant 5 : i32
    %swap3A_241 = arith.index_cast %swap3A_240 : i32 to index
    %swap3A_242 = arith.constant 0 : index
    %swap3A_243 = tpu.vector_load %arg9[%swap3A_241, %swap3A_242] {strides = array<i32>} : memref<8x128xf32, #tpu.memory_space<vmem>>, vector<1x16xf32>,
    %swap3A_244 = vector.shape_cast %swap3A_243 : vector<1x16xf32> to vector<16xf32>
    %swap3A_245 = vector.shape_cast %broadcast_in_dim3A_0 : vector<16xf32> to vector<1x16xf32>
    tpu.vector_store %arg9[%swap3A_241, %swap3A_242], %swap3A_245 {strides = array<i32>} : memref<8x128xf32, #tpu.memory_space<vmem>>, vector<1x16xf32>,
    %swap3A_246 = arith.constant 5 : i32
    %swap3A_247 = arith.index_cast %swap3A_246 : i32 to index
    %swap3A_248 = arith.constant 16 : index
    %swap3A_249 = tpu.vector_load %arg9[%swap3A_247, %swap3A_248] {strides = array<i32>} : memref<8x128xf32, #tpu.memory_space<vmem>>, vector<1x16xf32>,
    %swap3A_250 = vector.shape_cast %swap3A_249 : vector<1x16xf32> to vector<16xf32>
    %swap3A_251 = vector.shape_cast %broadcast_in_dim3A_0 : vector<16xf32> to vector<1x16xf32>
    tpu.vector_store %arg9[%swap3A_247, %swap3A_248], %swap3A_251 {strides = array<i32>} : memref<8x128xf32, #tpu.memory_space<vmem>>, vector<1x16xf32>,
    %swap3A_252 = arith.constant 5 : i32
    %swap3A_253 = arith.index_cast %swap3A_252 : i32 to index
    %swap3A_254 = arith.constant 32 : index
    %swap3A_255 = tpu.vector_load %arg9[%swap3A_253, %swap3A_254] {strides = array<i32>} : memref<8x128xf32, #tpu.memory_space<vmem>>, vector<1x16xf32>,
    %swap3A_256 = vector.shape_cast %swap3A_255 : vector<1x16xf32> to vector<16xf32>
    %swap3A_257 = vector.shape_cast %broadcast_in_dim3A_0 : vector<16xf32> to vector<1x16xf32>
    tpu.vector_store %arg9[%swap3A_253, %swap3A_254], %swap3A_257 {strides = array<i32>} : memref<8x128xf32, #tpu.memory_space<vmem>>, vector<1x16xf32>,
    %swap3A_258 = arith.constant 5 : i32
    %swap3A_259 = arith.index_cast %swap3A_258 : i32 to index
    %swap3A_260 = arith.constant 48 : index
    %swap3A_261 = tpu.vector_load %arg9[%swap3A_259, %swap3A_260] {strides = array<i32>} : memref<8x128xf32, #tpu.memory_space<vmem>>, vector<1x16xf32>,
    %swap3A_262 = vector.shape_cast %swap3A_261 : vector<1x16xf32> to vector<16xf32>
    %swap3A_263 = vector.shape_cast %broadcast_in_dim3A_0 : vector<16xf32> to vector<1x16xf32>
    tpu.vector_store %arg9[%swap3A_259, %swap3A_260], %swap3A_263 {strides = array<i32>} : memref<8x128xf32, #tpu.memory_space<vmem>>, vector<1x16xf32>,
    %swap3A_264 = arith.constant 5 : i32
    %swap3A_265 = arith.index_cast %swap3A_264 : i32 to index
    %swap3A_266 = arith.constant 64 : index
    %swap3A_267 = tpu.vector_load %arg9[%swap3A_265, %swap3A_266] {strides = array<i32>} : memref<8x128xf32, #tpu.memory_space<vmem>>, vector<1x16xf32>,
    %swap3A_268 = vector.shape_cast %swap3A_267 : vector<1x16xf32> to vector<16xf32>
    %swap3A_269 = vector.shape_cast %broadcast_in_dim3A_0 : vector<16xf32> to vector<1x16xf32>
    tpu.vector_store %arg9[%swap3A_265, %swap3A_266], %swap3A_269 {strides = array<i32>} : memref<8x128xf32, #tpu.memory_space<vmem>>, vector<1x16xf32>,
    %swap3A_270 = arith.constant 5 : i32
    %swap3A_271 = arith.index_cast %swap3A_270 : i32 to index
    %swap3A_272 = arith.constant 80 : index
    %swap3A_273 = tpu.vector_load %arg9[%swap3A_271, %swap3A_272] {strides = array<i32>} : memref<8x128xf32, #tpu.memory_space<vmem>>, vector<1x16xf32>,
    %swap3A_274 = vector.shape_cast %swap3A_273 : vector<1x16xf32> to vector<16xf32>
    %swap3A_275 = vector.shape_cast %broadcast_in_dim3A_0 : vector<16xf32> to vector<1x16xf32>
    tpu.vector_store %arg9[%swap3A_271, %swap3A_272], %swap3A_275 {strides = array<i32>} : memref<8x128xf32, #tpu.memory_space<vmem>>, vector<1x16xf32>,
    %swap3A_276 = arith.constant 5 : i32
    %swap3A_277 = arith.index_cast %swap3A_276 : i32 to index
    %swap3A_278 = arith.constant 96 : index
    %swap3A_279 = tpu.vector_load %arg9[%swap3A_277, %swap3A_278] {strides = array<i32>} : memref<8x128xf32, #tpu.memory_space<vmem>>, vector<1x16xf32>,
    %swap3A_280 = vector.shape_cast %swap3A_279 : vector<1x16xf32> to vector<16xf32>
    %swap3A_281 = vector.shape_cast %broadcast_in_dim3A_0 : vector<16xf32> to vector<1x16xf32>
    tpu.vector_store %arg9[%swap3A_277, %swap3A_278], %swap3A_281 {strides = array<i32>} : memref<8x128xf32, #tpu.memory_space<vmem>>, vector<1x16xf32>,
    %swap3A_282 = arith.constant 5 : i32
    %swap3A_283 = arith.index_cast %swap3A_282 : i32 to index
    %swap3A_284 = arith.constant 112 : index
    %swap3A_285 = tpu.vector_load %arg9[%swap3A_283, %swap3A_284] {strides = array<i32>} : memref<8x128xf32, #tpu.memory_space<vmem>>, vector<1x16xf32>,
    %swap3A_286 = vector.shape_cast %swap3A_285 : vector<1x16xf32> to vector<16xf32>
    %swap3A_287 = vector.shape_cast %broadcast_in_dim3A_0 : vector<16xf32> to vector<1x16xf32>
    tpu.vector_store %arg9[%swap3A_283, %swap3A_284], %swap3A_287 {strides = array<i32>} : memref<8x128xf32, #tpu.memory_space<vmem>>, vector<1x16xf32>,
    %swap3A_288 = arith.constant 6 : i32
    %swap3A_289 = arith.index_cast %swap3A_288 : i32 to index
    %swap3A_290 = arith.constant 0 : index
    %swap3A_291 = tpu.vector_load %arg9[%swap3A_289, %swap3A_290] {strides = array<i32>} : memref<8x128xf32, #tpu.memory_space<vmem>>, vector<1x16xf32>,
    %swap3A_292 = vector.shape_cast %swap3A_291 : vector<1x16xf32> to vector<16xf32>
    %swap3A_293 = vector.shape_cast %broadcast_in_dim3A_0 : vector<16xf32> to vector<1x16xf32>
    tpu.vector_store %arg9[%swap3A_289, %swap3A_290], %swap3A_293 {strides = array<i32>} : memref<8x128xf32, #tpu.memory_space<vmem>>, vector<1x16xf32>,
    %swap3A_294 = arith.constant 6 : i32
    %swap3A_295 = arith.index_cast %swap3A_294 : i32 to index
    %swap3A_296 = arith.constant 16 : index
    %swap3A_297 = tpu.vector_load %arg9[%swap3A_295, %swap3A_296] {strides = array<i32>} : memref<8x128xf32, #tpu.memory_space<vmem>>, vector<1x16xf32>,
    %swap3A_298 = vector.shape_cast %swap3A_297 : vector<1x16xf32> to vector<16xf32>
    %swap3A_299 = vector.shape_cast %broadcast_in_dim3A_0 : vector<16xf32> to vector<1x16xf32>
    tpu.vector_store %arg9[%swap3A_295, %swap3A_296], %swap3A_299 {strides = array<i32>} : memref<8x128xf32, #tpu.memory_space<vmem>>, vector<1x16xf32>,
    %swap3A_300 = arith.constant 6 : i32
    %swap3A_301 = arith.index_cast %swap3A_300 : i32 to index
    %swap3A_302 = arith.constant 32 : index
    %swap3A_303 = tpu.vector_load %arg9[%swap3A_301, %swap3A_302] {strides = array<i32>} : memref<8x128xf32, #tpu.memory_space<vmem>>, vector<1x16xf32>,
    %swap3A_304 = vector.shape_cast %swap3A_303 : vector<1x16xf32> to vector<16xf32>
    %swap3A_305 = vector.shape_cast %broadcast_in_dim3A_0 : vector<16xf32> to vector<1x16xf32>
    tpu.vector_store %arg9[%swap3A_301, %swap3A_302], %swap3A_305 {strides = array<i32>} : memref<8x128xf32, #tpu.memory_space<vmem>>, vector<1x16xf32>,
    %swap3A_306 = arith.constant 6 : i32
    %swap3A_307 = arith.index_cast %swap3A_306 : i32 to index
    %swap3A_308 = arith.constant 48 : index
    %swap3A_309 = tpu.vector_load %arg9[%swap3A_307, %swap3A_308] {strides = array<i32>} : memref<8x128xf32, #tpu.memory_space<vmem>>, vector<1x16xf32>,
    %swap3A_310 = vector.shape_cast %swap3A_309 : vector<1x16xf32> to vector<16xf32>
    %swap3A_311 = vector.shape_cast %broadcast_in_dim3A_0 : vector<16xf32> to vector<1x16xf32>
    tpu.vector_store %arg9[%swap3A_307, %swap3A_308], %swap3A_311 {strides = array<i32>} : memref<8x128xf32, #tpu.memory_space<vmem>>, vector<1x16xf32>,
    %swap3A_312 = arith.constant 6 : i32
    %swap3A_313 = arith.index_cast %swap3A_312 : i32 to index
    %swap3A_314 = arith.constant 64 : index
    %swap3A_315 = tpu.vector_load %arg9[%swap3A_313, %swap3A_314] {strides = array<i32>} : memref<8x128xf32, #tpu.memory_space<vmem>>, vector<1x16xf32>,
    %swap3A_316 = vector.shape_cast %swap3A_315 : vector<1x16xf32> to vector<16xf32>
    %swap3A_317 = vector.shape_cast %broadcast_in_dim3A_0 : vector<16xf32> to vector<1x16xf32>
    tpu.vector_store %arg9[%swap3A_313, %swap3A_314], %swap3A_317 {strides = array<i32>} : memref<8x128xf32, #tpu.memory_space<vmem>>, vector<1x16xf32>,
    %swap3A_318 = arith.constant 6 : i32
    %swap3A_319 = arith.index_cast %swap3A_318 : i32 to index
    %swap3A_320 = arith.constant 80 : index
    %swap3A_321 = tpu.vector_load %arg9[%swap3A_319, %swap3A_320] {strides = array<i32>} : memref<8x128xf32, #tpu.memory_space<vmem>>, vector<1x16xf32>,
    %swap3A_322 = vector.shape_cast %swap3A_321 : vector<1x16xf32> to vector<16xf32>
    %swap3A_323 = vector.shape_cast %broadcast_in_dim3A_0 : vector<16xf32> to vector<1x16xf32>
    tpu.vector_store %arg9[%swap3A_319, %swap3A_320], %swap3A_323 {strides = array<i32>} : memref<8x128xf32, #tpu.memory_space<vmem>>, vector<1x16xf32>,
    %swap3A_324 = arith.constant 6 : i32
    %swap3A_325 = arith.index_cast %swap3A_324 : i32 to index
    %swap3A_326 = arith.constant 96 : index
    %swap3A_327 = tpu.vector_load %arg9[%swap3A_325, %swap3A_326] {strides = array<i32>} : memref<8x128xf32, #tpu.memory_space<vmem>>, vector<1x16xf32>,
    %swap3A_328 = vector.shape_cast %swap3A_327 : vector<1x16xf32> to vector<16xf32>
    %swap3A_329 = vector.shape_cast %broadcast_in_dim3A_0 : vector<16xf32> to vector<1x16xf32>
    tpu.vector_store %arg9[%swap3A_325, %swap3A_326], %swap3A_329 {strides = array<i32>} : memref<8x128xf32, #tpu.memory_space<vmem>>, vector<1x16xf32>,
    %swap3A_330 = arith.constant 6 : i32
    %swap3A_331 = arith.index_cast %swap3A_330 : i32 to index
    %swap3A_332 = arith.constant 112 : index
    %swap3A_333 = tpu.vector_load %arg9[%swap3A_331, %swap3A_332] {strides = array<i32>} : memref<8x128xf32, #tpu.memory_space<vmem>>, vector<1x16xf32>,
    %swap3A_334 = vector.shape_cast %swap3A_333 : vector<1x16xf32> to vector<16xf32>
    %swap3A_335 = vector.shape_cast %broadcast_in_dim3A_0 : vector<16xf32> to vector<1x16xf32>
    tpu.vector_store %arg9[%swap3A_331, %swap3A_332], %swap3A_335 {strides = array<i32>} : memref<8x128xf32, #tpu.memory_space<vmem>>, vector<1x16xf32>,
    %swap3A_336 = arith.constant 7 : i32
    %swap3A_337 = arith.index_cast %swap3A_336 : i32 to index
    %swap3A_338 = arith.constant 0 : index
    %swap3A_339 = tpu.vector_load %arg9[%swap3A_337, %swap3A_338] {strides = array<i32>} : memref<8x128xf32, #tpu.memory_space<vmem>>, vector<1x16xf32>,
    %swap3A_340 = vector.shape_cast %swap3A_339 : vector<1x16xf32> to vector<16xf32>
    %swap3A_341 = vector.shape_cast %broadcast_in_dim3A_0 : vector<16xf32> to vector<1x16xf32>
    tpu.vector_store %arg9[%swap3A_337, %swap3A_338], %swap3A_341 {strides = array<i32>} : memref<8x128xf32, #tpu.memory_space<vmem>>, vector<1x16xf32>,
    %swap3A_342 = arith.constant 7 : i32
    %swap3A_343 = arith.index_cast %swap3A_342 : i32 to index
    %swap3A_344 = arith.constant 16 : index
    %swap3A_345 = tpu.vector_load %arg9[%swap3A_343, %swap3A_344] {strides = array<i32>} : memref<8x128xf32, #tpu.memory_space<vmem>>, vector<1x16xf32>,
    %swap3A_346 = vector.shape_cast %swap3A_345 : vector<1x16xf32> to vector<16xf32>
    %swap3A_347 = vector.shape_cast %broadcast_in_dim3A_0 : vector<16xf32> to vector<1x16xf32>
    tpu.vector_store %arg9[%swap3A_343, %swap3A_344], %swap3A_347 {strides = array<i32>} : memref<8x128xf32, #tpu.memory_space<vmem>>, vector<1x16xf32>,
    %swap3A_348 = arith.constant 7 : i32
    %swap3A_349 = arith.index_cast %swap3A_348 : i32 to index
    %swap3A_350 = arith.constant 32 : index
    %swap3A_351 = tpu.vector_load %arg9[%swap3A_349, %swap3A_350] {strides = array<i32>} : memref<8x128xf32, #tpu.memory_space<vmem>>, vector<1x16xf32>,
    %swap3A_352 = vector.shape_cast %swap3A_351 : vector<1x16xf32> to vector<16xf32>
    %swap3A_353 = vector.shape_cast %broadcast_in_dim3A_0 : vector<16xf32> to vector<1x16xf32>
    tpu.vector_store %arg9[%swap3A_349, %swap3A_350], %swap3A_353 {strides = array<i32>} : memref<8x128xf32, #tpu.memory_space<vmem>>, vector<1x16xf32>,
    %swap3A_354 = arith.constant 7 : i32
    %swap3A_355 = arith.index_cast %swap3A_354 : i32 to index
    %swap3A_356 = arith.constant 48 : index
    %swap3A_357 = tpu.vector_load %arg9[%swap3A_355, %swap3A_356] {strides = array<i32>} : memref<8x128xf32, #tpu.memory_space<vmem>>, vector<1x16xf32>,
    %swap3A_358 = vector.shape_cast %swap3A_357 : vector<1x16xf32> to vector<16xf32>
    %swap3A_359 = vector.shape_cast %broadcast_in_dim3A_0 : vector<16xf32> to vector<1x16xf32>
    tpu.vector_store %arg9[%swap3A_355, %swap3A_356], %swap3A_359 {strides = array<i32>} : memref<8x128xf32, #tpu.memory_space<vmem>>, vector<1x16xf32>,
    %swap3A_360 = arith.constant 7 : i32
    %swap3A_361 = arith.index_cast %swap3A_360 : i32 to index
    %swap3A_362 = arith.constant 64 : index
    %swap3A_363 = tpu.vector_load %arg9[%swap3A_361, %swap3A_362] {strides = array<i32>} : memref<8x128xf32, #tpu.memory_space<vmem>>, vector<1x16xf32>,
    %swap3A_364 = vector.shape_cast %swap3A_363 : vector<1x16xf32> to vector<16xf32>
    %swap3A_365 = vector.shape_cast %broadcast_in_dim3A_0 : vector<16xf32> to vector<1x16xf32>
    tpu.vector_store %arg9[%swap3A_361, %swap3A_362], %swap3A_365 {strides = array<i32>} : memref<8x128xf32, #tpu.memory_space<vmem>>, vector<1x16xf32>,
    %swap3A_366 = arith.constant 7 : i32
    %swap3A_367 = arith.index_cast %swap3A_366 : i32 to index
    %swap3A_368 = arith.constant 80 : index
    %swap3A_369 = tpu.vector_load %arg9[%swap3A_367, %swap3A_368] {strides = array<i32>} : memref<8x128xf32, #tpu.memory_space<vmem>>, vector<1x16xf32>,
    %swap3A_370 = vector.shape_cast %swap3A_369 : vector<1x16xf32> to vector<16xf32>
    %swap3A_371 = vector.shape_cast %broadcast_in_dim3A_0 : vector<16xf32> to vector<1x16xf32>
    tpu.vector_store %arg9[%swap3A_367, %swap3A_368], %swap3A_371 {strides = array<i32>} : memref<8x128xf32, #tpu.memory_space<vmem>>, vector<1x16xf32>,
    %swap3A_372 = arith.constant 7 : i32
    %swap3A_373 = arith.index_cast %swap3A_372 : i32 to index
    %swap3A_374 = arith.constant 96 : index
    %swap3A_375 = tpu.vector_load %arg9[%swap3A_373, %swap3A_374] {strides = array<i32>} : memref<8x128xf32, #tpu.memory_space<vmem>>, vector<1x16xf32>,
    %swap3A_376 = vector.shape_cast %swap3A_375 : vector<1x16xf32> to vector<16xf32>
    %swap3A_377 = vector.shape_cast %broadcast_in_dim3A_0 : vector<16xf32> to vector<1x16xf32>
    tpu.vector_store %arg9[%swap3A_373, %swap3A_374], %swap3A_377 {strides = array<i32>} : memref<8x128xf32, #tpu.memory_space<vmem>>, vector<1x16xf32>,
    %swap3A_378 = arith.constant 7 : i32
    %swap3A_379 = arith.index_cast %swap3A_378 : i32 to index
    %swap3A_380 = arith.constant 112 : index
    %swap3A_381 = tpu.vector_load %arg9[%swap3A_379, %swap3A_380] {strides = array<i32>} : memref<8x128xf32, #tpu.memory_space<vmem>>, vector<1x16xf32>,
    %swap3A_382 = vector.shape_cast %swap3A_381 : vector<1x16xf32> to vector<16xf32>
    %swap3A_383 = vector.shape_cast %broadcast_in_dim3A_0 : vector<16xf32> to vector<1x16xf32>
    tpu.vector_store %arg9[%swap3A_379, %swap3A_380], %swap3A_383 {strides = array<i32>} : memref<8x128xf32, #tpu.memory_space<vmem>>, vector<1x16xf32>,
    %scan3A = arith.constant 0 : i32
    %scan3A_384 = arith.constant 0 : i32
    %scan3A_385 = arith.constant 87 : i32
    %scan3A_386 = arith.addi %scan3A_384, %scan3A_385 : i32
    %scan3A_387 = arith.constant 1 : i32
    scf.for %scan3A_435 = %scan3A_384 to %scan3A_386 step %scan3A_387  : i32 {
      %lt3A = arith.constant 79 : i32
      %lt3A_436 = arith.cmpi slt, %scan3A_435, %lt3A : i32
      %convert_element_type3A = arith.extui %lt3A_436 : i1 to i32
      %cond3A = arith.constant 0 : i32
      %cond3A_437 = arith.cmpi ne, %convert_element_type3A, %cond3A : i32
      scf.if %cond3A_437 {
        %mul3A_442 = arith.constant 632 : i32
        %mul3A_443 = arith.muli %arg1, %mul3A_442 : i32
        %mul3A_444 = arith.constant 8 : i32
        %mul3A_445 = arith.muli %scan3A_435, %mul3A_444 : i32
        %add3A_446 = arith.addi %mul3A_443, %mul3A_445 : i32
        %dma_start3A_447 = arith.constant 0 : i32
        %dma_start3A_448 = tpu.memref_slice %arg10[%add3A_446, %dma_start3A_447] : memref<10112x128xf32, #tpu.memory_space<vmem_shared>> -> memref<8x128xf32, #tpu.memory_space<vmem_shared>>
        %dma_start3A_449 = arith.constant 0 : i32
        %dma_start3A_450 = tpu.memref_slice %arg10[%add3A_446, %dma_start3A_449] : memref<10112x128xf32, #tpu.memory_space<vmem_shared>> -> memref<8x128xf32, #tpu.memory_space<vmem_shared>>
        tpu.enqueue_dma source(%arg9 : memref<8x128xf32, #tpu.memory_space<vmem>>) target(%dma_start3A_450 : memref<8x128xf32, #tpu.memory_space<vmem_shared>>) target_semaphore(%arg11 : memref<!tpu.dma_semaphore, #tpu.memory_space<semaphore_mem>>)
      } else {
      }
      %ge3A = arith.constant 8 : i32
      %ge3A_438 = arith.cmpi sge, %scan3A_435, %ge3A : i32
      %convert_element_type3A_439 = arith.extui %ge3A_438 : i1 to i32
      %cond3A_440 = arith.constant 0 : i32
      %cond3A_441 = arith.cmpi ne, %convert_element_type3A_439, %cond3A_440 : i32
      scf.if %cond3A_441 {
        %mul3A_442 = arith.constant 632 : i32
        %mul3A_443 = arith.muli %arg1, %mul3A_442 : i32
        %dma_wait3A_444 = arith.constant 0 : i32
        %dma_wait3A_445 = tpu.memref_slice %arg10[%mul3A_443, %dma_wait3A_444] : memref<10112x128xf32, #tpu.memory_space<vmem_shared>> -> memref<8x128xf32, #tpu.memory_space<vmem_shared>>
        %dma_wait3A_446 = arith.constant 0 : i32
        %dma_wait3A_447 = tpu.memref_slice %arg10[%mul3A_443, %dma_wait3A_446] : memref<10112x128xf32, #tpu.memory_space<vmem_shared>> -> memref<8x128xf32, #tpu.memory_space<vmem_shared>>
        tpu.wait_dma2 semaphore(%arg11 : memref<!tpu.dma_semaphore, #tpu.memory_space<semaphore_mem>>) src(%arg9 : memref<8x128xf32, #tpu.memory_space<vmem>>) dst(%dma_wait3A_447 : memref<8x128xf32, #tpu.memory_space<vmem_shared>>)
      } else {
      }
    }
    %scan3A_388 = arith.constant 87 : i32
    %eq3A = arith.constant 0 : i32
    %eq3A_389 = arith.cmpi eq, %arg0, %eq3A : i32
    %mul3A = arith.constant 152 : i32
    %mul3A_390 = arith.muli %arg1, %mul3A : i32
    %mul3A_391 = arith.constant 8 : i32
    %mul3A_392 = arith.muli %arg1, %mul3A_391 : i32
    %add3A = arith.constant 2432 : i32
    %add3A_393 = arith.addi %add3A, %mul3A_392 : i32
    %select_n3A = arith.select %eq3A_389, %mul3A_390, %add3A_393 : i32
    %eq3A_394 = arith.constant 0 : i32
    %eq3A_395 = arith.cmpi eq, %arg0, %eq3A_394 : i32
    %jit3A = arith.constant 152 : i32
    %jit3A_396 = arith.constant 8 : i32
    %select_n3A_397 = arith.select %eq3A_395, %jit3A, %jit3A_396 : i32
    "tpu.region"() ({
      %run_scoped3A = tpu.sem_alloc : memref<!tpu.dma_semaphore, #tpu.memory_space<semaphore_mem>>
      %dma_start3A_435 = arith.constant 0 : i32
      %dma_start3A_436 = arith.constant 0 : i32
      %dma_start3A_437 = tpu.memref_slice %arg6[%dma_start3A_435, %dma_start3A_436] : memref<48x128xi32, #tpu.memory_space<vmem>> -> memref<24x128xi32, #tpu.memory_space<vmem>>
      %dma_start3A_438 = arith.constant 0 : i32
      %dma_start3A_439 = tpu.memref_slice %arg3[%select_n3A, %dma_start3A_438] : memref<2584x128xi32, #tpu.memory_space<hbm>> -> memref<24x128xi32, #tpu.memory_space<hbm>>
      %dma_start3A_440 = arith.constant 0 : i32
      %dma_start3A_441 = arith.constant 0 : i32
      %dma_start3A_442 = tpu.memref_slice %arg6[%dma_start3A_440, %dma_start3A_441] : memref<48x128xi32, #tpu.memory_space<vmem>> -> memref<24x128xi32, #tpu.memory_space<vmem>>
      %dma_start3A_443 = arith.constant 0 : i32
      %dma_start3A_444 = tpu.memref_slice %arg3[%select_n3A, %dma_start3A_443] : memref<2584x128xi32, #tpu.memory_space<hbm>> -> memref<24x128xi32, #tpu.memory_space<hbm>>
      tpu.enqueue_dma source(%dma_start3A_444 : memref<24x128xi32, #tpu.memory_space<hbm>>) target(%dma_start3A_442 : memref<24x128xi32, #tpu.memory_space<vmem>>) target_semaphore(%run_scoped3A : memref<!tpu.dma_semaphore, #tpu.memory_space<semaphore_mem>>)
      %dma_wait3A_445 = arith.constant 0 : i32
      %dma_wait3A_446 = arith.constant 0 : i32
      %dma_wait3A_447 = tpu.memref_slice %arg6[%dma_wait3A_445, %dma_wait3A_446] : memref<48x128xi32, #tpu.memory_space<vmem>> -> memref<24x128xi32, #tpu.memory_space<vmem>>
      %dma_wait3A_448 = arith.constant 0 : i32
      %dma_wait3A_449 = tpu.memref_slice %arg3[%select_n3A, %dma_wait3A_448] : memref<2584x128xi32, #tpu.memory_space<hbm>> -> memref<24x128xi32, #tpu.memory_space<hbm>>
      %dma_wait3A_450 = arith.constant 0 : i32
      %dma_wait3A_451 = arith.constant 0 : i32
      %dma_wait3A_452 = tpu.memref_slice %arg6[%dma_wait3A_450, %dma_wait3A_451] : memref<48x128xi32, #tpu.memory_space<vmem>> -> memref<24x128xi32, #tpu.memory_space<vmem>>
      %dma_wait3A_453 = arith.constant 0 : i32
      %dma_wait3A_454 = tpu.memref_slice %arg3[%select_n3A, %dma_wait3A_453] : memref<2584x128xi32, #tpu.memory_space<hbm>> -> memref<24x128xi32, #tpu.memory_space<hbm>>
      tpu.wait_dma2 semaphore(%run_scoped3A : memref<!tpu.dma_semaphore, #tpu.memory_space<semaphore_mem>>) src(%dma_wait3A_454 : memref<24x128xi32, #tpu.memory_space<hbm>>) dst(%dma_wait3A_452 : memref<24x128xi32, #tpu.memory_space<vmem>>)
      tpu.yield
    }) : () -> ()
    "tpu.region"() ({
      %run_scoped3A = tpu.sem_alloc : memref<!tpu.dma_semaphore, #tpu.memory_space<semaphore_mem>>
      %dma_start3A_435 = arith.constant 0 : i32
      %dma_start3A_436 = arith.constant 0 : i32
      %dma_start3A_437 = tpu.memref_slice %arg7[%dma_start3A_435, %dma_start3A_436] : memref<48x128xi32, #tpu.memory_space<vmem>> -> memref<24x128xi32, #tpu.memory_space<vmem>>
      %dma_start3A_438 = arith.constant 0 : i32
      %dma_start3A_439 = tpu.memref_slice %arg4[%select_n3A, %dma_start3A_438] : memref<2584x128xi32, #tpu.memory_space<hbm>> -> memref<24x128xi32, #tpu.memory_space<hbm>>
      %dma_start3A_440 = arith.constant 0 : i32
      %dma_start3A_441 = arith.constant 0 : i32
      %dma_start3A_442 = tpu.memref_slice %arg7[%dma_start3A_440, %dma_start3A_441] : memref<48x128xi32, #tpu.memory_space<vmem>> -> memref<24x128xi32, #tpu.memory_space<vmem>>
      %dma_start3A_443 = arith.constant 0 : i32
      %dma_start3A_444 = tpu.memref_slice %arg4[%select_n3A, %dma_start3A_443] : memref<2584x128xi32, #tpu.memory_space<hbm>> -> memref<24x128xi32, #tpu.memory_space<hbm>>
      tpu.enqueue_dma source(%dma_start3A_444 : memref<24x128xi32, #tpu.memory_space<hbm>>) target(%dma_start3A_442 : memref<24x128xi32, #tpu.memory_space<vmem>>) target_semaphore(%run_scoped3A : memref<!tpu.dma_semaphore, #tpu.memory_space<semaphore_mem>>)
      %dma_wait3A_445 = arith.constant 0 : i32
      %dma_wait3A_446 = arith.constant 0 : i32
      %dma_wait3A_447 = tpu.memref_slice %arg7[%dma_wait3A_445, %dma_wait3A_446] : memref<48x128xi32, #tpu.memory_space<vmem>> -> memref<24x128xi32, #tpu.memory_space<vmem>>
      %dma_wait3A_448 = arith.constant 0 : i32
      %dma_wait3A_449 = tpu.memref_slice %arg4[%select_n3A, %dma_wait3A_448] : memref<2584x128xi32, #tpu.memory_space<hbm>> -> memref<24x128xi32, #tpu.memory_space<hbm>>
      %dma_wait3A_450 = arith.constant 0 : i32
      %dma_wait3A_451 = arith.constant 0 : i32
      %dma_wait3A_452 = tpu.memref_slice %arg7[%dma_wait3A_450, %dma_wait3A_451] : memref<48x128xi32, #tpu.memory_space<vmem>> -> memref<24x128xi32, #tpu.memory_space<vmem>>
      %dma_wait3A_453 = arith.constant 0 : i32
      %dma_wait3A_454 = tpu.memref_slice %arg4[%select_n3A, %dma_wait3A_453] : memref<2584x128xi32, #tpu.memory_space<hbm>> -> memref<24x128xi32, #tpu.memory_space<hbm>>
      tpu.wait_dma2 semaphore(%run_scoped3A : memref<!tpu.dma_semaphore, #tpu.memory_space<semaphore_mem>>) src(%dma_wait3A_454 : memref<24x128xi32, #tpu.memory_space<hbm>>) dst(%dma_wait3A_452 : memref<24x128xi32, #tpu.memory_space<vmem>>)
      tpu.yield
    }) : () -> ()
    %barrier3A = arith.constant 0 : index
    tpu.barrier barrier_id(%barrier3A)
    %dma_start3A = arith.constant 0 : i32
    %dma_start3A_398 = arith.constant 0 : i32
    %dma_start3A_399 = arith.constant 0 : i32
    %dma_start3A_400 = tpu.memref_slice %arg8[%dma_start3A_398, %dma_start3A_399] : memref<256x128xf32, #tpu.memory_space<vmem>> -> memref<128x128xf32, #tpu.memory_space<vmem>>
    %dma_start3A_401 = arith.constant 0 : i32
    %dma_start3A_402 = tpu.memref_slice %arg6[%dma_start3A, %dma_start3A_401] : memref<48x128xi32, #tpu.memory_space<vmem>> -> memref<1x128xi32, #tpu.memory_space<vmem>>
    %dma_start3A_403 = tpu.memref_squeeze %dma_start3A_402 : memref<1x128xi32, #tpu.memory_space<vmem>> -> memref<128xi32, #tpu.memory_space<vmem>>
    %dma_start3A_404 = arith.constant 0 : i32
    %dma_start3A_405 = arith.constant 0 : i32
    %dma_start3A_406 = tpu.memref_slice %arg2[%dma_start3A_404, %dma_start3A_405] : memref<10112x128xf32, #tpu.memory_space<hbm>> -> memref<10112x128xf32, #tpu.memory_space<hbm>>
    tpu.enqueue_indirect_dma source(%dma_start3A_406 : memref<10112x128xf32, #tpu.memory_space<hbm>>) target(%dma_start3A_400 : memref<128x128xf32, #tpu.memory_space<vmem>>) offsets(%dma_start3A_403 : memref<128xi32, #tpu.memory_space<vmem>>) semaphore(%arg11 : memref<!tpu.dma_semaphore, #tpu.memory_space<semaphore_mem>>)
    %while3A = arith.constant 0 : i32
    %while3A_407 = arith.constant 0 : i32
    %while3A_408 = arith.subi %select_n3A_397, %while3A_407 : i32
    %while3A_409 = arith.addi %while3A_407, %while3A_408 : i32
    %while3A_410 = arith.constant 1 : i32
    %while3A_411 = arith.divsi %while3A_408, %while3A_410 : i32
    %while3A_412 = arith.muli %while3A_411, %while3A_410 : i32
    %while3A_413 = arith.addi %while3A_407, %while3A_412 : i32
    %while3A_414 = arith.constant 1 : i32
    scf.for %while3A_435 = %while3A_407 to %while3A_413 step %while3A_414  : i32 {
      %rem3A = arith.constant 2 : i32
      %rem3A_436 = arith.remsi %while3A_435, %rem3A : i32
      %mul3A_437 = arith.constant 128 : i32
      %mul3A_438 = arith.muli %rem3A_436, %mul3A_437 : i32
      %add3A_439 = arith.constant 1 : i32
      %add3A_440 = arith.addi %while3A_435, %add3A_439 : i32
      %rem3A_441 = arith.constant 48 : i32
      %rem3A_442 = arith.remsi %add3A_440, %rem3A_441 : i32
      %dma_wait3A_443 = arith.constant 0 : i32
      %dma_wait3A_444 = arith.constant 0 : i32
      %dma_wait3A_445 = tpu.memref_slice %arg8[%dma_wait3A_443, %dma_wait3A_444] : memref<256x128xf32, #tpu.memory_space<vmem>> -> memref<128x128xf32, #tpu.memory_space<vmem>>
      %dma_wait3A_446 = arith.constant 0 : i32
      %dma_wait3A_447 = arith.constant 0 : i32
      %dma_wait3A_448 = tpu.memref_slice %arg2[%dma_wait3A_446, %dma_wait3A_447] : memref<10112x128xf32, #tpu.memory_space<hbm>> -> memref<128x128xf32, #tpu.memory_space<hbm>>
      %dma_wait3A_449 = arith.constant 0 : i32
      %dma_wait3A_450 = arith.constant 0 : i32
      %dma_wait3A_451 = tpu.memref_slice %arg8[%dma_wait3A_449, %dma_wait3A_450] : memref<256x128xf32, #tpu.memory_space<vmem>> -> memref<128x128xf32, #tpu.memory_space<vmem>>
      %dma_wait3A_452 = arith.constant 0 : i32
      %dma_wait3A_453 = arith.constant 0 : i32
      %dma_wait3A_454 = tpu.memref_slice %arg2[%dma_wait3A_452, %dma_wait3A_453] : memref<10112x128xf32, #tpu.memory_space<hbm>> -> memref<128x128xf32, #tpu.memory_space<hbm>>
      tpu.wait_dma2 semaphore(%arg11 : memref<!tpu.dma_semaphore, #tpu.memory_space<semaphore_mem>>) src(%dma_wait3A_454 : memref<128x128xf32, #tpu.memory_space<hbm>>) dst(%dma_wait3A_451 : memref<128x128xf32, #tpu.memory_space<vmem>>)
      %add3A_455 = arith.constant 1 : i32
      %add3A_456 = arith.addi %while3A_435, %add3A_455 : i32
      %rem3A_457 = arith.constant 24 : i32
      %rem3A_458 = arith.remsi %add3A_456, %rem3A_457 : i32
      %eq3A_459 = arith.constant 0 : i32
      %eq3A_460 = arith.cmpi eq, %rem3A_458, %eq3A_459 : i32
      %convert_element_type3A = arith.extui %eq3A_460 : i1 to i32
      %cond3A = arith.constant 0 : i32
      %cond3A_461 = arith.cmpi ne, %convert_element_type3A, %cond3A : i32
      scf.if %cond3A_461 {
        %add3A_473 = arith.addi %select_n3A, %while3A_435 : i32
        %add3A_474 = arith.constant 1 : i32
        %add3A_475 = arith.addi %add3A_473, %add3A_474 : i32
        %multiple_of3A = tpu.assume_multiple %add3A_475, 8 : i32
        %multiple_of3A_476 = tpu.assume_multiple %rem3A_442, 8 : i32
        "tpu.region"() ({
          %run_scoped3A = tpu.sem_alloc : memref<!tpu.dma_semaphore, #tpu.memory_space<semaphore_mem>>
          %dma_start3A_477 = arith.constant 0 : i32
          %dma_start3A_478 = tpu.memref_slice %arg6[%multiple_of3A_476, %dma_start3A_477] : memref<48x128xi32, #tpu.memory_space<vmem>> -> memref<24x128xi32, #tpu.memory_space<vmem>>
          %dma_start3A_479 = arith.constant 0 : i32
          %dma_start3A_480 = tpu.memref_slice %arg3[%multiple_of3A, %dma_start3A_479] : memref<2584x128xi32, #tpu.memory_space<hbm>> -> memref<24x128xi32, #tpu.memory_space<hbm>>
          %dma_start3A_481 = arith.constant 0 : i32
          %dma_start3A_482 = tpu.memref_slice %arg6[%multiple_of3A_476, %dma_start3A_481] : memref<48x128xi32, #tpu.memory_space<vmem>> -> memref<24x128xi32, #tpu.memory_space<vmem>>
          %dma_start3A_483 = arith.constant 0 : i32
          %dma_start3A_484 = tpu.memref_slice %arg3[%multiple_of3A, %dma_start3A_483] : memref<2584x128xi32, #tpu.memory_space<hbm>> -> memref<24x128xi32, #tpu.memory_space<hbm>>
          tpu.enqueue_dma source(%dma_start3A_484 : memref<24x128xi32, #tpu.memory_space<hbm>>) target(%dma_start3A_482 : memref<24x128xi32, #tpu.memory_space<vmem>>) target_semaphore(%run_scoped3A : memref<!tpu.dma_semaphore, #tpu.memory_space<semaphore_mem>>)
          %dma_wait3A_485 = arith.constant 0 : i32
          %dma_wait3A_486 = tpu.memref_slice %arg6[%multiple_of3A_476, %dma_wait3A_485] : memref<48x128xi32, #tpu.memory_space<vmem>> -> memref<24x128xi32, #tpu.memory_space<vmem>>
          %dma_wait3A_487 = arith.constant 0 : i32
          %dma_wait3A_488 = tpu.memref_slice %arg3[%multiple_of3A, %dma_wait3A_487] : memref<2584x128xi32, #tpu.memory_space<hbm>> -> memref<24x128xi32, #tpu.memory_space<hbm>>
          %dma_wait3A_489 = arith.constant 0 : i32
          %dma_wait3A_490 = tpu.memref_slice %arg6[%multiple_of3A_476, %dma_wait3A_489] : memref<48x128xi32, #tpu.memory_space<vmem>> -> memref<24x128xi32, #tpu.memory_space<vmem>>
          %dma_wait3A_491 = arith.constant 0 : i32
          %dma_wait3A_492 = tpu.memref_slice %arg3[%multiple_of3A, %dma_wait3A_491] : memref<2584x128xi32, #tpu.memory_space<hbm>> -> memref<24x128xi32, #tpu.memory_space<hbm>>
          tpu.wait_dma2 semaphore(%run_scoped3A : memref<!tpu.dma_semaphore, #tpu.memory_space<semaphore_mem>>) src(%dma_wait3A_492 : memref<24x128xi32, #tpu.memory_space<hbm>>) dst(%dma_wait3A_490 : memref<24x128xi32, #tpu.memory_space<vmem>>)
          tpu.yield
        }) : () -> ()
        "tpu.region"() ({
          %run_scoped3A = tpu.sem_alloc : memref<!tpu.dma_semaphore, #tpu.memory_space<semaphore_mem>>
          %dma_start3A_477 = arith.constant 0 : i32
          %dma_start3A_478 = tpu.memref_slice %arg7[%multiple_of3A_476, %dma_start3A_477] : memref<48x128xi32, #tpu.memory_space<vmem>> -> memref<24x128xi32, #tpu.memory_space<vmem>>
          %dma_start3A_479 = arith.constant 0 : i32
          %dma_start3A_480 = tpu.memref_slice %arg4[%multiple_of3A, %dma_start3A_479] : memref<2584x128xi32, #tpu.memory_space<hbm>> -> memref<24x128xi32, #tpu.memory_space<hbm>>
          %dma_start3A_481 = arith.constant 0 : i32
          %dma_start3A_482 = tpu.memref_slice %arg7[%multiple_of3A_476, %dma_start3A_481] : memref<48x128xi32, #tpu.memory_space<vmem>> -> memref<24x128xi32, #tpu.memory_space<vmem>>
          %dma_start3A_483 = arith.constant 0 : i32
          %dma_start3A_484 = tpu.memref_slice %arg4[%multiple_of3A, %dma_start3A_483] : memref<2584x128xi32, #tpu.memory_space<hbm>> -> memref<24x128xi32, #tpu.memory_space<hbm>>
          tpu.enqueue_dma source(%dma_start3A_484 : memref<24x128xi32, #tpu.memory_space<hbm>>) target(%dma_start3A_482 : memref<24x128xi32, #tpu.memory_space<vmem>>) target_semaphore(%run_scoped3A : memref<!tpu.dma_semaphore, #tpu.memory_space<semaphore_mem>>)
          %dma_wait3A_485 = arith.constant 0 : i32
          %dma_wait3A_486 = tpu.memref_slice %arg7[%multiple_of3A_476, %dma_wait3A_485] : memref<48x128xi32, #tpu.memory_space<vmem>> -> memref<24x128xi32, #tpu.memory_space<vmem>>
          %dma_wait3A_487 = arith.constant 0 : i32
          %dma_wait3A_488 = tpu.memref_slice %arg4[%multiple_of3A, %dma_wait3A_487] : memref<2584x128xi32, #tpu.memory_space<hbm>> -> memref<24x128xi32, #tpu.memory_space<hbm>>
          %dma_wait3A_489 = arith.constant 0 : i32
          %dma_wait3A_490 = tpu.memref_slice %arg7[%multiple_of3A_476, %dma_wait3A_489] : memref<48x128xi32, #tpu.memory_space<vmem>> -> memref<24x128xi32, #tpu.memory_space<vmem>>
          %dma_wait3A_491 = arith.constant 0 : i32
          %dma_wait3A_492 = tpu.memref_slice %arg4[%multiple_of3A, %dma_wait3A_491] : memref<2584x128xi32, #tpu.memory_space<hbm>> -> memref<24x128xi32, #tpu.memory_space<hbm>>
          tpu.wait_dma2 semaphore(%run_scoped3A : memref<!tpu.dma_semaphore, #tpu.memory_space<semaphore_mem>>) src(%dma_wait3A_492 : memref<24x128xi32, #tpu.memory_space<hbm>>) dst(%dma_wait3A_490 : memref<24x128xi32, #tpu.memory_space<vmem>>)
          tpu.yield
        }) : () -> ()
      } else {
      }
      %sub3A = arith.constant 128 : i32
      %sub3A_462 = arith.subi %sub3A, %mul3A_438 : i32
      %dma_start3A_463 = arith.constant 0 : i32
      %dma_start3A_464 = tpu.memref_slice %arg8[%sub3A_462, %dma_start3A_463] : memref<256x128xf32, #tpu.memory_space<vmem>> -> memref<128x128xf32, #tpu.memory_space<vmem>>
      %dma_start3A_465 = arith.constant 0 : i32
      %dma_start3A_466 = tpu.memref_slice %arg6[%rem3A_442, %dma_start3A_465] : memref<48x128xi32, #tpu.memory_space<vmem>> -> memref<1x128xi32, #tpu.memory_space<vmem>>
      %dma_start3A_467 = tpu.memref_squeeze %dma_start3A_466 : memref<1x128xi32, #tpu.memory_space<vmem>> -> memref<128xi32, #tpu.memory_space<vmem>>
      %dma_start3A_468 = arith.constant 0 : i32
      %dma_start3A_469 = arith.constant 0 : i32
      %dma_start3A_470 = tpu.memref_slice %arg2[%dma_start3A_468, %dma_start3A_469] : memref<10112x128xf32, #tpu.memory_space<hbm>> -> memref<10112x128xf32, #tpu.memory_space<hbm>>
      tpu.enqueue_indirect_dma source(%dma_start3A_470 : memref<10112x128xf32, #tpu.memory_space<hbm>>) target(%dma_start3A_464 : memref<128x128xf32, #tpu.memory_space<vmem>>) offsets(%dma_start3A_467 : memref<128xi32, #tpu.memory_space<vmem>>) semaphore(%arg11 : memref<!tpu.dma_semaphore, #tpu.memory_space<semaphore_mem>>)
      %rem3A_471 = arith.constant 48 : i32
      %rem3A_472 = arith.remsi %while3A_435, %rem3A_471 : i32
      "tpu.region"() ({
        %run_scoped3A = tpu.sem_alloc : memref<!tpu.dma_semaphore, #tpu.memory_space<semaphore_mem>>
        %dma_start3A_473 = arith.constant 0 : i32
        %dma_start3A_474 = tpu.memref_slice %arg8[%mul3A_438, %dma_start3A_473] : memref<256x128xf32, #tpu.memory_space<vmem>> -> memref<128x128xf32, #tpu.memory_space<vmem>>
        %dma_start3A_475 = arith.constant 0 : i32
        %dma_start3A_476 = tpu.memref_slice %arg7[%rem3A_472, %dma_start3A_475] : memref<48x128xi32, #tpu.memory_space<vmem>> -> memref<1x128xi32, #tpu.memory_space<vmem>>
        %dma_start3A_477 = tpu.memref_squeeze %dma_start3A_476 : memref<1x128xi32, #tpu.memory_space<vmem>> -> memref<128xi32, #tpu.memory_space<vmem>>
        %dma_start3A_478 = arith.constant 0 : i32
        %dma_start3A_479 = arith.constant 0 : i32
        %dma_start3A_480 = tpu.memref_slice %arg10[%dma_start3A_478, %dma_start3A_479] : memref<10112x128xf32, #tpu.memory_space<vmem_shared>> -> memref<10112x128xf32, #tpu.memory_space<vmem_shared>>
        tpu.enqueue_indirect_dma source(%dma_start3A_474 : memref<128x128xf32, #tpu.memory_space<vmem>>) target(%dma_start3A_480 : memref<10112x128xf32, #tpu.memory_space<vmem_shared>>) offsets(%dma_start3A_477 : memref<128xi32, #tpu.memory_space<vmem>>) semaphore(%run_scoped3A : memref<!tpu.dma_semaphore, #tpu.memory_space<semaphore_mem>>) {add = true}
        %dma_wait3A_481 = arith.constant 0 : i32
        %dma_wait3A_482 = tpu.memref_slice %arg8[%mul3A_438, %dma_wait3A_481] : memref<256x128xf32, #tpu.memory_space<vmem>> -> memref<128x128xf32, #tpu.memory_space<vmem>>
        %dma_wait3A_483 = arith.constant 0 : i32
        %dma_wait3A_484 = tpu.memref_slice %arg7[%rem3A_472, %dma_wait3A_483] : memref<48x128xi32, #tpu.memory_space<vmem>> -> memref<1x128xi32, #tpu.memory_space<vmem>>
        %dma_wait3A_485 = tpu.memref_squeeze %dma_wait3A_484 : memref<1x128xi32, #tpu.memory_space<vmem>> -> memref<128xi32, #tpu.memory_space<vmem>>
        %dma_wait3A_486 = arith.constant 0 : i32
        %dma_wait3A_487 = arith.constant 0 : i32
        %dma_wait3A_488 = tpu.memref_slice %arg10[%dma_wait3A_486, %dma_wait3A_487] : memref<10112x128xf32, #tpu.memory_space<vmem_shared>> -> memref<10112x128xf32, #tpu.memory_space<vmem_shared>>
        tpu.wait_indirect_dma semaphore(%run_scoped3A : memref<!tpu.dma_semaphore, #tpu.memory_space<semaphore_mem>>) src(%dma_wait3A_482 : memref<128x128xf32, #tpu.memory_space<vmem>>) dst(%dma_wait3A_488 : memref<10112x128xf32, #tpu.memory_space<vmem_shared>>)
        tpu.yield
      }) : () -> ()
    }
    %while3A_415 = arith.constant 1 : i32
    scf.for %while3A_435 = %while3A_413 to %while3A_409 step %while3A_415  : i32 {
      %rem3A = arith.constant 2 : i32
      %rem3A_436 = arith.remsi %while3A_435, %rem3A : i32
      %mul3A_437 = arith.constant 128 : i32
      %mul3A_438 = arith.muli %rem3A_436, %mul3A_437 : i32
      %add3A_439 = arith.constant 1 : i32
      %add3A_440 = arith.addi %while3A_435, %add3A_439 : i32
      %rem3A_441 = arith.constant 48 : i32
      %rem3A_442 = arith.remsi %add3A_440, %rem3A_441 : i32
      %dma_wait3A_443 = arith.constant 0 : i32
      %dma_wait3A_444 = arith.constant 0 : i32
      %dma_wait3A_445 = tpu.memref_slice %arg8[%dma_wait3A_443, %dma_wait3A_444] : memref<256x128xf32, #tpu.memory_space<vmem>> -> memref<128x128xf32, #tpu.memory_space<vmem>>
      %dma_wait3A_446 = arith.constant 0 : i32
      %dma_wait3A_447 = arith.constant 0 : i32
      %dma_wait3A_448 = tpu.memref_slice %arg2[%dma_wait3A_446, %dma_wait3A_447] : memref<10112x128xf32, #tpu.memory_space<hbm>> -> memref<128x128xf32, #tpu.memory_space<hbm>>
      %dma_wait3A_449 = arith.constant 0 : i32
      %dma_wait3A_450 = arith.constant 0 : i32
      %dma_wait3A_451 = tpu.memref_slice %arg8[%dma_wait3A_449, %dma_wait3A_450] : memref<256x128xf32, #tpu.memory_space<vmem>> -> memref<128x128xf32, #tpu.memory_space<vmem>>
      %dma_wait3A_452 = arith.constant 0 : i32
      %dma_wait3A_453 = arith.constant 0 : i32
      %dma_wait3A_454 = tpu.memref_slice %arg2[%dma_wait3A_452, %dma_wait3A_453] : memref<10112x128xf32, #tpu.memory_space<hbm>> -> memref<128x128xf32, #tpu.memory_space<hbm>>
      tpu.wait_dma2 semaphore(%arg11 : memref<!tpu.dma_semaphore, #tpu.memory_space<semaphore_mem>>) src(%dma_wait3A_454 : memref<128x128xf32, #tpu.memory_space<hbm>>) dst(%dma_wait3A_451 : memref<128x128xf32, #tpu.memory_space<vmem>>)
      %add3A_455 = arith.constant 1 : i32
      %add3A_456 = arith.addi %while3A_435, %add3A_455 : i32
      %rem3A_457 = arith.constant 24 : i32
      %rem3A_458 = arith.remsi %add3A_456, %rem3A_457 : i32
      %eq3A_459 = arith.constant 0 : i32
      %eq3A_460 = arith.cmpi eq, %rem3A_458, %eq3A_459 : i32
      %convert_element_type3A = arith.extui %eq3A_460 : i1 to i32
      %cond3A = arith.constant 0 : i32
      %cond3A_461 = arith.cmpi ne, %convert_element_type3A, %cond3A : i32
      scf.if %cond3A_461 {
        %add3A_473 = arith.addi %select_n3A, %while3A_435 : i32
        %add3A_474 = arith.constant 1 : i32
        %add3A_475 = arith.addi %add3A_473, %add3A_474 : i32
        %multiple_of3A = tpu.assume_multiple %add3A_475, 8 : i32
        %multiple_of3A_476 = tpu.assume_multiple %rem3A_442, 8 : i32
        "tpu.region"() ({
          %run_scoped3A = tpu.sem_alloc : memref<!tpu.dma_semaphore, #tpu.memory_space<semaphore_mem>>
          %dma_start3A_477 = arith.constant 0 : i32
          %dma_start3A_478 = tpu.memref_slice %arg6[%multiple_of3A_476, %dma_start3A_477] : memref<48x128xi32, #tpu.memory_space<vmem>> -> memref<24x128xi32, #tpu.memory_space<vmem>>
          %dma_start3A_479 = arith.constant 0 : i32
          %dma_start3A_480 = tpu.memref_slice %arg3[%multiple_of3A, %dma_start3A_479] : memref<2584x128xi32, #tpu.memory_space<hbm>> -> memref<24x128xi32, #tpu.memory_space<hbm>>
          %dma_start3A_481 = arith.constant 0 : i32
          %dma_start3A_482 = tpu.memref_slice %arg6[%multiple_of3A_476, %dma_start3A_481] : memref<48x128xi32, #tpu.memory_space<vmem>> -> memref<24x128xi32, #tpu.memory_space<vmem>>
          %dma_start3A_483 = arith.constant 0 : i32
          %dma_start3A_484 = tpu.memref_slice %arg3[%multiple_of3A, %dma_start3A_483] : memref<2584x128xi32, #tpu.memory_space<hbm>> -> memref<24x128xi32, #tpu.memory_space<hbm>>
          tpu.enqueue_dma source(%dma_start3A_484 : memref<24x128xi32, #tpu.memory_space<hbm>>) target(%dma_start3A_482 : memref<24x128xi32, #tpu.memory_space<vmem>>) target_semaphore(%run_scoped3A : memref<!tpu.dma_semaphore, #tpu.memory_space<semaphore_mem>>)
          %dma_wait3A_485 = arith.constant 0 : i32
          %dma_wait3A_486 = tpu.memref_slice %arg6[%multiple_of3A_476, %dma_wait3A_485] : memref<48x128xi32, #tpu.memory_space<vmem>> -> memref<24x128xi32, #tpu.memory_space<vmem>>
          %dma_wait3A_487 = arith.constant 0 : i32
          %dma_wait3A_488 = tpu.memref_slice %arg3[%multiple_of3A, %dma_wait3A_487] : memref<2584x128xi32, #tpu.memory_space<hbm>> -> memref<24x128xi32, #tpu.memory_space<hbm>>
          %dma_wait3A_489 = arith.constant 0 : i32
          %dma_wait3A_490 = tpu.memref_slice %arg6[%multiple_of3A_476, %dma_wait3A_489] : memref<48x128xi32, #tpu.memory_space<vmem>> -> memref<24x128xi32, #tpu.memory_space<vmem>>
          %dma_wait3A_491 = arith.constant 0 : i32
          %dma_wait3A_492 = tpu.memref_slice %arg3[%multiple_of3A, %dma_wait3A_491] : memref<2584x128xi32, #tpu.memory_space<hbm>> -> memref<24x128xi32, #tpu.memory_space<hbm>>
          tpu.wait_dma2 semaphore(%run_scoped3A : memref<!tpu.dma_semaphore, #tpu.memory_space<semaphore_mem>>) src(%dma_wait3A_492 : memref<24x128xi32, #tpu.memory_space<hbm>>) dst(%dma_wait3A_490 : memref<24x128xi32, #tpu.memory_space<vmem>>)
          tpu.yield
        }) : () -> ()
        "tpu.region"() ({
          %run_scoped3A = tpu.sem_alloc : memref<!tpu.dma_semaphore, #tpu.memory_space<semaphore_mem>>
          %dma_start3A_477 = arith.constant 0 : i32
          %dma_start3A_478 = tpu.memref_slice %arg7[%multiple_of3A_476, %dma_start3A_477] : memref<48x128xi32, #tpu.memory_space<vmem>> -> memref<24x128xi32, #tpu.memory_space<vmem>>
          %dma_start3A_479 = arith.constant 0 : i32
          %dma_start3A_480 = tpu.memref_slice %arg4[%multiple_of3A, %dma_start3A_479] : memref<2584x128xi32, #tpu.memory_space<hbm>> -> memref<24x128xi32, #tpu.memory_space<hbm>>
          %dma_start3A_481 = arith.constant 0 : i32
          %dma_start3A_482 = tpu.memref_slice %arg7[%multiple_of3A_476, %dma_start3A_481] : memref<48x128xi32, #tpu.memory_space<vmem>> -> memref<24x128xi32, #tpu.memory_space<vmem>>
          %dma_start3A_483 = arith.constant 0 : i32
          %dma_start3A_484 = tpu.memref_slice %arg4[%multiple_of3A, %dma_start3A_483] : memref<2584x128xi32, #tpu.memory_space<hbm>> -> memref<24x128xi32, #tpu.memory_space<hbm>>
          tpu.enqueue_dma source(%dma_start3A_484 : memref<24x128xi32, #tpu.memory_space<hbm>>) target(%dma_start3A_482 : memref<24x128xi32, #tpu.memory_space<vmem>>) target_semaphore(%run_scoped3A : memref<!tpu.dma_semaphore, #tpu.memory_space<semaphore_mem>>)
          %dma_wait3A_485 = arith.constant 0 : i32
          %dma_wait3A_486 = tpu.memref_slice %arg7[%multiple_of3A_476, %dma_wait3A_485] : memref<48x128xi32, #tpu.memory_space<vmem>> -> memref<24x128xi32, #tpu.memory_space<vmem>>
          %dma_wait3A_487 = arith.constant 0 : i32
          %dma_wait3A_488 = tpu.memref_slice %arg4[%multiple_of3A, %dma_wait3A_487] : memref<2584x128xi32, #tpu.memory_space<hbm>> -> memref<24x128xi32, #tpu.memory_space<hbm>>
          %dma_wait3A_489 = arith.constant 0 : i32
          %dma_wait3A_490 = tpu.memref_slice %arg7[%multiple_of3A_476, %dma_wait3A_489] : memref<48x128xi32, #tpu.memory_space<vmem>> -> memref<24x128xi32, #tpu.memory_space<vmem>>
          %dma_wait3A_491 = arith.constant 0 : i32
          %dma_wait3A_492 = tpu.memref_slice %arg4[%multiple_of3A, %dma_wait3A_491] : memref<2584x128xi32, #tpu.memory_space<hbm>> -> memref<24x128xi32, #tpu.memory_space<hbm>>
          tpu.wait_dma2 semaphore(%run_scoped3A : memref<!tpu.dma_semaphore, #tpu.memory_space<semaphore_mem>>) src(%dma_wait3A_492 : memref<24x128xi32, #tpu.memory_space<hbm>>) dst(%dma_wait3A_490 : memref<24x128xi32, #tpu.memory_space<vmem>>)
          tpu.yield
        }) : () -> ()
      } else {
      }
      %sub3A = arith.constant 128 : i32
      %sub3A_462 = arith.subi %sub3A, %mul3A_438 : i32
      %dma_start3A_463 = arith.constant 0 : i32
      %dma_start3A_464 = tpu.memref_slice %arg8[%sub3A_462, %dma_start3A_463] : memref<256x128xf32, #tpu.memory_space<vmem>> -> memref<128x128xf32, #tpu.memory_space<vmem>>
      %dma_start3A_465 = arith.constant 0 : i32
      %dma_start3A_466 = tpu.memref_slice %arg6[%rem3A_442, %dma_start3A_465] : memref<48x128xi32, #tpu.memory_space<vmem>> -> memref<1x128xi32, #tpu.memory_space<vmem>>
      %dma_start3A_467 = tpu.memref_squeeze %dma_start3A_466 : memref<1x128xi32, #tpu.memory_space<vmem>> -> memref<128xi32, #tpu.memory_space<vmem>>
      %dma_start3A_468 = arith.constant 0 : i32
      %dma_start3A_469 = arith.constant 0 : i32
      %dma_start3A_470 = tpu.memref_slice %arg2[%dma_start3A_468, %dma_start3A_469] : memref<10112x128xf32, #tpu.memory_space<hbm>> -> memref<10112x128xf32, #tpu.memory_space<hbm>>
      tpu.enqueue_indirect_dma source(%dma_start3A_470 : memref<10112x128xf32, #tpu.memory_space<hbm>>) target(%dma_start3A_464 : memref<128x128xf32, #tpu.memory_space<vmem>>) offsets(%dma_start3A_467 : memref<128xi32, #tpu.memory_space<vmem>>) semaphore(%arg11 : memref<!tpu.dma_semaphore, #tpu.memory_space<semaphore_mem>>)
      %rem3A_471 = arith.constant 48 : i32
      %rem3A_472 = arith.remsi %while3A_435, %rem3A_471 : i32
      "tpu.region"() ({
        %run_scoped3A = tpu.sem_alloc : memref<!tpu.dma_semaphore, #tpu.memory_space<semaphore_mem>>
        %dma_start3A_473 = arith.constant 0 : i32
        %dma_start3A_474 = tpu.memref_slice %arg8[%mul3A_438, %dma_start3A_473] : memref<256x128xf32, #tpu.memory_space<vmem>> -> memref<128x128xf32, #tpu.memory_space<vmem>>
        %dma_start3A_475 = arith.constant 0 : i32
        %dma_start3A_476 = tpu.memref_slice %arg7[%rem3A_472, %dma_start3A_475] : memref<48x128xi32, #tpu.memory_space<vmem>> -> memref<1x128xi32, #tpu.memory_space<vmem>>
        %dma_start3A_477 = tpu.memref_squeeze %dma_start3A_476 : memref<1x128xi32, #tpu.memory_space<vmem>> -> memref<128xi32, #tpu.memory_space<vmem>>
        %dma_start3A_478 = arith.constant 0 : i32
        %dma_start3A_479 = arith.constant 0 : i32
        %dma_start3A_480 = tpu.memref_slice %arg10[%dma_start3A_478, %dma_start3A_479] : memref<10112x128xf32, #tpu.memory_space<vmem_shared>> -> memref<10112x128xf32, #tpu.memory_space<vmem_shared>>
        tpu.enqueue_indirect_dma source(%dma_start3A_474 : memref<128x128xf32, #tpu.memory_space<vmem>>) target(%dma_start3A_480 : memref<10112x128xf32, #tpu.memory_space<vmem_shared>>) offsets(%dma_start3A_477 : memref<128xi32, #tpu.memory_space<vmem>>) semaphore(%run_scoped3A : memref<!tpu.dma_semaphore, #tpu.memory_space<semaphore_mem>>) {add = true}
        %dma_wait3A_481 = arith.constant 0 : i32
        %dma_wait3A_482 = tpu.memref_slice %arg8[%mul3A_438, %dma_wait3A_481] : memref<256x128xf32, #tpu.memory_space<vmem>> -> memref<128x128xf32, #tpu.memory_space<vmem>>
        %dma_wait3A_483 = arith.constant 0 : i32
        %dma_wait3A_484 = tpu.memref_slice %arg7[%rem3A_472, %dma_wait3A_483] : memref<48x128xi32, #tpu.memory_space<vmem>> -> memref<1x128xi32, #tpu.memory_space<vmem>>
        %dma_wait3A_485 = tpu.memref_squeeze %dma_wait3A_484 : memref<1x128xi32, #tpu.memory_space<vmem>> -> memref<128xi32, #tpu.memory_space<vmem>>
        %dma_wait3A_486 = arith.constant 0 : i32
        %dma_wait3A_487 = arith.constant 0 : i32
        %dma_wait3A_488 = tpu.memref_slice %arg10[%dma_wait3A_486, %dma_wait3A_487] : memref<10112x128xf32, #tpu.memory_space<vmem_shared>> -> memref<10112x128xf32, #tpu.memory_space<vmem_shared>>
        tpu.wait_indirect_dma semaphore(%run_scoped3A : memref<!tpu.dma_semaphore, #tpu.memory_space<semaphore_mem>>) src(%dma_wait3A_482 : memref<128x128xf32, #tpu.memory_space<vmem>>) dst(%dma_wait3A_488 : memref<10112x128xf32, #tpu.memory_space<vmem_shared>>)
        tpu.yield
      }) : () -> ()
    }
    %dma_wait3A = arith.constant 0 : i32
    %dma_wait3A_416 = arith.constant 0 : i32
    %dma_wait3A_417 = tpu.memref_slice %arg8[%dma_wait3A, %dma_wait3A_416] : memref<256x128xf32, #tpu.memory_space<vmem>> -> memref<128x128xf32, #tpu.memory_space<vmem>>
    %dma_wait3A_418 = arith.constant 0 : i32
    %dma_wait3A_419 = arith.constant 0 : i32
    %dma_wait3A_420 = tpu.memref_slice %arg2[%dma_wait3A_418, %dma_wait3A_419] : memref<10112x128xf32, #tpu.memory_space<hbm>> -> memref<128x128xf32, #tpu.memory_space<hbm>>
    %dma_wait3A_421 = arith.constant 0 : i32
    %dma_wait3A_422 = arith.constant 0 : i32
    %dma_wait3A_423 = tpu.memref_slice %arg8[%dma_wait3A_421, %dma_wait3A_422] : memref<256x128xf32, #tpu.memory_space<vmem>> -> memref<128x128xf32, #tpu.memory_space<vmem>>
    %dma_wait3A_424 = arith.constant 0 : i32
    %dma_wait3A_425 = arith.constant 0 : i32
    %dma_wait3A_426 = tpu.memref_slice %arg2[%dma_wait3A_424, %dma_wait3A_425] : memref<10112x128xf32, #tpu.memory_space<hbm>> -> memref<128x128xf32, #tpu.memory_space<hbm>>
    tpu.wait_dma2 semaphore(%arg11 : memref<!tpu.dma_semaphore, #tpu.memory_space<semaphore_mem>>) src(%dma_wait3A_426 : memref<128x128xf32, #tpu.memory_space<hbm>>) dst(%dma_wait3A_423 : memref<128x128xf32, #tpu.memory_space<vmem>>)
    %barrier3A_427 = arith.constant 0 : index
    tpu.barrier barrier_id(%barrier3A_427)
    %mul3A_428 = arith.constant 632 : i32
    %mul3A_429 = arith.muli %arg1, %mul3A_428 : i32
    %mul3A_430 = arith.constant 10112 : i32
    %mul3A_431 = arith.muli %arg0, %mul3A_430 : i32
    %mul3A_432 = arith.constant 632 : i32
    %mul3A_433 = arith.muli %arg1, %mul3A_432 : i32
    %add3A_434 = arith.addi %mul3A_431, %mul3A_433 : i32
    "tpu.region"() ({
      %run_scoped3A = tpu.sem_alloc : memref<!tpu.dma_semaphore, #tpu.memory_space<semaphore_mem>>
      %dma_start3A_435 = arith.constant 0 : i32
      %dma_start3A_436 = tpu.memref_slice %arg5[%add3A_434, %dma_start3A_435] : memref<20224x128xf32, #tpu.memory_space<hbm>> -> memref<632x128xf32, #tpu.memory_space<hbm>>
      %dma_start3A_437 = arith.constant 0 : i32
      %dma_start3A_438 = tpu.memref_slice %arg10[%mul3A_429, %dma_start3A_437] : memref<10112x128xf32, #tpu.memory_space<vmem_shared>> -> memref<632x128xf32, #tpu.memory_space<vmem_shared>>
      tpu.enqueue_dma source(%dma_start3A_438 : memref<632x128xf32, #tpu.memory_space<vmem_shared>>) target(%dma_start3A_436 : memref<632x128xf32, #tpu.memory_space<hbm>>) target_semaphore(%run_scoped3A : memref<!tpu.dma_semaphore, #tpu.memory_space<semaphore_mem>>)
      %dma_wait3A_439 = arith.constant 0 : i32
      %dma_wait3A_440 = tpu.memref_slice %arg5[%add3A_434, %dma_wait3A_439] : memref<20224x128xf32, #tpu.memory_space<hbm>> -> memref<632x128xf32, #tpu.memory_space<hbm>>
      %dma_wait3A_441 = arith.constant 0 : i32
      %dma_wait3A_442 = tpu.memref_slice %arg10[%mul3A_429, %dma_wait3A_441] : memref<10112x128xf32, #tpu.memory_space<vmem_shared>> -> memref<632x128xf32, #tpu.memory_space<vmem_shared>>
      tpu.wait_dma2 semaphore(%run_scoped3A : memref<!tpu.dma_semaphore, #tpu.memory_space<semaphore_mem>>) src(%dma_wait3A_442 : memref<632x128xf32, #tpu.memory_space<vmem_shared>>) dst(%dma_wait3A_440 : memref<632x128xf32, #tpu.memory_space<hbm>>)
      tpu.yield
    }) : () -> ()
    return
  }
}

#map = affine_map<(d0, d1) -> (0)>
module attributes {stable_mosaic.version = 14 : i64} {
  func.func @sc_deg(%arg0: i32, %arg1: i32, %arg2: memref<330752xi32, #tpu.memory_space<hbm>>, %arg3: memref<10112xf32, #tpu.memory_space<hbm>>, %arg4: memref<323584xf32, #tpu.memory_space<hbm>>, %arg5: memref<10240xi32, #tpu.memory_space<vmem>>, %arg6: memref<10112xf32, #tpu.memory_space<vmem>>) attributes {dimension_semantics = [#tpu.dimension_semantics<core_parallel>, #tpu.dimension_semantics<subcore_parallel>], iteration_bounds = array<i64: 2, 16>, scalar_prefetch = 0 : i64, scratch_operands = 2 : i64, tpu.core_type = #tpu.core_type<sc_vector_subcore>, window_params = [{transform_indices = #map}, {transform_indices = #map}, {transform_indices = #map}]} {
    %mul3A = arith.constant 2 : i32
    %mul3A_0 = arith.muli %arg1, %mul3A : i32
    %add3A = arith.addi %mul3A_0, %arg0 : i32
    "tpu.region"() ({
      %run_scoped3A = tpu.sem_alloc : memref<!tpu.dma_semaphore, #tpu.memory_space<semaphore_mem>>
      tpu.enqueue_dma source(%arg3 : memref<10112xf32, #tpu.memory_space<hbm>>) target(%arg6 : memref<10112xf32, #tpu.memory_space<vmem>>) target_semaphore(%run_scoped3A : memref<!tpu.dma_semaphore, #tpu.memory_space<semaphore_mem>>)
      tpu.wait_dma2 semaphore(%run_scoped3A : memref<!tpu.dma_semaphore, #tpu.memory_space<semaphore_mem>>) src(%arg3 : memref<10112xf32, #tpu.memory_space<hbm>>) dst(%arg6 : memref<10112xf32, #tpu.memory_space<vmem>>)
      tpu.yield
    }) : () -> ()
    %mul3A_1 = arith.constant 10240 : i32
    %mul3A_2 = arith.muli %add3A, %mul3A_1 : i32
    "tpu.region"() ({
      %run_scoped3A = tpu.sem_alloc : memref<!tpu.dma_semaphore, #tpu.memory_space<semaphore_mem>>
      %dma_start3A = tpu.memref_slice %arg2[%mul3A_2] : memref<330752xi32, #tpu.memory_space<hbm>> -> memref<10240xi32, #tpu.memory_space<hbm>>
      %dma_start3A_11 = tpu.memref_slice %arg2[%mul3A_2] : memref<330752xi32, #tpu.memory_space<hbm>> -> memref<10240xi32, #tpu.memory_space<hbm>>
      tpu.enqueue_dma source(%dma_start3A_11 : memref<10240xi32, #tpu.memory_space<hbm>>) target(%arg5 : memref<10240xi32, #tpu.memory_space<vmem>>) target_semaphore(%run_scoped3A : memref<!tpu.dma_semaphore, #tpu.memory_space<semaphore_mem>>)
      %dma_wait3A = tpu.memref_slice %arg2[%mul3A_2] : memref<330752xi32, #tpu.memory_space<hbm>> -> memref<10240xi32, #tpu.memory_space<hbm>>
      %dma_wait3A_12 = tpu.memref_slice %arg2[%mul3A_2] : memref<330752xi32, #tpu.memory_space<hbm>> -> memref<10240xi32, #tpu.memory_space<hbm>>
      tpu.wait_dma2 semaphore(%run_scoped3A : memref<!tpu.dma_semaphore, #tpu.memory_space<semaphore_mem>>) src(%dma_wait3A_12 : memref<10240xi32, #tpu.memory_space<hbm>>) dst(%arg5 : memref<10240xi32, #tpu.memory_space<vmem>>)
      tpu.yield
    }) : () -> ()
    %broadcast_in_dim3A = arith.constant 1.000000e+00 : f32
    %broadcast_in_dim3A_3 = vector.broadcast %broadcast_in_dim3A : f32 to vector<16xf32>
    %scan3A = arith.constant 0 : i32
    %scan3A_4 = arith.constant 0 : i32
    %scan3A_5 = arith.constant 640 : i32
    %scan3A_6 = arith.addi %scan3A_4, %scan3A_5 : i32
    %scan3A_7 = arith.constant 1 : i32
    scf.for %scan3A_11 = %scan3A_4 to %scan3A_6 step %scan3A_7  : i32 {
      %mul3A_12 = arith.constant 16 : i32
      %mul3A_13 = arith.muli %scan3A_11, %mul3A_12 : i32
      %get3A = arith.index_cast %mul3A_13 : i32 to index
      %get3A_14 = tpu.vector_load %arg5[%get3A] {strides = array<i32>} : memref<10240xi32, #tpu.memory_space<vmem>>, vector<16xi32>,
      tpu.vector_store_idx %arg6[%get3A_14], %broadcast_in_dim3A_3 {add = true} : memref<10112xf32, #tpu.memory_space<vmem>>[vector<16xi32>], vector<16xf32>,
    }
    %scan3A_8 = arith.constant 640 : i32
    %mul3A_9 = arith.constant 10112 : i32
    %mul3A_10 = arith.muli %add3A, %mul3A_9 : i32
    "tpu.region"() ({
      %run_scoped3A = tpu.sem_alloc : memref<!tpu.dma_semaphore, #tpu.memory_space<semaphore_mem>>
      %dma_start3A = tpu.memref_slice %arg4[%mul3A_10] : memref<323584xf32, #tpu.memory_space<hbm>> -> memref<10112xf32, #tpu.memory_space<hbm>>
      %dma_start3A_11 = tpu.memref_slice %arg4[%mul3A_10] : memref<323584xf32, #tpu.memory_space<hbm>> -> memref<10112xf32, #tpu.memory_space<hbm>>
      tpu.enqueue_dma source(%arg6 : memref<10112xf32, #tpu.memory_space<vmem>>) target(%dma_start3A_11 : memref<10112xf32, #tpu.memory_space<hbm>>) target_semaphore(%run_scoped3A : memref<!tpu.dma_semaphore, #tpu.memory_space<semaphore_mem>>)
      %dma_wait3A = tpu.memref_slice %arg4[%mul3A_10] : memref<323584xf32, #tpu.memory_space<hbm>> -> memref<10112xf32, #tpu.memory_space<hbm>>
      %dma_wait3A_12 = tpu.memref_slice %arg4[%mul3A_10] : memref<323584xf32, #tpu.memory_space<hbm>> -> memref<10112xf32, #tpu.memory_space<hbm>>
      tpu.wait_dma2 semaphore(%run_scoped3A : memref<!tpu.dma_semaphore, #tpu.memory_space<semaphore_mem>>) src(%arg6 : memref<10112xf32, #tpu.memory_space<vmem>>) dst(%dma_wait3A_12 : memref<10112xf32, #tpu.memory_space<hbm>>)
      tpu.yield
    }) : () -> ()
    return
  }
}

module attributes {stable_mosaic.version = 14 : i64} {
  func.func @tc1_body(%arg0: i32, %arg1: memref<1264x32xf32, #tpu.memory_space<vmem>>, %arg2: memref<1264x128xf32, #tpu.memory_space<vmem>>, %arg3: memref<128x128xf32, #tpu.memory_space<vmem>>, %arg4: memref<1264x128xf32, #tpu.memory_space<vmem>>) attributes {dimension_semantics = [#tpu.dimension_semantics<arbitrary>], iteration_bounds = array<i64: 8>, scalar_prefetch = 0 : i64, scratch_operands = 0 : i64, tpu.core_type = #tpu.core_type<tc>, window_params = [{transform_indices = @transform_0, window_bounds = array<i64: 1264, 32>}, {transform_indices = @transform_1, window_bounds = array<i64: 1264, 128>}, {pipeline_mode = #tpu.pipeline_mode<synchronous>, transform_indices = @transform_2, window_bounds = array<i64: 128, 128>}, {transform_indices = @transform_3, window_bounds = array<i64: 1264, 128>}]} {
    %get3A = arith.constant 0 : index
    %get3A_0 = arith.constant 0 : index
    %get3A_1 = vector.load %arg1[%get3A, %get3A_0] : memref<1264x32xf32, #tpu.memory_space<vmem>>, vector<1264x32xf32>
    %reduce_sum3A = arith.constant dense<0.000000e+00> : vector<1264xf32>
    %reduce_sum3A_2 = vector.multi_reduction <add>, %get3A_1, %reduce_sum3A [1] : vector<1264x32xf32> to vector<1264xf32>
    %broadcast_in_dim3A = vector.shape_cast %reduce_sum3A_2 : vector<1264xf32> to vector<1264x1xf32>
    %add3A = arith.constant 1.000000e+00 : f32
    %add3A_3 = vector.broadcast %add3A : f32 to vector<1264x1xf32>
    %add3A_4 = arith.addf %broadcast_in_dim3A, %add3A_3 : vector<1264x1xf32>
    %rsqrt3A = math.rsqrt %add3A_4 : vector<1264x1xf32>
    %get3A_5 = arith.constant 0 : index
    %get3A_6 = arith.constant 0 : index
    %get3A_7 = vector.load %arg2[%get3A_5, %get3A_6] : memref<1264x128xf32, #tpu.memory_space<vmem>>, vector<1264x128xf32>
    %get3A_8 = arith.constant 0 : index
    %get3A_9 = arith.constant 0 : index
    %get3A_10 = vector.load %arg3[%get3A_8, %get3A_9] : memref<128x128xf32, #tpu.memory_space<vmem>>, vector<128x128xf32>
    %dot_general3A = arith.constant dense<0.000000e+00> : vector<1264x128xf32>
    %dot_general3A_11 = tpu.matmul %get3A_7, %get3A_10, %dot_general3A {dimension_numbers = #tpu.dot_dimension_numbers<[1], [0], [0], [1], [0, 0, 1, 1], [], []>, transpose_lhs_hint = false} : vector<1264x128xf32>, vector<128x128xf32>, vector<1264x128xf32> -> vector<1264x128xf32>
    %mul3A = vector.broadcast %rsqrt3A : vector<1264x1xf32> to vector<1264x128xf32>
    %mul3A_12 = arith.mulf %dot_general3A_11, %mul3A : vector<1264x128xf32>
    %swap3A = arith.constant 0 : index
    %swap3A_13 = arith.constant 0 : index
    %swap3A_14 = vector.load %arg4[%swap3A, %swap3A_13] : memref<1264x128xf32, #tpu.memory_space<vmem>>, vector<1264x128xf32>
    tpu.vector_store %arg4[%swap3A, %swap3A_13], %mul3A_12 {strides = array<i32>} : memref<1264x128xf32, #tpu.memory_space<vmem>>, vector<1264x128xf32>,
    return
  }
  func.func @transform_0(%arg0: i32) -> (i32, i32) {
    %c0_i32 = arith.constant 0 : i32
    %c0_i32_0 = arith.constant 0 : i32
    return %arg0, %c0_i32 : i32, i32
  }
  func.func @transform_1(%arg0: i32) -> (i32, i32) {
    %c0_i32 = arith.constant 0 : i32
    %c0_i32_0 = arith.constant 0 : i32
    return %arg0, %c0_i32 : i32, i32
  }
  func.func @transform_2(%arg0: i32) -> (i32, i32) {
    %c0_i32 = arith.constant 0 : i32
    %c0_i32_0 = arith.constant 0 : i32
    %c0_i32_1 = arith.constant 0 : i32
    return %c0_i32, %c0_i32_0 : i32, i32
  }
  func.func @transform_3(%arg0: i32) -> (i32, i32) {
    %c0_i32 = arith.constant 0 : i32
    %c0_i32_0 = arith.constant 0 : i32
    return %arg0, %c0_i32 : i32, i32
  }
}

module attributes {stable_mosaic.version = 14 : i64} {
  func.func @tc2_body(%arg0: i32, %arg1: memref<1264x128xf32, #tpu.memory_space<vmem>>, %arg2: memref<1264x128xf32, #tpu.memory_space<vmem>>, %arg3: memref<1264x128xf32, #tpu.memory_space<vmem>>, %arg4: memref<1264x32xf32, #tpu.memory_space<vmem>>, %arg5: memref<1x128xf32, #tpu.memory_space<vmem>>, %arg6: memref<128x128xf32, #tpu.memory_space<vmem>>, %arg7: memref<1264x128xf32, #tpu.memory_space<vmem>>) attributes {dimension_semantics = [#tpu.dimension_semantics<arbitrary>], iteration_bounds = array<i64: 8>, scalar_prefetch = 0 : i64, scratch_operands = 0 : i64, tpu.core_type = #tpu.core_type<tc>, window_params = [{transform_indices = @transform_0, window_bounds = array<i64: 1264, 128>}, {transform_indices = @transform_1, window_bounds = array<i64: 1264, 128>}, {transform_indices = @transform_2, window_bounds = array<i64: 1264, 128>}, {transform_indices = @transform_3, window_bounds = array<i64: 1264, 32>}, {pipeline_mode = #tpu.pipeline_mode<synchronous>, transform_indices = @transform_4, window_bounds = array<i64: 1, 128>}, {pipeline_mode = #tpu.pipeline_mode<synchronous>, transform_indices = @transform_5, window_bounds = array<i64: 128, 128>}, {transform_indices = @transform_6, window_bounds = array<i64: 1264, 128>}]} {
    %get3A = arith.constant 0 : index
    %get3A_0 = arith.constant 0 : index
    %get3A_1 = vector.load %arg4[%get3A, %get3A_0] : memref<1264x32xf32, #tpu.memory_space<vmem>>, vector<1264x32xf32>
    %reduce_sum3A = arith.constant dense<0.000000e+00> : vector<1264xf32>
    %reduce_sum3A_2 = vector.multi_reduction <add>, %get3A_1, %reduce_sum3A [1] : vector<1264x32xf32> to vector<1264xf32>
    %broadcast_in_dim3A = vector.shape_cast %reduce_sum3A_2 : vector<1264xf32> to vector<1264x1xf32>
    %add3A = arith.constant 1.000000e+00 : f32
    %add3A_3 = vector.broadcast %add3A : f32 to vector<1264x1xf32>
    %add3A_4 = arith.addf %broadcast_in_dim3A, %add3A_3 : vector<1264x1xf32>
    %rsqrt3A = math.rsqrt %add3A_4 : vector<1264x1xf32>
    %get3A_5 = arith.constant 0 : index
    %get3A_6 = arith.constant 0 : index
    %get3A_7 = vector.load %arg1[%get3A_5, %get3A_6] : memref<1264x128xf32, #tpu.memory_space<vmem>>, vector<1264x128xf32>
    %get3A_8 = arith.constant 0 : index
    %get3A_9 = arith.constant 0 : index
    %get3A_10 = vector.load %arg2[%get3A_8, %get3A_9] : memref<1264x128xf32, #tpu.memory_space<vmem>>, vector<1264x128xf32>
    %add3A_11 = arith.addf %get3A_7, %get3A_10 : vector<1264x128xf32>
    %get3A_12 = arith.constant 0 : index
    %get3A_13 = arith.constant 0 : index
    %get3A_14 = vector.load %arg3[%get3A_12, %get3A_13] : memref<1264x128xf32, #tpu.memory_space<vmem>>, vector<1264x128xf32>
    %add3A_15 = arith.addf %add3A_11, %get3A_14 : vector<1264x128xf32>
    %mul3A = vector.broadcast %rsqrt3A : vector<1264x1xf32> to vector<1264x128xf32>
    %mul3A_16 = arith.mulf %add3A_15, %mul3A : vector<1264x128xf32>
    %get3A_17 = arith.constant 0 : index
    %get3A_18 = arith.constant 0 : index
    %get3A_19 = vector.load %arg5[%get3A_17, %get3A_18] : memref<1x128xf32, #tpu.memory_space<vmem>>, vector<1x128xf32>
    %add3A_20 = vector.broadcast %get3A_19 : vector<1x128xf32> to vector<1264x128xf32>
    %add3A_21 = arith.addf %mul3A_16, %add3A_20 : vector<1264x128xf32>
    %max3A = arith.constant 0.000000e+00 : f32
    %max3A_22 = vector.broadcast %max3A : f32 to vector<1264x128xf32>
    %max3A_23 = arith.maximumf %add3A_21, %max3A_22 : vector<1264x128xf32>
    %get3A_24 = arith.constant 0 : index
    %get3A_25 = arith.constant 0 : index
    %get3A_26 = vector.load %arg6[%get3A_24, %get3A_25] : memref<128x128xf32, #tpu.memory_space<vmem>>, vector<128x128xf32>
    %dot_general3A = arith.constant dense<0.000000e+00> : vector<1264x128xf32>
    %dot_general3A_27 = tpu.matmul %max3A_23, %get3A_26, %dot_general3A {dimension_numbers = #tpu.dot_dimension_numbers<[1], [0], [0], [1], [0, 0, 1, 1], [], []>, transpose_lhs_hint = false} : vector<1264x128xf32>, vector<128x128xf32>, vector<1264x128xf32> -> vector<1264x128xf32>
    %mul3A_28 = vector.broadcast %rsqrt3A : vector<1264x1xf32> to vector<1264x128xf32>
    %mul3A_29 = arith.mulf %dot_general3A_27, %mul3A_28 : vector<1264x128xf32>
    %mul3A_30 = arith.constant 1264 : i32
    %mul3A_31 = arith.muli %arg0, %mul3A_30 : i32
    %iota3A = tpu.iota {dimensions = array<i32: 0>} : vector<1264x1xi32>
    %add3A_32 = vector.broadcast %mul3A_31 : i32 to vector<1264x1xi32>
    %add3A_33 = arith.addi %add3A_32, %iota3A : vector<1264x1xi32>
    %lt3A = arith.constant 10000 : i32
    %lt3A_34 = vector.broadcast %lt3A : i32 to vector<1264x1xi32>
    %lt3A_35 = arith.cmpi slt, %add3A_33, %lt3A_34 : vector<1264x1xi32>
    %jit3A = arith.constant 0.000000e+00 : f32
    %broadcast_in_dim3A_36 = vector.shape_cast %lt3A_35 : vector<1264x1xi1> to vector<1264x1xi1>
    %broadcast_in_dim3A_37 = vector.broadcast %broadcast_in_dim3A_36 : vector<1264x1xi1> to vector<1264x128xi1>
    %broadcast_in_dim3A_38 = vector.broadcast %jit3A : f32 to vector<1264x128xf32>
    %select_n3A = arith.select %broadcast_in_dim3A_37, %mul3A_29, %broadcast_in_dim3A_38 : vector<1264x128xi1>, vector<1264x128xf32>
    %swap3A = arith.constant 0 : index
    %swap3A_39 = arith.constant 0 : index
    %swap3A_40 = vector.load %arg7[%swap3A, %swap3A_39] : memref<1264x128xf32, #tpu.memory_space<vmem>>, vector<1264x128xf32>
    tpu.vector_store %arg7[%swap3A, %swap3A_39], %select_n3A {strides = array<i32>} : memref<1264x128xf32, #tpu.memory_space<vmem>>, vector<1264x128xf32>,
    return
  }
  func.func @transform_0(%arg0: i32) -> (i32, i32) {
    %c0_i32 = arith.constant 0 : i32
    %c0_i32_0 = arith.constant 0 : i32
    return %arg0, %c0_i32 : i32, i32
  }
  func.func @transform_1(%arg0: i32) -> (i32, i32) {
    %c0_i32 = arith.constant 0 : i32
    %c0_i32_0 = arith.constant 0 : i32
    return %arg0, %c0_i32 : i32, i32
  }
  func.func @transform_2(%arg0: i32) -> (i32, i32) {
    %c0_i32 = arith.constant 0 : i32
    %c0_i32_0 = arith.constant 0 : i32
    return %arg0, %c0_i32 : i32, i32
  }
  func.func @transform_3(%arg0: i32) -> (i32, i32) {
    %c0_i32 = arith.constant 0 : i32
    %c0_i32_0 = arith.constant 0 : i32
    return %arg0, %c0_i32 : i32, i32
  }
  func.func @transform_4(%arg0: i32) -> (i32, i32) {
    %c0_i32 = arith.constant 0 : i32
    %c0_i32_0 = arith.constant 0 : i32
    %c0_i32_1 = arith.constant 0 : i32
    return %c0_i32, %c0_i32_0 : i32, i32
  }
  func.func @transform_5(%arg0: i32) -> (i32, i32) {
    %c0_i32 = arith.constant 0 : i32
    %c0_i32_0 = arith.constant 0 : i32
    %c0_i32_1 = arith.constant 0 : i32
    return %c0_i32, %c0_i32_0 : i32, i32
  }
  func.func @transform_6(%arg0: i32) -> (i32, i32) {
    %c0_i32 = arith.constant 0 : i32
    %c0_i32_0 = arith.constant 0 : i32
    return %arg0, %c0_i32 : i32, i32
  }
}

module attributes {stable_mosaic.version = 14 : i64} {
  func.func @tc3_body(%arg0: i32, %arg1: memref<1264x128xf32, #tpu.memory_space<vmem>>, %arg2: memref<1264x128xf32, #tpu.memory_space<vmem>>, %arg3: memref<1264x128xf32, #tpu.memory_space<vmem>>, %arg4: memref<1264x32xf32, #tpu.memory_space<vmem>>, %arg5: memref<1x128xf32, #tpu.memory_space<vmem>>, %arg6: memref<1264x128xf32, #tpu.memory_space<vmem>>) attributes {dimension_semantics = [#tpu.dimension_semantics<arbitrary>], iteration_bounds = array<i64: 8>, scalar_prefetch = 0 : i64, scratch_operands = 0 : i64, tpu.core_type = #tpu.core_type<tc>, window_params = [{transform_indices = @transform_0, window_bounds = array<i64: 1264, 128>}, {transform_indices = @transform_1, window_bounds = array<i64: 1264, 128>}, {transform_indices = @transform_2, window_bounds = array<i64: 1264, 128>}, {transform_indices = @transform_3, window_bounds = array<i64: 1264, 32>}, {pipeline_mode = #tpu.pipeline_mode<synchronous>, transform_indices = @transform_4, window_bounds = array<i64: 1, 128>}, {transform_indices = @transform_5, window_bounds = array<i64: 1264, 128>}]} {
    %get3A = arith.constant 0 : index
    %get3A_0 = arith.constant 0 : index
    %get3A_1 = vector.load %arg4[%get3A, %get3A_0] : memref<1264x32xf32, #tpu.memory_space<vmem>>, vector<1264x32xf32>
    %reduce_sum3A = arith.constant dense<0.000000e+00> : vector<1264xf32>
    %reduce_sum3A_2 = vector.multi_reduction <add>, %get3A_1, %reduce_sum3A [1] : vector<1264x32xf32> to vector<1264xf32>
    %broadcast_in_dim3A = vector.shape_cast %reduce_sum3A_2 : vector<1264xf32> to vector<1264x1xf32>
    %add3A = arith.constant 1.000000e+00 : f32
    %add3A_3 = vector.broadcast %add3A : f32 to vector<1264x1xf32>
    %add3A_4 = arith.addf %broadcast_in_dim3A, %add3A_3 : vector<1264x1xf32>
    %rsqrt3A = math.rsqrt %add3A_4 : vector<1264x1xf32>
    %get3A_5 = arith.constant 0 : index
    %get3A_6 = arith.constant 0 : index
    %get3A_7 = vector.load %arg1[%get3A_5, %get3A_6] : memref<1264x128xf32, #tpu.memory_space<vmem>>, vector<1264x128xf32>
    %get3A_8 = arith.constant 0 : index
    %get3A_9 = arith.constant 0 : index
    %get3A_10 = vector.load %arg2[%get3A_8, %get3A_9] : memref<1264x128xf32, #tpu.memory_space<vmem>>, vector<1264x128xf32>
    %add3A_11 = arith.addf %get3A_7, %get3A_10 : vector<1264x128xf32>
    %get3A_12 = arith.constant 0 : index
    %get3A_13 = arith.constant 0 : index
    %get3A_14 = vector.load %arg3[%get3A_12, %get3A_13] : memref<1264x128xf32, #tpu.memory_space<vmem>>, vector<1264x128xf32>
    %add3A_15 = arith.addf %add3A_11, %get3A_14 : vector<1264x128xf32>
    %mul3A = vector.broadcast %rsqrt3A : vector<1264x1xf32> to vector<1264x128xf32>
    %mul3A_16 = arith.mulf %add3A_15, %mul3A : vector<1264x128xf32>
    %get3A_17 = arith.constant 0 : index
    %get3A_18 = arith.constant 0 : index
    %get3A_19 = vector.load %arg5[%get3A_17, %get3A_18] : memref<1x128xf32, #tpu.memory_space<vmem>>, vector<1x128xf32>
    %add3A_20 = vector.broadcast %get3A_19 : vector<1x128xf32> to vector<1264x128xf32>
    %add3A_21 = arith.addf %mul3A_16, %add3A_20 : vector<1264x128xf32>
    %max3A = arith.constant 0.000000e+00 : f32
    %max3A_22 = vector.broadcast %max3A : f32 to vector<1264x128xf32>
    %max3A_23 = arith.maximumf %add3A_21, %max3A_22 : vector<1264x128xf32>
    %swap3A = arith.constant 0 : index
    %swap3A_24 = arith.constant 0 : index
    %swap3A_25 = vector.load %arg6[%swap3A, %swap3A_24] : memref<1264x128xf32, #tpu.memory_space<vmem>>, vector<1264x128xf32>
    tpu.vector_store %arg6[%swap3A, %swap3A_24], %max3A_23 {strides = array<i32>} : memref<1264x128xf32, #tpu.memory_space<vmem>>, vector<1264x128xf32>,
    return
  }
  func.func @transform_0(%arg0: i32) -> (i32, i32) {
    %c0_i32 = arith.constant 0 : i32
    %c0_i32_0 = arith.constant 0 : i32
    return %arg0, %c0_i32 : i32, i32
  }
  func.func @transform_1(%arg0: i32) -> (i32, i32) {
    %c0_i32 = arith.constant 0 : i32
    %c0_i32_0 = arith.constant 0 : i32
    return %arg0, %c0_i32 : i32, i32
  }
  func.func @transform_2(%arg0: i32) -> (i32, i32) {
    %c0_i32 = arith.constant 0 : i32
    %c0_i32_0 = arith.constant 0 : i32
    return %arg0, %c0_i32 : i32, i32
  }
  func.func @transform_3(%arg0: i32) -> (i32, i32) {
    %c0_i32 = arith.constant 0 : i32
    %c0_i32_0 = arith.constant 0 : i32
    return %arg0, %c0_i32 : i32, i32
  }
  func.func @transform_4(%arg0: i32) -> (i32, i32) {
    %c0_i32 = arith.constant 0 : i32
    %c0_i32_0 = arith.constant 0 : i32
    %c0_i32_1 = arith.constant 0 : i32
    return %c0_i32, %c0_i32_0 : i32, i32
  }
  func.func @transform_5(%arg0: i32) -> (i32, i32) {
    %c0_i32 = arith.constant 0 : i32
    %c0_i32_0 = arith.constant 0 : i32
    return %arg0, %c0_i32 : i32, i32
  }
}

</mosaic_0001>

<sc_bundles>
// kernel: kernel.11.cloned.1.call-start
scs
__scs_entry_jumppad:
0x0: {  	(pc) =	sbr.rel $0x88, $3  }
0x1: {  	(tag) =	ssettag $0x0;
	lr =	simm.s32 $0x1  }
0x2: {  	[smem:$0x3F9B] =	sst lr;
	_ =	strace $0xD0000000  }
0x3: {  	_ = 	snop  }
0x4: {  	_ = 	snop  }
0x5: {  	_ = 	snop  }
0x6: {  	_ = 	snop  }
0x7: {  	_ = 	snop  }
__scs_overlays_trampoline_lowered:
0x8: {  	[smem:$0x3FAA] =	sst s0  }
0x9: {  	[smem:$0x3FAB] =	sst s1  }
0xa: {  	[smem:$0x3FAC] =	sst s2  }
0xb: {  	[smem:$0x3FAD] =	sst s3  }
0xc: {  	[smem:$0x3FAE] =	sst s4  }
0xd: {  	[smem:$0x3FAF] =	sst s5  }
0xe: {  	[smem:$0x3FB0] =	sst s6  }
0xf: {  	[smem:$0x3FB1] =	sst s7  }
0x10: {  	[smem:$0x3FB2] =	sst s8  }
0x11: {  	[smem:$0x3FB3] =	sst s9;
	s0 =	simm.s32 @!p0 $0x0  }
0x12: {  	s1 =	sld [smem:$0x3F99];
	s0 =	simm.s32 @p0 $0x1  }
0x13: {  	[smem:$0x3FB4] =	sst s0;
	s0 =	simm.s32 @!p1 $0x0  }
0x14: {  	s2 =	sld [smem:$0x3F98];
	s0 =	simm.s32 @p1 $0x1  }
0x15: {  	[smem:$0x3FB5] =	sst s0;
	s0 =	simm.s32 @!p2 $0x0  }
0x16: {  	s3 =	sld [smem:$0x3FDB];
	s0 =	simm.s32 @p2 $0x1  }
0x17: {  	s4 =	simm.s32 $0x1BF5;
	[smem:$0x3FB7] =	sst s0  }
0x18: {  	s0 =	sld [smem:$0x3F9A];
	_ =	swait.ge [sflag:s4], $0x0  }
0x19: {  	s7 =	sld [smem:$0x3F9B]  }
0x1a: {  	s8 =	sadd.s32 $0xFFFFE003, lr  }
0x1b: {  	s9 =	sadd.s32 $0xFFFFFEF7, lr;
	s5 =	simm.s32 $0xFFFFFFFF;
	p2 =	slt.u32 s8, $0xFFFFF086  }
0x1c: {  	p1 =	slt.u32 s9, $0xF7A;
	s5 =	simm.s32 @!p2 $0x0  }
0x1d: {  	s5 =	simm.s32 @p1 $0x1;
	p0 =	seq.s32 s7, s2  }
0x1e: {  	s7 =	smul.u32 @!p0 $0xF7A, s2;
	p2 =	seq.s32 @!p0 s5, $0x0  }
0x1f: {  	s9 =	smul.u32 $0xF7A, s1;
	s8 =	simm.s32 @!p0 $0x1BF5;
	p2 =	por !p2, p0  }
0x20: {  	[sflag:s8] =	ssyncset.s32 @!p0 $0xFFFFF086;
	s6 =	sadd.s32 @!p0 s3, s7;
	s7 =	simm.s32 @!p0 $0x108  }
0x21: {  	s3 =	sadd.s32 s3, s9;
	s6 =	sadd.s32 @!p0 $0x88, s6;
	s7 =	simm.s32 @p2 $0x1082  }
0x22: {  	[simem:s7], [sflag:s8] =	dma.local @!p0 [hbm:s6], $0xF7A  }
0x23: {  	s9 =	sor.u32 $0xD0000000, s2;
	s6 =	simm.s32 $0x108;
	_ =	swait.ge @!p0 [sflag:s8], $0x0  }
0x24: {  	s3 =	sadd.s32 $0x88, s3;
	s6 =	simm.s32 @!p1 $0x1082;
	[sflag:s4] =	ssyncset.s32 $0xFFFFF086  }
0x25: {  	[simem:s6], [sflag:s4] =	dma.local [hbm:s3], $0xF7A  }
0x26: {  	[smem:$0x3F9B] =	sst s1;
	(tag) =	ssettag s2;
	_ =	strace s9  }
0x27: {  	s1 =	sld [smem:$0x3FAB]  }
0x28: {  	s2 =	sld [smem:$0x3FAC]  }
0x29: {  	s4 =	sld [smem:$0x3FAE]  }
0x2a: {  	p0 =	seq.s32 s5, $0x0;
	s5 =	sld [smem:$0x3FAF]  }
0x2b: {  	s6 =	sld [smem:$0x3FB0]  }
0x2c: {  	s7 =	sld [smem:$0x3FB1]  }
0x2d: {  	s3 =	simm.s32 $0x108;
	s8 =	sld [smem:$0x3FB2]  }
0x2e: {  	s3 =	simm.s32 @!p0 $0x1082;
	s9 =	sld [smem:$0x3FB3]  }
0x2f: {  	lr =	sadd.s32 s0, s3;
	s0 =	sld [smem:$0x3FAA]  }
0x30: {  	s3 =	sld [smem:$0x3FAD]  }
0x31: {  	[smem:$0x3FB6] =	sst s10  }
0x32: {  	s10 =	sld [smem:$0x3FB4];
	_ =	sdelay $0x3  }
0x33: {  	p0 =	seq.s32 s10, $0x1;
	s10 =	sld [smem:$0x3FB6];
	_ =	sdelay $0x3  }
0x34: {  	[smem:$0x3FB6] =	sst s10  }
0x35: {  	s10 =	sld [smem:$0x3FB5];
	_ =	sdelay $0x3  }
0x36: {  	p1 =	seq.s32 s10, $0x1;
	s10 =	sld [smem:$0x3FB6];
	_ =	sdelay $0x3  }
0x37: {  	[smem:$0x3FB6] =	sst s10  }
0x38: {  	s10 =	sld [smem:$0x3FB7]  }
0x39: {  	_ = 	snop;
	(pc) =	sbr.ind lr, $3  }
0x3a: {  	_ = 	snop  }
0x3b: {  	_ = 	snop  }
0x3c: {  	p2 =	seq.s32 s10, $0x1;
	s10 =	sld [smem:$0x3FB6]  }
0x3d: {  	_ =	shalt  }
0x3e: {  	_ =	shalt  }
0x3f: {  	_ =	shalt  }
0x40: {  	_ =	shalt  }
0x41: {  	_ =	shalt  }
0x42: {  	_ =	shalt  }
0x43: {  	_ =	shalt  }
0x44: {  	_ =	shalt  }
0x45: {  	_ =	shalt  }
0x46: {  	_ =	shalt  }
0x47: {  	_ =	shalt  }
0x48: {  	_ =	shalt  }
0x49: {  	_ =	shalt  }
0x4a: {  	_ =	shalt  }
0x4b: {  	_ =	shalt  }
0x4c: {  	_ =	shalt  }
0x4d: {  	_ =	shalt  }
0x4e: {  	_ =	shalt  }
0x4f: {  	_ =	shalt  }
0x50: {  	_ =	shalt  }
0x51: {  	_ =	shalt  }
0x52: {  	_ =	shalt  }
0x53: {  	_ =	shalt  }
0x54: {  	_ =	shalt  }
0x55: {  	_ =	shalt  }
0x56: {  	_ =	shalt  }
0x57: {  	_ =	shalt  }
0x58: {  	_ =	shalt  }
0x59: {  	_ =	shalt  }
0x5a: {  	_ =	shalt  }
0x5b: {  	_ =	shalt  }
0x5c: {  	_ =	shalt  }
0x5d: {  	_ =	shalt  }
0x5e: {  	_ =	shalt  }
0x5f: {  	_ =	shalt  }
0x60: {  	_ =	shalt  }
0x61: {  	_ =	shalt  }
0x62: {  	_ =	shalt  }
0x63: {  	_ =	shalt  }
0x64: {  	_ =	shalt  }
0x65: {  	_ =	shalt  }
0x66: {  	_ =	shalt  }
0x67: {  	_ =	shalt  }
0x68: {  	_ =	shalt  }
0x69: {  	_ =	shalt  }
0x6a: {  	_ =	shalt  }
0x6b: {  	_ =	shalt  }
0x6c: {  	_ =	shalt  }
0x6d: {  	_ =	shalt  }
0x6e: {  	_ =	shalt  }
0x6f: {  	_ =	shalt  }
0x70: {  	_ =	shalt  }
0x71: {  	_ =	shalt  }
0x72: {  	_ =	shalt  }
0x73: {  	_ =	shalt  }
0x74: {  	_ =	shalt  }
0x75: {  	_ =	shalt  }
0x76: {  	_ =	shalt  }
0x77: {  	_ =	shalt  }
0x78: {  	_ =	shalt  }
0x79: {  	_ =	shalt  }
0x7a: {  	_ =	shalt  }
0x7b: {  	_ =	shalt  }
0x7c: {  	_ =	shalt  }
0x7d: {  	_ =	shalt  }
0x7e: {  	_ =	shalt  }
0x7f: {  	_ =	shalt  }
0x80: {  	_ =	shalt  }
0x81: {  	_ =	shalt  }
0x82: {  	_ =	shalt  }
0x83: {  	_ =	shalt  }
0x84: {  	_ =	shalt  }
0x85: {  	_ =	shalt  }
0x86: {  	_ =	shalt  }
0x87: {  	_ =	shalt  }
.Lfunc_end0:
.L_simem_size_0:
called_computation.1_lowered:
.L_overlay_start_0:
0x88: {  	s2 =	sld [smem:$0x3FD9]  }
0x89: {  	s3 =	sld [smem:$0x3FFE];
	_ =	sdelay $0x1  }
0x8a: {  	s1 =	srdreg.scid  }
0x8b: {  	s0 =	sand.u32 $0x1, s1  }
0x8c: {  	s17 =	sshll.u32 s0, $0xA;
	s2 =	sadd.s32 s3, s2  }
0x8d: {  	s2 =	sadd.s32 s2, s17  }
0x8e: {  	[smem:$0x3FC2] =	sst s2  }
0x8f: {  	_ = 	snop  }
0x90: {  	s2 =	sld [smem:$0x3FD0];
	(tm) =	ssettm $0x1  }
0x91: {  	s18 =	sld [smem:$0x3FFB];
	_ =	sdelay $0x3  }
0x92: {  	_ =	strace s18  }
0x93: {  	s3 =	sld [smem:$0x3FFC];
	_ =	sdelay $0x3  }
0x94: {  	_ =	strace s3  }
0x95: {  	s3 =	sld [smem:$0x3FFD];
	_ =	sdelay $0x3  }
0x96: {  	_ =	strace s3  }
0x97: {  	_ =	strace $0x8FFFFFFF  }
0x98: {  	s19 =	sld [smem:$0x3FDB];
	_ =	sdelay $0x1  }
0x99: {  	s4 =	simm.s32 $_scs_section_size  }
0x9a: {  	s5 =	simm.s32 $_size__tile_overlayer_lowered;
	s6 =	simm.s32 $_tile_overlayer_lowered  }
0x9b: {  	s22 =	simm.s32 $0x1BFF;
	s21 =	sshll.u32 s6, $0x1;
	s3 =	sadd.s32 s4, s19  }
0x9c: {  	s7 =	simm.s32 $0x0;
	s20 =	sshll.u32 s5, $0x1;
	s5 =	sadd.s32 s21, s3  }
0x9d: {  	[timem:s7], [sflag:s22] =	dma.local [hbm:s5], s20  }
0x9e: {  	_ =	swait.ge [sflag:s22], s20  }
0x9f: {  	s4 =	ssub.s32 $0x0, s20;
	[sflag:s22] =	ssyncset.done $0x0  }
0xa0: {  	[sflag:s22] =	ssyncadd.s32 s4;
	_ =	sdelay $0x1  }
0xa1: {  	s23 =	simm.s32 $0x1B8B  }
0xa2: {  	_ =	swait.ge [sflag:s23], $0x1  }
0xa3: {  	[sflag:s23] =	ssyncset.done $0x0  }
0xa4: {  	s25 =	simm.s32 $0x1B8E;
	s24 =	sld [smem:$0x3FFE];
	[sflag:s23] =	ssyncadd.s32 $0xFFFFFFFF  }
0xa5: {  	s26 =	simm.s32 $execute0_lowered;
	[smem:$0x3FD2] =	sst s25  }
0xa6: {  	s5 =	sshll.u32 s26, $0x1;
	_ =	strace $0x80000049;
	[dreg:$0x1] =	wrdreg $0xFFFFFFFF  }
0xa7: {  	s28 =	simm.s32 $_size_execute0_lowered;
	s3 =	sadd.s32 s3, s5;
	[dreg:$0x0] =	wrdreg $0x0  }
0xa8: {  	s5 =	sshll.u32 s28, $0x1;
	[dreg:$0x2] =	wrdreg s3  }
0xa9: {  	[dreg:$0x3] =	wrdreg s5  }
0xaa: {  	[dreg:$0x4] =	wrdreg $0xC0  }
0xab: {  	_ =	task [dreg:s7], $0x5FFFF  }
0xac: {  	[dreg:$0x1] =	wrdreg $0xFFFFFFFF  }
0xad: {  	[dreg:$0x0] =	wrdreg $0x60  }
0xae: {  	[dreg:$0x2] =	wrdreg s24  }
0xaf: {  	[dreg:$0x3] =	wrdreg s2  }
0xb0: {  	[dreg:$0x4] =	wrdreg $0xB4000  }
0xb1: {  	[dreg:$0x5] =	wrdreg $0x9  }
0xb2: {  	_ =	task.clear_ibuf [dreg:s7], $0x6FFFF;
	_ =	strace $0x90000049  }
0xb3: {  	s29 =	simm.s32 $0x9;
	_ =	strace $0x8000004B  }
0xb4: {  	_ =	swait.ge [sflag:s29], $0x1  }
0xb5: {  	[sflag:s29] =	ssyncadd.s32 $0xFFFFFFFF  }
0xb6: {  	_ =	strace $0x9000004B  }
0xb7: {  	_ =	sfence  }
0xb8: {  	s30 =	sld [smem:$0x0];
	_ =	sdelay $0x2  }
0xb9: {  	s31 =	sshll.u32 s1, $0xD;
	s1 =	sshrl.u32 s1, $0x2  }
0xba: {  	s3 =	sand.u32 $0x4000, s31;
	s1 =	sadd.s32 s1, s30  }
0xbb: {  	s0 =	sor.u32 s3, s0;
	s1 =	sshll.u32 s1, $0x11  }
0xbc: {  	s0 =	sor.u32 s1, s0  }
0xbd: {  	s0 =	sadd.s32 $0x8F2B, s0  }
0xbe: {  	[sflag:s0] =	ssyncadd.remote.s32 $0x1  }
0xbf: {  	_ =	sfence.sel $0xFFFF  }
0xc0: {  	[dreg:$0x0] =	wrdreg $0xFFFFFFFF;
	(pc) =	sbr.abs _section_cstart, $3  }
0xc1: {  	[dreg:$0x1] =	wrdreg $0xFFFFFFFF  }
0xc2: {  	_ =	task.clear_ibuf [dreg:s7], $0x2FFFF;
	_ =	strace $0x9FFFFFFF  }
0xc3: {  	(tm) =	ssettm $0x7FFFFFFF  }
tec
execute0_lowered:
.L_overlay_start_1:
0x0: {  	(tag) =	ssettag $0x1  }
0x1: {  	s7 =	rddreg [dreg:$0x0]  }
0x2: {  	s2 =	rddreg [dreg:$0x1];
	s0 =	srdreg.scid  }
0x3: {  	s3 =	rddreg [dreg:$0x2];
	s1 =	stileid.u32  }
0x4: {  	s4 =	simm.s32 $0x0;
	s14 =	simm.s32 $0x2;
	s15 =	simm.s32 $0x1800  }
0x5: {  	s16 =	simm.s32 $0x80;
	s17 =	simm.s32 $0x3000;
	s9 =	smul.u32 $0x2780, s1  }
0x6: {  	s8 =	sand.u32 $0x1, s0;
	s0 =	rddreg [dreg:$0x3];
	s11 =	smul.u32 $0x98, s1  }
0x7: {  	[smem:$0x7FF] =	sst s4;
	s5 =	sadd.s32 $0x49200, s7;
	s13 =	smul.u32 $0x4F000, s1  }
0x8: {  	s12 =	sshll.u32 s1, $0x3;
	s6 =	smul.u32 $0x27800, s8;
	_ =	strace $0x8000004A  }
0x9: {  	s26 =	ssub.s32 $0x2, s8;
	p0 =	seq.s32 s8, $0x0;
	s8 =	sor.u32 $0x980, s12  }
0xa: {  	s28 =	sshrl.u32 s26, $0x1;
	s8 =	smov.u32 @p0 s11;
	s30 =	sshrl.u32 s13, $0x2  }
0xb: {  	s13 =	simm.s32 $0x1;
	s9 =	sadd.s32 s9, s6;
	s6 =	sadd.s32 $0x17800, s7  }
0xc: {  	s29 =	ssub.s32 s26, s28;
	s31 =	sshll.u32 s8, $0x4;
	s10 =	sadd.s32 s9, s7  }
0xd: {  	s9 =	simm.s32 $0x13000;
	s7 =	sadd.s32 s30, s3;
	s8 =	sadd.s32 s6, s31  }
0xe: {  	s11 =	smax.u32 s29, $0x1;
	s12 =	sor.u32 $0x10, s31;
	s9 =	simm.s32 @!p0 $0x1000  }
0xf: {  	v0 =	vimm.f32 $0.0e+00;
	s10 =	sadd.s32 $0x70A00, s10;
	[dreg:$0x4] =	wrdreg s9;
	s9 =	sadd.s32 s2, s31  }
.LBB2_1:
0x10: {  	[tilespmem:$0xB000] =	vst v0  }
0x11: {  	[tilespmem:$0xB010] =	vst v0  }
0x12: {  	[tilespmem:$0xB020] =	vst v0  }
0x13: {  	[tilespmem:$0xB030] =	vst v0  }
0x14: {  	[tilespmem:$0xB040] =	vst v0  }
0x15: {  	[tilespmem:$0xB050] =	vst v0  }
0x16: {  	[tilespmem:$0xB060] =	vst v0  }
0x17: {  	[tilespmem:$0xB070] =	vst v0  }
0x18: {  	[tilespmem:$0xB080] =	vst v0  }
0x19: {  	[tilespmem:$0xB090] =	vst v0  }
0x1a: {  	[tilespmem:$0xB0A0] =	vst v0  }
0x1b: {  	[tilespmem:$0xB0B0] =	vst v0  }
0x1c: {  	[tilespmem:$0xB0C0] =	vst v0  }
0x1d: {  	[tilespmem:$0xB0D0] =	vst v0  }
0x1e: {  	[tilespmem:$0xB0E0] =	vst v0  }
0x1f: {  	[tilespmem:$0xB0F0] =	vst v0  }
0x20: {  	[tilespmem:$0xB100] =	vst v0  }
0x21: {  	[tilespmem:$0xB110] =	vst v0  }
0x22: {  	[tilespmem:$0xB120] =	vst v0  }
0x23: {  	[tilespmem:$0xB130] =	vst v0  }
0x24: {  	[tilespmem:$0xB140] =	vst v0  }
0x25: {  	[tilespmem:$0xB150] =	vst v0  }
0x26: {  	[tilespmem:$0xB160] =	vst v0  }
0x27: {  	[tilespmem:$0xB170] =	vst v0  }
0x28: {  	[tilespmem:$0xB180] =	vst v0  }
0x29: {  	[tilespmem:$0xB190] =	vst v0  }
0x2a: {  	[tilespmem:$0xB1A0] =	vst v0  }
0x2b: {  	[tilespmem:$0xB1B0] =	vst v0  }
0x2c: {  	[tilespmem:$0xB1C0] =	vst v0  }
0x2d: {  	[tilespmem:$0xB1D0] =	vst v0  }
0x2e: {  	[tilespmem:$0xB1E0] =	vst v0  }
0x2f: {  	[tilespmem:$0xB1F0] =	vst v0  }
0x30: {  	[tilespmem:$0xB200] =	vst v0  }
0x31: {  	[tilespmem:$0xB210] =	vst v0  }
0x32: {  	[tilespmem:$0xB220] =	vst v0  }
0x33: {  	[tilespmem:$0xB230] =	vst v0  }
0x34: {  	[tilespmem:$0xB240] =	vst v0  }
0x35: {  	[tilespmem:$0xB250] =	vst v0  }
0x36: {  	[tilespmem:$0xB260] =	vst v0  }
0x37: {  	[tilespmem:$0xB270] =	vst v0  }
0x38: {  	[tilespmem:$0xB280] =	vst v0  }
0x39: {  	[tilespmem:$0xB290] =	vst v0  }
0x3a: {  	[tilespmem:$0xB2A0] =	vst v0  }
0x3b: {  	[tilespmem:$0xB2B0] =	vst v0  }
0x3c: {  	[tilespmem:$0xB2C0] =	vst v0  }
0x3d: {  	[tilespmem:$0xB2D0] =	vst v0  }
0x3e: {  	[tilespmem:$0xB2E0] =	vst v0  }
0x3f: {  	[tilespmem:$0xB2F0] =	vst v0  }
0x40: {  	[tilespmem:$0xB300] =	vst v0  }
0x41: {  	[tilespmem:$0xB310] =	vst v0  }
0x42: {  	[tilespmem:$0xB320] =	vst v0  }
0x43: {  	[tilespmem:$0xB330] =	vst v0  }
0x44: {  	[tilespmem:$0xB340] =	vst v0  }
0x45: {  	[tilespmem:$0xB350] =	vst v0  }
0x46: {  	[tilespmem:$0xB360] =	vst v0  }
0x47: {  	[tilespmem:$0xB370] =	vst v0  }
0x48: {  	[tilespmem:$0xB380] =	vst v0  }
0x49: {  	[tilespmem:$0xB390] =	vst v0  }
0x4a: {  	[tilespmem:$0xB3A0] =	vst v0  }
0x4b: {  	[tilespmem:$0xB3B0] =	vst v0  }
0x4c: {  	[tilespmem:$0xB3C0] =	vst v0  }
0x4d: {  	[tilespmem:$0xB3D0] =	vst v0  }
0x4e: {  	[tilespmem:$0xB3E0] =	vst v0  }
0x4f: {  	[tilespmem:$0xB3F0] =	vst v0;
	s18 =	smov.u32 s7;
	s19 =	simm.s32 $0x0  }
.LBB2_2:
0x50: {  	p0 =	sgt.u32 s19, $0x4E  }
0x51: {  	s20 =	simm.s32 @!p0 $0xB000;
	p1 =	slt.u32 @!p0 s19, $0x8  }
0x52: {  	[spmem:s18] =	stream.linear.scatter @!p0 [tilespmem:s20], [sflag:$0x1], $0x400, $0x38;
	[tilespmem:$0x1F000] =	vst v63  }
0x53: {  	p0 =	por p0, !p1  }
0x54: {  	_ =	swait.ge @p0 [sflag:s13], $0x400  }
0x55: {  	s19 =	sadd.s32 $0x1, s19;
	[sflag:s13] =	ssyncset.done @p0 $0x0  }
0x56: {  	[sflag:s13] =	ssyncadd.s32 @p0 $0xFFFFFC00;
	p0 =	sne.s32 s19, $0x57  }
.Ltmp0:
0x57: {  	_ = 	snop;
	(pc) =	sbr.rel @p0 .LBB2_2-.Ltmp0, $2  }
0x58: {  	_ =	sdelay $0x2  }
0x59: {  	s18 =	sadd.s32 $0x400, s18  }
0x5a: {  	s18 =	simm.s32 $0x0  }
0x5b: {  	[tilespmem:s18], [sflag:$0x2] =	stream.linear.gather [hbm4b:s8+s18], $0xC00, $0x38;
	[tilespmem:$0x1F000] =	vst v63  }
0x5c: {  	_ =	swait.ge [sflag:s14], $0xC00  }
0x5d: {  	[sflag:s14] =	ssyncset.done $0x0  }
0x5e: {  	[sflag:s14] =	ssyncadd.s32 $0xFFFFF400  }
0x5f: {  	[tilespmem:s15], [sflag:$0x2] =	stream.linear.gather [hbm4b:s9+s18], $0xC00, $0x38;
	[tilespmem:$0x1F000] =	vst v63  }
0x60: {  	_ =	swait.ge [sflag:s14], $0xC00  }
0x61: {  	[sflag:s14] =	ssyncset.done $0x0  }
0x62: {  	s19 =	simm.s32 $0x1;
	[sflag:s14] =	ssyncadd.s32 $0xFFFFF400  }
0x63: {  	s20 =	smov.u32 s12;
	s21 =	simm.s32 $0x0;
	[bflag:$0x0] =	sbarrier.arrive $0xFFFF  }
0x64: {  	[tilespmem:s17], [sflag:$0x1] =	stream.indirect.gather [hbm4b:s5+s16], $0x80, s18, s16, $0xb8;
	[tilespmem:$0x1F000] =	vst v63  }
.LBB2_4:
0x65: {  	s22 =	smulhi.u32 $0xAAAAAAAB, s19;
	_ =	sdelay $0x1  }
0x66: {  	s24 =	smulhi.u32 $0xAAAAAAAB, s21;
	s23 =	sshrl.u32 s22, $0x5;
	s22 =	sshrl.u32 s22, $0x4  }
0x67: {  	s22 =	smul.u32 $0x3000, s22  }
0x68: {  	_ =	swait.ge [sflag:s13], $0x4000;
	s23 =	smul.u32 $0xFFFFA000, s23  }
0x69: {  	[sflag:s13] =	ssyncset.done $0x0;
	s24 =	sshrl.u32 s24, $0x5;
	s22 =	sadd.s32 $0xFFFFFE00, s22  }
0x6a: {  	[sflag:s13] =	ssyncadd.s32 $0xFFFFC000;
	s23 =	sshra.s32 s23, $0x2;
	p0 =	sne.s32 s22, s18  }
0x6b: {  	s25 =	sor.u32 $0x80, s23;
	s22 =	sshra.s32 @!p0 s18, $0x2;
	s26 =	sand.u32 @!p0 $0x1FFFFF80, s20  }
0x6c: {  	s30 =	simm.s32 @!p0 $0x0;
	s28 =	sadd.s32 @!p0 s22, s25;
	s29 =	sadd.s32 @!p0 s6, s26  }
0x6d: {  	[tilespmem:s28], [sflag:$0x2] =	stream.linear.gather @!p0 [hbm4b:s29+s30], $0xC00, $0x38;
	[tilespmem:$0x1F000] =	vst v63  }
0x6e: {  	s24 =	smul.u32 $0xFFFFA000, s24;
	s28 =	simm.s32 @!p0 $0x2  }
0x6f: {  	_ =	swait.ge @!p0 [sflag:s28], $0xC00  }
0x70: {  	s24 =	sshra.s32 s24, $0x2;
	s23 =	sadd.s32 $0x1880, s23;
	[sflag:s28] =	ssyncset.done @!p0 $0x0  }
0x71: {  	s22 =	sadd.s32 @!p0 s22, s23;
	s23 =	sadd.s32 @!p0 s2, s26;
	[sflag:s28] =	ssyncadd.s32 @!p0 $0xFFFFF400  }
0x72: {  	[tilespmem:s22], [sflag:$0x2] =	stream.linear.gather @!p0 [hbm4b:s23+s30], $0xC00, $0x38;
	[tilespmem:$0x1F000] =	vst v63  }
0x73: {  	s24 =	sadd.s32 $0x1800, s24;
	s26 =	sand.u32 $0x1, s21;
	_ =	swait.ge @!p0 [sflag:s28], $0xC00  }
0x74: {  	s29 =	sshra.s32 s18, $0x2;
	s23 =	sshll.u32 s26, $0xE;
	[sflag:s28] =	ssyncset.done @!p0 $0x0  }
0x75: {  	s25 =	sadd.s32 s29, s25;
	s30 =	sxor.u32 $0x7000, s23;
	[sflag:s28] =	ssyncadd.s32 @!p0 $0xFFFFF400  }
0x76: {  	[tilespmem:s30], [sflag:$0x1] =	stream.indirect.gather [hbm4b:s5+s16], $0x80, s25, s16, $0xb8;
	[tilespmem:$0x1F000] =	vst v63  }
0x77: {  	s22 =	sadd.s32 s29, s24;
	s23 =	sor.u32 $0x3000, s23  }
0x78: {  	[spmem:s3] =	stream.indirect.scatter.add.f32 [tilespmem:s23], [sflag:$0x2], $0x80, s22, s16, $0xb8;
	[tilespmem:$0x1F000] =	vst v63  }
0x79: {  	_ =	swait.ge [sflag:s14], $0x4000  }
0x7a: {  	s18 =	sadd.s32 $0x200, s18;
	s31 =	rddreg [dreg:$0x4]  }
0x7b: {  	p0 =	sne.s32 s31, s18  }
.Ltmp1:
0x7c: {  	_ = 	snop;
	(pc) =	sbr.rel @p0 .LBB2_4-.Ltmp1, $3  }
0x7d: {  	_ =	sdelay $0x1  }
0x7e: {  	s19 =	sadd.s32 $0x1, s19;
	[sflag:s14] =	ssyncset.done $0x0  }
0x7f: {  	s20 =	sadd.s32 $0x10, s20;
	s21 =	sadd.s32 $0x1, s21;
	[sflag:s14] =	ssyncadd.s32 $0xFFFFC000  }
0x80: {  	_ =	swait.ge [sflag:s13], $0x4000  }
0x81: {  	s18 =	sshll.u32 s1, $0x6;
	s4 =	sadd.s32 $0x1, s4;
	[sflag:s13] =	ssyncset.done $0x0  }
0x82: {  	s19 =	sshrl.u32 s7, $0x3;
	p0 =	sne.s32 s4, s11;
	[sflag:s13] =	ssyncadd.s32 $0xFFFFC000  }
.Ltmp2:
0x83: {  	s18 =	sor.u32 $0x1C02, s18;
	[bflag:$0x0] =	sbarrier.arrive $0xFFFF;
	(pc) =	sbr.rel @p0 .LBB2_1-.Ltmp2, $4  }
0x84: {  	[hbm:s10], [sflag:s18] =	dma.local [spmem:s19], $0x2780  }
0x85: {  	_ =	swait.ge [sflag:s14], $0x2780  }
0x86: {  	[sflag:s14] =	ssyncset.done $0x0  }
0x87: {  	[sflag:s14] =	ssyncadd.s32 $0xFFFFD880  }
0x88: {  	_ =	sfence.sel $0x180000  }
0x89: {  	[bflag:$0x0] =	sbarrier.arrive $0xFFFF  }
0x8a: {  	p0 =	sne.s32 s1, $0x0;
	_ =	strace $0x9000004A  }
0x8b: {  	s0 =	sadd.s32 @!p0 $0x100000, s0;
	[bflag:$0x2] =	sbarrier.arrive $0xFFFF  }
0x8c: {  	[sflag:s0] =	ssyncadd.tile.s32 @!p0 $0x1;
	_ =	shalt  }
.Lfunc_end2:
_tile_overlayer_lowered:
.L_overlay_start_2:
0x8d: {  	(tag) =	ssettag $0x2  }
0x8e: {  	s0 =	rddreg [dreg:$0x0];
	s2 =	stileid.u32  }
0x8f: {  	s1 =	rddreg [dreg:$0x1];
	p0 =	sne.s32 s2, $0x0  }
0x90: {  	s3 =	rddreg [dreg:$0x2];
	[bflag:$0x3] =	sbarrier.arrive $0xFFFF;
	s2 =	simm.s32 @!p0 $0x1C02  }
0x91: {  	[timem:s3], [sflag:s2] =	dma.local @!p0 [hbm:s0], s1  }
0x92: {  	s0 =	simm.s32 @!p0 $0x2  }
0x93: {  	_ =	swait.ge @!p0 [sflag:s0], s1  }
0x94: {  	s1 =	ssub.s32 @!p0 $0x0, s1;
	[sflag:s0] =	ssyncset.done @!p0 $0x0  }
0x95: {  	[sflag:s0] =	ssyncadd.s32 @!p0 s1  }
0x96: {  	[bflag:$0x3] =	sbarrier.arrive $0xFFFF  }
0x97: {  	_ =	shalt  }

// kernel: kernel.14.cloned.1.call-start
scs
__scs_entry_jumppad:
0x0: {  	(pc) =	sbr.rel $0x88, $3  }
0x1: {  	(tag) =	ssettag $0x0;
	lr =	simm.s32 $0x1  }
0x2: {  	[smem:$0x3F9B] =	sst lr;
	_ =	strace $0xD0000000  }
0x3: {  	_ = 	snop  }
0x4: {  	_ = 	snop  }
0x5: {  	_ = 	snop  }
0x6: {  	_ = 	snop  }
0x7: {  	_ = 	snop  }
__scs_overlays_trampoline_lowered:
0x8: {  	[smem:$0x3FAA] =	sst s0  }
0x9: {  	[smem:$0x3FAB] =	sst s1  }
0xa: {  	[smem:$0x3FAC] =	sst s2  }
0xb: {  	[smem:$0x3FAD] =	sst s3  }
0xc: {  	[smem:$0x3FAE] =	sst s4  }
0xd: {  	[smem:$0x3FAF] =	sst s5  }
0xe: {  	[smem:$0x3FB0] =	sst s6  }
0xf: {  	[smem:$0x3FB1] =	sst s7  }
0x10: {  	[smem:$0x3FB2] =	sst s8  }
0x11: {  	[smem:$0x3FB3] =	sst s9;
	s0 =	simm.s32 @!p0 $0x0  }
0x12: {  	s1 =	sld [smem:$0x3F99];
	s0 =	simm.s32 @p0 $0x1  }
0x13: {  	[smem:$0x3FB4] =	sst s0;
	s0 =	simm.s32 @!p1 $0x0  }
0x14: {  	s2 =	sld [smem:$0x3F98];
	s0 =	simm.s32 @p1 $0x1  }
0x15: {  	[smem:$0x3FB5] =	sst s0;
	s0 =	simm.s32 @!p2 $0x0  }
0x16: {  	s3 =	sld [smem:$0x3FDB];
	s0 =	simm.s32 @p2 $0x1  }
0x17: {  	s4 =	simm.s32 $0x1BF5;
	[smem:$0x3FB7] =	sst s0  }
0x18: {  	s0 =	sld [smem:$0x3F9A];
	_ =	swait.ge [sflag:s4], $0x0  }
0x19: {  	s7 =	sld [smem:$0x3F9B]  }
0x1a: {  	s8 =	sadd.s32 $0xFFFFE003, lr  }
0x1b: {  	s9 =	sadd.s32 $0xFFFFFEF7, lr;
	s5 =	simm.s32 $0xFFFFFFFF;
	p2 =	slt.u32 s8, $0xFFFFF086  }
0x1c: {  	p1 =	slt.u32 s9, $0xF7A;
	s5 =	simm.s32 @!p2 $0x0  }
0x1d: {  	s5 =	simm.s32 @p1 $0x1;
	p0 =	seq.s32 s7, s2  }
0x1e: {  	s7 =	smul.u32 @!p0 $0xF7A, s2;
	p2 =	seq.s32 @!p0 s5, $0x0  }
0x1f: {  	s9 =	smul.u32 $0xF7A, s1;
	s8 =	simm.s32 @!p0 $0x1BF5;
	p2 =	por !p2, p0  }
0x20: {  	[sflag:s8] =	ssyncset.s32 @!p0 $0xFFFFF086;
	s6 =	sadd.s32 @!p0 s3, s7;
	s7 =	simm.s32 @!p0 $0x108  }
0x21: {  	s3 =	sadd.s32 s3, s9;
	s6 =	sadd.s32 @!p0 $0x88, s6;
	s7 =	simm.s32 @p2 $0x1082  }
0x22: {  	[simem:s7], [sflag:s8] =	dma.local @!p0 [hbm:s6], $0xF7A  }
0x23: {  	s9 =	sor.u32 $0xD0000000, s2;
	s6 =	simm.s32 $0x108;
	_ =	swait.ge @!p0 [sflag:s8], $0x0  }
0x24: {  	s3 =	sadd.s32 $0x88, s3;
	s6 =	simm.s32 @!p1 $0x1082;
	[sflag:s4] =	ssyncset.s32 $0xFFFFF086  }
0x25: {  	[simem:s6], [sflag:s4] =	dma.local [hbm:s3], $0xF7A  }
0x26: {  	[smem:$0x3F9B] =	sst s1;
	(tag) =	ssettag s2;
	_ =	strace s9  }
0x27: {  	s1 =	sld [smem:$0x3FAB]  }
0x28: {  	s2 =	sld [smem:$0x3FAC]  }
0x29: {  	s4 =	sld [smem:$0x3FAE]  }
0x2a: {  	p0 =	seq.s32 s5, $0x0;
	s5 =	sld [smem:$0x3FAF]  }
0x2b: {  	s6 =	sld [smem:$0x3FB0]  }
0x2c: {  	s7 =	sld [smem:$0x3FB1]  }
0x2d: {  	s3 =	simm.s32 $0x108;
	s8 =	sld [smem:$0x3FB2]  }
0x2e: {  	s3 =	simm.s32 @!p0 $0x1082;
	s9 =	sld [smem:$0x3FB3]  }
0x2f: {  	lr =	sadd.s32 s0, s3;
	s0 =	sld [smem:$0x3FAA]  }
0x30: {  	s3 =	sld [smem:$0x3FAD]  }
0x31: {  	[smem:$0x3FB6] =	sst s10  }
0x32: {  	s10 =	sld [smem:$0x3FB4];
	_ =	sdelay $0x3  }
0x33: {  	p0 =	seq.s32 s10, $0x1;
	s10 =	sld [smem:$0x3FB6];
	_ =	sdelay $0x3  }
0x34: {  	[smem:$0x3FB6] =	sst s10  }
0x35: {  	s10 =	sld [smem:$0x3FB5];
	_ =	sdelay $0x3  }
0x36: {  	p1 =	seq.s32 s10, $0x1;
	s10 =	sld [smem:$0x3FB6];
	_ =	sdelay $0x3  }
0x37: {  	[smem:$0x3FB6] =	sst s10  }
0x38: {  	s10 =	sld [smem:$0x3FB7]  }
0x39: {  	_ = 	snop;
	(pc) =	sbr.ind lr, $3  }
0x3a: {  	_ = 	snop  }
0x3b: {  	_ = 	snop  }
0x3c: {  	p2 =	seq.s32 s10, $0x1;
	s10 =	sld [smem:$0x3FB6]  }
0x3d: {  	_ =	shalt  }
0x3e: {  	_ =	shalt  }
0x3f: {  	_ =	shalt  }
0x40: {  	_ =	shalt  }
0x41: {  	_ =	shalt  }
0x42: {  	_ =	shalt  }
0x43: {  	_ =	shalt  }
0x44: {  	_ =	shalt  }
0x45: {  	_ =	shalt  }
0x46: {  	_ =	shalt  }
0x47: {  	_ =	shalt  }
0x48: {  	_ =	shalt  }
0x49: {  	_ =	shalt  }
0x4a: {  	_ =	shalt  }
0x4b: {  	_ =	shalt  }
0x4c: {  	_ =	shalt  }
0x4d: {  	_ =	shalt  }
0x4e: {  	_ =	shalt  }
0x4f: {  	_ =	shalt  }
0x50: {  	_ =	shalt  }
0x51: {  	_ =	shalt  }
0x52: {  	_ =	shalt  }
0x53: {  	_ =	shalt  }
0x54: {  	_ =	shalt  }
0x55: {  	_ =	shalt  }
0x56: {  	_ =	shalt  }
0x57: {  	_ =	shalt  }
0x58: {  	_ =	shalt  }
0x59: {  	_ =	shalt  }
0x5a: {  	_ =	shalt  }
0x5b: {  	_ =	shalt  }
0x5c: {  	_ =	shalt  }
0x5d: {  	_ =	shalt  }
0x5e: {  	_ =	shalt  }
0x5f: {  	_ =	shalt  }
0x60: {  	_ =	shalt  }
0x61: {  	_ =	shalt  }
0x62: {  	_ =	shalt  }
0x63: {  	_ =	shalt  }
0x64: {  	_ =	shalt  }
0x65: {  	_ =	shalt  }
0x66: {  	_ =	shalt  }
0x67: {  	_ =	shalt  }
0x68: {  	_ =	shalt  }
0x69: {  	_ =	shalt  }
0x6a: {  	_ =	shalt  }
0x6b: {  	_ =	shalt  }
0x6c: {  	_ =	shalt  }
0x6d: {  	_ =	shalt  }
0x6e: {  	_ =	shalt  }
0x6f: {  	_ =	shalt  }
0x70: {  	_ =	shalt  }
0x71: {  	_ =	shalt  }
0x72: {  	_ =	shalt  }
0x73: {  	_ =	shalt  }
0x74: {  	_ =	shalt  }
0x75: {  	_ =	shalt  }
0x76: {  	_ =	shalt  }
0x77: {  	_ =	shalt  }
0x78: {  	_ =	shalt  }
0x79: {  	_ =	shalt  }
0x7a: {  	_ =	shalt  }
0x7b: {  	_ =	shalt  }
0x7c: {  	_ =	shalt  }
0x7d: {  	_ =	shalt  }
0x7e: {  	_ =	shalt  }
0x7f: {  	_ =	shalt  }
0x80: {  	_ =	shalt  }
0x81: {  	_ =	shalt  }
0x82: {  	_ =	shalt  }
0x83: {  	_ =	shalt  }
0x84: {  	_ =	shalt  }
0x85: {  	_ =	shalt  }
0x86: {  	_ =	shalt  }
0x87: {  	_ =	shalt  }
.Lfunc_end0:
.L_simem_size_0:
called_computation.2_lowered:
.L_overlay_start_0:
0x88: {  	s2 =	sld [smem:$0x3FD9]  }
0x89: {  	s3 =	sld [smem:$0x3FFE];
	_ =	sdelay $0x1  }
0x8a: {  	s1 =	srdreg.scid  }
0x8b: {  	s0 =	sand.u32 $0x1, s1  }
0x8c: {  	s17 =	sshll.u32 s0, $0xA;
	s2 =	sadd.s32 s3, s2  }
0x8d: {  	s2 =	sadd.s32 s2, s17  }
0x8e: {  	[smem:$0x3FC2] =	sst s2  }
0x8f: {  	_ = 	snop  }
0x90: {  	s2 =	sld [smem:$0x3FD0];
	(tm) =	ssettm $0x1  }
0x91: {  	s18 =	sld [smem:$0x3FFB];
	_ =	sdelay $0x3  }
0x92: {  	_ =	strace s18  }
0x93: {  	s3 =	sld [smem:$0x3FFC];
	_ =	sdelay $0x3  }
0x94: {  	_ =	strace s3  }
0x95: {  	s3 =	sld [smem:$0x3FFD];
	_ =	sdelay $0x3  }
0x96: {  	_ =	strace s3  }
0x97: {  	_ =	strace $0x8FFFFFFF  }
0x98: {  	s19 =	sld [smem:$0x3FDB];
	_ =	sdelay $0x1  }
0x99: {  	s4 =	simm.s32 $_scs_section_size  }
0x9a: {  	s5 =	simm.s32 $_size__tile_overlayer_lowered;
	s6 =	simm.s32 $_tile_overlayer_lowered  }
0x9b: {  	s22 =	simm.s32 $0x1BFF;
	s21 =	sshll.u32 s6, $0x1;
	s3 =	sadd.s32 s4, s19  }
0x9c: {  	s7 =	simm.s32 $0x0;
	s20 =	sshll.u32 s5, $0x1;
	s5 =	sadd.s32 s21, s3  }
0x9d: {  	[timem:s7], [sflag:s22] =	dma.local [hbm:s5], s20  }
0x9e: {  	_ =	swait.ge [sflag:s22], s20  }
0x9f: {  	s4 =	ssub.s32 $0x0, s20;
	[sflag:s22] =	ssyncset.done $0x0  }
0xa0: {  	[sflag:s22] =	ssyncadd.s32 s4;
	_ =	sdelay $0x1  }
0xa1: {  	s23 =	simm.s32 $0x1B8B  }
0xa2: {  	_ =	swait.ge [sflag:s23], $0x1  }
0xa3: {  	[sflag:s23] =	ssyncset.done $0x0  }
0xa4: {  	s25 =	simm.s32 $0x1B8E;
	s24 =	sld [smem:$0x3FFE];
	[sflag:s23] =	ssyncadd.s32 $0xFFFFFFFF  }
0xa5: {  	s26 =	simm.s32 $execute0_lowered;
	[smem:$0x3FD2] =	sst s25  }
0xa6: {  	s5 =	sshll.u32 s26, $0x1;
	_ =	strace $0x8000004C;
	[dreg:$0x1] =	wrdreg $0xFFFFFFFF  }
0xa7: {  	s28 =	simm.s32 $_size_execute0_lowered;
	s3 =	sadd.s32 s3, s5;
	[dreg:$0x0] =	wrdreg $0x0  }
0xa8: {  	s5 =	sshll.u32 s28, $0x1;
	[dreg:$0x2] =	wrdreg s3  }
0xa9: {  	[dreg:$0x3] =	wrdreg s5  }
0xaa: {  	[dreg:$0x4] =	wrdreg $0xC0  }
0xab: {  	_ =	task [dreg:s7], $0x5FFFF  }
0xac: {  	[dreg:$0x1] =	wrdreg $0xFFFFFFFF  }
0xad: {  	[dreg:$0x0] =	wrdreg $0x60  }
0xae: {  	[dreg:$0x2] =	wrdreg s24  }
0xaf: {  	[dreg:$0x3] =	wrdreg s2  }
0xb0: {  	[dreg:$0x4] =	wrdreg $0xB4000  }
0xb1: {  	[dreg:$0x5] =	wrdreg $0x9  }
0xb2: {  	_ =	task.clear_ibuf [dreg:s7], $0x6FFFF;
	_ =	strace $0x9000004C  }
0xb3: {  	s29 =	simm.s32 $0x9;
	_ =	strace $0x8000004E  }
0xb4: {  	_ =	swait.ge [sflag:s29], $0x1  }
0xb5: {  	[sflag:s29] =	ssyncadd.s32 $0xFFFFFFFF  }
0xb6: {  	_ =	strace $0x9000004E  }
0xb7: {  	_ =	sfence  }
0xb8: {  	s30 =	sld [smem:$0x0];
	_ =	sdelay $0x2  }
0xb9: {  	s31 =	sshll.u32 s1, $0xD;
	s1 =	sshrl.u32 s1, $0x2  }
0xba: {  	s3 =	sand.u32 $0x4000, s31;
	s1 =	sadd.s32 s1, s30  }
0xbb: {  	s0 =	sor.u32 s3, s0;
	s1 =	sshll.u32 s1, $0x11  }
0xbc: {  	s0 =	sor.u32 s1, s0  }
0xbd: {  	s0 =	sadd.s32 $0x8F2B, s0  }
0xbe: {  	[sflag:s0] =	ssyncadd.remote.s32 $0x1  }
0xbf: {  	_ =	sfence.sel $0xFFFF  }
0xc0: {  	[dreg:$0x0] =	wrdreg $0xFFFFFFFF;
	(pc) =	sbr.abs _section_cstart, $3  }
0xc1: {  	[dreg:$0x1] =	wrdreg $0xFFFFFFFF  }
0xc2: {  	_ =	task.clear_ibuf [dreg:s7], $0x2FFFF;
	_ =	strace $0x9FFFFFFF  }
0xc3: {  	(tm) =	ssettm $0x7FFFFFFF  }
tec
execute0_lowered:
.L_overlay_start_1:
0x0: {  	(tag) =	ssettag $0x1  }
0x1: {  	s7 =	rddreg [dreg:$0x0]  }
0x2: {  	s2 =	rddreg [dreg:$0x1];
	s0 =	srdreg.scid  }
0x3: {  	s3 =	rddreg [dreg:$0x2];
	s1 =	stileid.u32  }
0x4: {  	s4 =	simm.s32 $0x0;
	s14 =	simm.s32 $0x2;
	s15 =	simm.s32 $0x1800  }
0x5: {  	s16 =	simm.s32 $0x80;
	s17 =	simm.s32 $0x3000;
	s9 =	smul.u32 $0x2780, s1  }
0x6: {  	s8 =	sand.u32 $0x1, s0;
	s0 =	rddreg [dreg:$0x3];
	s11 =	smul.u32 $0x98, s1  }
0x7: {  	[smem:$0x7FF] =	sst s4;
	s5 =	sadd.s32 $0x49200, s7;
	s13 =	smul.u32 $0x4F000, s1  }
0x8: {  	s12 =	sshll.u32 s1, $0x3;
	s6 =	smul.u32 $0x27800, s8;
	_ =	strace $0x8000004D  }
0x9: {  	s26 =	ssub.s32 $0x2, s8;
	p0 =	seq.s32 s8, $0x0;
	s8 =	sor.u32 $0x980, s12  }
0xa: {  	s28 =	sshrl.u32 s26, $0x1;
	s8 =	smov.u32 @p0 s11;
	s30 =	sshrl.u32 s13, $0x2  }
0xb: {  	s13 =	simm.s32 $0x1;
	s9 =	sadd.s32 s9, s6;
	s6 =	sadd.s32 $0x17800, s7  }
0xc: {  	s29 =	ssub.s32 s26, s28;
	s31 =	sshll.u32 s8, $0x4;
	s10 =	sadd.s32 s9, s7  }
0xd: {  	s9 =	simm.s32 $0x13000;
	s7 =	sadd.s32 s30, s3;
	s8 =	sadd.s32 s6, s31  }
0xe: {  	s11 =	smax.u32 s29, $0x1;
	s12 =	sor.u32 $0x10, s31;
	s9 =	simm.s32 @!p0 $0x1000  }
0xf: {  	v0 =	vimm.f32 $0.0e+00;
	s10 =	sadd.s32 $0x70A00, s10;
	[dreg:$0x4] =	wrdreg s9;
	s9 =	sadd.s32 s2, s31  }
.LBB2_1:
0x10: {  	[tilespmem:$0xB000] =	vst v0  }
0x11: {  	[tilespmem:$0xB010] =	vst v0  }
0x12: {  	[tilespmem:$0xB020] =	vst v0  }
0x13: {  	[tilespmem:$0xB030] =	vst v0  }
0x14: {  	[tilespmem:$0xB040] =	vst v0  }
0x15: {  	[tilespmem:$0xB050] =	vst v0  }
0x16: {  	[tilespmem:$0xB060] =	vst v0  }
0x17: {  	[tilespmem:$0xB070] =	vst v0  }
0x18: {  	[tilespmem:$0xB080] =	vst v0  }
0x19: {  	[tilespmem:$0xB090] =	vst v0  }
0x1a: {  	[tilespmem:$0xB0A0] =	vst v0  }
0x1b: {  	[tilespmem:$0xB0B0] =	vst v0  }
0x1c: {  	[tilespmem:$0xB0C0] =	vst v0  }
0x1d: {  	[tilespmem:$0xB0D0] =	vst v0  }
0x1e: {  	[tilespmem:$0xB0E0] =	vst v0  }
0x1f: {  	[tilespmem:$0xB0F0] =	vst v0  }
0x20: {  	[tilespmem:$0xB100] =	vst v0  }
0x21: {  	[tilespmem:$0xB110] =	vst v0  }
0x22: {  	[tilespmem:$0xB120] =	vst v0  }
0x23: {  	[tilespmem:$0xB130] =	vst v0  }
0x24: {  	[tilespmem:$0xB140] =	vst v0  }
0x25: {  	[tilespmem:$0xB150] =	vst v0  }
0x26: {  	[tilespmem:$0xB160] =	vst v0  }
0x27: {  	[tilespmem:$0xB170] =	vst v0  }
0x28: {  	[tilespmem:$0xB180] =	vst v0  }
0x29: {  	[tilespmem:$0xB190] =	vst v0  }
0x2a: {  	[tilespmem:$0xB1A0] =	vst v0  }
0x2b: {  	[tilespmem:$0xB1B0] =	vst v0  }
0x2c: {  	[tilespmem:$0xB1C0] =	vst v0  }
0x2d: {  	[tilespmem:$0xB1D0] =	vst v0  }
0x2e: {  	[tilespmem:$0xB1E0] =	vst v0  }
0x2f: {  	[tilespmem:$0xB1F0] =	vst v0  }
0x30: {  	[tilespmem:$0xB200] =	vst v0  }
0x31: {  	[tilespmem:$0xB210] =	vst v0  }
0x32: {  	[tilespmem:$0xB220] =	vst v0  }
0x33: {  	[tilespmem:$0xB230] =	vst v0  }
0x34: {  	[tilespmem:$0xB240] =	vst v0  }
0x35: {  	[tilespmem:$0xB250] =	vst v0  }
0x36: {  	[tilespmem:$0xB260] =	vst v0  }
0x37: {  	[tilespmem:$0xB270] =	vst v0  }
0x38: {  	[tilespmem:$0xB280] =	vst v0  }
0x39: {  	[tilespmem:$0xB290] =	vst v0  }
0x3a: {  	[tilespmem:$0xB2A0] =	vst v0  }
0x3b: {  	[tilespmem:$0xB2B0] =	vst v0  }
0x3c: {  	[tilespmem:$0xB2C0] =	vst v0  }
0x3d: {  	[tilespmem:$0xB2D0] =	vst v0  }
0x3e: {  	[tilespmem:$0xB2E0] =	vst v0  }
0x3f: {  	[tilespmem:$0xB2F0] =	vst v0  }
0x40: {  	[tilespmem:$0xB300] =	vst v0  }
0x41: {  	[tilespmem:$0xB310] =	vst v0  }
0x42: {  	[tilespmem:$0xB320] =	vst v0  }
0x43: {  	[tilespmem:$0xB330] =	vst v0  }
0x44: {  	[tilespmem:$0xB340] =	vst v0  }
0x45: {  	[tilespmem:$0xB350] =	vst v0  }
0x46: {  	[tilespmem:$0xB360] =	vst v0  }
0x47: {  	[tilespmem:$0xB370] =	vst v0  }
0x48: {  	[tilespmem:$0xB380] =	vst v0  }
0x49: {  	[tilespmem:$0xB390] =	vst v0  }
0x4a: {  	[tilespmem:$0xB3A0] =	vst v0  }
0x4b: {  	[tilespmem:$0xB3B0] =	vst v0  }
0x4c: {  	[tilespmem:$0xB3C0] =	vst v0  }
0x4d: {  	[tilespmem:$0xB3D0] =	vst v0  }
0x4e: {  	[tilespmem:$0xB3E0] =	vst v0  }
0x4f: {  	[tilespmem:$0xB3F0] =	vst v0;
	s18 =	smov.u32 s7;
	s19 =	simm.s32 $0x0  }
.LBB2_2:
0x50: {  	p0 =	sgt.u32 s19, $0x4E  }
0x51: {  	s20 =	simm.s32 @!p0 $0xB000;
	p1 =	slt.u32 @!p0 s19, $0x8  }
0x52: {  	[spmem:s18] =	stream.linear.scatter @!p0 [tilespmem:s20], [sflag:$0x1], $0x400, $0x38;
	[tilespmem:$0x1F000] =	vst v63  }
0x53: {  	p0 =	por p0, !p1  }
0x54: {  	_ =	swait.ge @p0 [sflag:s13], $0x400  }
0x55: {  	s19 =	sadd.s32 $0x1, s19;
	[sflag:s13] =	ssyncset.done @p0 $0x0  }
0x56: {  	[sflag:s13] =	ssyncadd.s32 @p0 $0xFFFFFC00;
	p0 =	sne.s32 s19, $0x57  }
.Ltmp0:
0x57: {  	_ = 	snop;
	(pc) =	sbr.rel @p0 .LBB2_2-.Ltmp0, $2  }
0x58: {  	_ =	sdelay $0x2  }
0x59: {  	s18 =	sadd.s32 $0x400, s18  }
0x5a: {  	s18 =	simm.s32 $0x0  }
0x5b: {  	[tilespmem:s18], [sflag:$0x2] =	stream.linear.gather [hbm4b:s8+s18], $0xC00, $0x38;
	[tilespmem:$0x1F000] =	vst v63  }
0x5c: {  	_ =	swait.ge [sflag:s14], $0xC00  }
0x5d: {  	[sflag:s14] =	ssyncset.done $0x0  }
0x5e: {  	[sflag:s14] =	ssyncadd.s32 $0xFFFFF400  }
0x5f: {  	[tilespmem:s15], [sflag:$0x2] =	stream.linear.gather [hbm4b:s9+s18], $0xC00, $0x38;
	[tilespmem:$0x1F000] =	vst v63  }
0x60: {  	_ =	swait.ge [sflag:s14], $0xC00  }
0x61: {  	[sflag:s14] =	ssyncset.done $0x0  }
0x62: {  	s19 =	simm.s32 $0x1;
	[sflag:s14] =	ssyncadd.s32 $0xFFFFF400  }
0x63: {  	s20 =	smov.u32 s12;
	s21 =	simm.s32 $0x0;
	[bflag:$0x0] =	sbarrier.arrive $0xFFFF  }
0x64: {  	[tilespmem:s17], [sflag:$0x1] =	stream.indirect.gather [hbm4b:s5+s16], $0x80, s18, s16, $0xb8;
	[tilespmem:$0x1F000] =	vst v63  }
.LBB2_4:
0x65: {  	s22 =	smulhi.u32 $0xAAAAAAAB, s19;
	_ =	sdelay $0x1  }
0x66: {  	s24 =	smulhi.u32 $0xAAAAAAAB, s21;
	s23 =	sshrl.u32 s22, $0x5;
	s22 =	sshrl.u32 s22, $0x4  }
0x67: {  	s22 =	smul.u32 $0x3000, s22  }
0x68: {  	_ =	swait.ge [sflag:s13], $0x4000;
	s23 =	smul.u32 $0xFFFFA000, s23  }
0x69: {  	[sflag:s13] =	ssyncset.done $0x0;
	s24 =	sshrl.u32 s24, $0x5;
	s22 =	sadd.s32 $0xFFFFFE00, s22  }
0x6a: {  	[sflag:s13] =	ssyncadd.s32 $0xFFFFC000;
	s23 =	sshra.s32 s23, $0x2;
	p0 =	sne.s32 s22, s18  }
0x6b: {  	s25 =	sor.u32 $0x80, s23;
	s22 =	sshra.s32 @!p0 s18, $0x2;
	s26 =	sand.u32 @!p0 $0x1FFFFF80, s20  }
0x6c: {  	s30 =	simm.s32 @!p0 $0x0;
	s28 =	sadd.s32 @!p0 s22, s25;
	s29 =	sadd.s32 @!p0 s6, s26  }
0x6d: {  	[tilespmem:s28], [sflag:$0x2] =	stream.linear.gather @!p0 [hbm4b:s29+s30], $0xC00, $0x38;
	[tilespmem:$0x1F000] =	vst v63  }
0x6e: {  	s24 =	smul.u32 $0xFFFFA000, s24;
	s28 =	simm.s32 @!p0 $0x2  }
0x6f: {  	_ =	swait.ge @!p0 [sflag:s28], $0xC00  }
0x70: {  	s24 =	sshra.s32 s24, $0x2;
	s23 =	sadd.s32 $0x1880, s23;
	[sflag:s28] =	ssyncset.done @!p0 $0x0  }
0x71: {  	s22 =	sadd.s32 @!p0 s22, s23;
	s23 =	sadd.s32 @!p0 s2, s26;
	[sflag:s28] =	ssyncadd.s32 @!p0 $0xFFFFF400  }
0x72: {  	[tilespmem:s22], [sflag:$0x2] =	stream.linear.gather @!p0 [hbm4b:s23+s30], $0xC00, $0x38;
	[tilespmem:$0x1F000] =	vst v63  }
0x73: {  	s24 =	sadd.s32 $0x1800, s24;
	s26 =	sand.u32 $0x1, s21;
	_ =	swait.ge @!p0 [sflag:s28], $0xC00  }
0x74: {  	s29 =	sshra.s32 s18, $0x2;
	s23 =	sshll.u32 s26, $0xE;
	[sflag:s28] =	ssyncset.done @!p0 $0x0  }
0x75: {  	s25 =	sadd.s32 s29, s25;
	s30 =	sxor.u32 $0x7000, s23;
	[sflag:s28] =	ssyncadd.s32 @!p0 $0xFFFFF400  }
0x76: {  	[tilespmem:s30], [sflag:$0x1] =	stream.indirect.gather [hbm4b:s5+s16], $0x80, s25, s16, $0xb8;
	[tilespmem:$0x1F000] =	vst v63  }
0x77: {  	s22 =	sadd.s32 s29, s24;
	s23 =	sor.u32 $0x3000, s23  }
0x78: {  	[spmem:s3] =	stream.indirect.scatter.add.f32 [tilespmem:s23], [sflag:$0x2], $0x80, s22, s16, $0xb8;
	[tilespmem:$0x1F000] =	vst v63  }
0x79: {  	_ =	swait.ge [sflag:s14], $0x4000  }
0x7a: {  	s18 =	sadd.s32 $0x200, s18;
	s31 =	rddreg [dreg:$0x4]  }
0x7b: {  	p0 =	sne.s32 s31, s18  }
.Ltmp1:
0x7c: {  	_ = 	snop;
	(pc) =	sbr.rel @p0 .LBB2_4-.Ltmp1, $3  }
0x7d: {  	_ =	sdelay $0x1  }
0x7e: {  	s19 =	sadd.s32 $0x1, s19;
	[sflag:s14] =	ssyncset.done $0x0  }
0x7f: {  	s20 =	sadd.s32 $0x10, s20;
	s21 =	sadd.s32 $0x1, s21;
	[sflag:s14] =	ssyncadd.s32 $0xFFFFC000  }
0x80: {  	_ =	swait.ge [sflag:s13], $0x4000  }
0x81: {  	s18 =	sshll.u32 s1, $0x6;
	s4 =	sadd.s32 $0x1, s4;
	[sflag:s13] =	ssyncset.done $0x0  }
0x82: {  	s19 =	sshrl.u32 s7, $0x3;
	p0 =	sne.s32 s4, s11;
	[sflag:s13] =	ssyncadd.s32 $0xFFFFC000  }
.Ltmp2:
0x83: {  	s18 =	sor.u32 $0x1C02, s18;
	[bflag:$0x0] =	sbarrier.arrive $0xFFFF;
	(pc) =	sbr.rel @p0 .LBB2_1-.Ltmp2, $4  }
0x84: {  	[hbm:s10], [sflag:s18] =	dma.local [spmem:s19], $0x2780  }
0x85: {  	_ =	swait.ge [sflag:s14], $0x2780  }
0x86: {  	[sflag:s14] =	ssyncset.done $0x0  }
0x87: {  	[sflag:s14] =	ssyncadd.s32 $0xFFFFD880  }
0x88: {  	_ =	sfence.sel $0x180000  }
0x89: {  	[bflag:$0x0] =	sbarrier.arrive $0xFFFF  }
0x8a: {  	p0 =	sne.s32 s1, $0x0;
	_ =	strace $0x9000004D  }
0x8b: {  	s0 =	sadd.s32 @!p0 $0x100000, s0;
	[bflag:$0x2] =	sbarrier.arrive $0xFFFF  }
0x8c: {  	[sflag:s0] =	ssyncadd.tile.s32 @!p0 $0x1;
	_ =	shalt  }
.Lfunc_end2:
_tile_overlayer_lowered:
.L_overlay_start_2:
0x8d: {  	(tag) =	ssettag $0x2  }
0x8e: {  	s0 =	rddreg [dreg:$0x0];
	s2 =	stileid.u32  }
0x8f: {  	s1 =	rddreg [dreg:$0x1];
	p0 =	sne.s32 s2, $0x0  }
0x90: {  	s3 =	rddreg [dreg:$0x2];
	[bflag:$0x3] =	sbarrier.arrive $0xFFFF;
	s2 =	simm.s32 @!p0 $0x1C02  }
0x91: {  	[timem:s3], [sflag:s2] =	dma.local @!p0 [hbm:s0], s1  }
0x92: {  	s0 =	simm.s32 @!p0 $0x2  }
0x93: {  	_ =	swait.ge @!p0 [sflag:s0], s1  }
0x94: {  	s1 =	ssub.s32 @!p0 $0x0, s1;
	[sflag:s0] =	ssyncset.done @!p0 $0x0  }
0x95: {  	[sflag:s0] =	ssyncadd.s32 @!p0 s1  }
0x96: {  	[bflag:$0x3] =	sbarrier.arrive $0xFFFF  }
0x97: {  	_ =	shalt  }

// kernel: kernel.8.cloned.1.call-start
scs
__scs_entry_jumppad:
0x0: {  	(pc) =	sbr.rel $0x88, $3  }
0x1: {  	(tag) =	ssettag $0x0;
	lr =	simm.s32 $0x1  }
0x2: {  	[smem:$0x3F9B] =	sst lr;
	_ =	strace $0xD0000000  }
0x3: {  	_ = 	snop  }
0x4: {  	_ = 	snop  }
0x5: {  	_ = 	snop  }
0x6: {  	_ = 	snop  }
0x7: {  	_ = 	snop  }
__scs_overlays_trampoline_lowered:
0x8: {  	[smem:$0x3FAA] =	sst s0  }
0x9: {  	[smem:$0x3FAB] =	sst s1  }
0xa: {  	[smem:$0x3FAC] =	sst s2  }
0xb: {  	[smem:$0x3FAD] =	sst s3  }
0xc: {  	[smem:$0x3FAE] =	sst s4  }
0xd: {  	[smem:$0x3FAF] =	sst s5  }
0xe: {  	[smem:$0x3FB0] =	sst s6  }
0xf: {  	[smem:$0x3FB1] =	sst s7  }
0x10: {  	[smem:$0x3FB2] =	sst s8  }
0x11: {  	[smem:$0x3FB3] =	sst s9;
	s0 =	simm.s32 @!p0 $0x0  }
0x12: {  	s1 =	sld [smem:$0x3F99];
	s0 =	simm.s32 @p0 $0x1  }
0x13: {  	[smem:$0x3FB4] =	sst s0;
	s0 =	simm.s32 @!p1 $0x0  }
0x14: {  	s2 =	sld [smem:$0x3F98];
	s0 =	simm.s32 @p1 $0x1  }
0x15: {  	[smem:$0x3FB5] =	sst s0;
	s0 =	simm.s32 @!p2 $0x0  }
0x16: {  	s3 =	sld [smem:$0x3FDB];
	s0 =	simm.s32 @p2 $0x1  }
0x17: {  	s4 =	simm.s32 $0x1BF5;
	[smem:$0x3FB7] =	sst s0  }
0x18: {  	s0 =	sld [smem:$0x3F9A];
	_ =	swait.ge [sflag:s4], $0x0  }
0x19: {  	s7 =	sld [smem:$0x3F9B]  }
0x1a: {  	s8 =	sadd.s32 $0xFFFFE003, lr  }
0x1b: {  	s9 =	sadd.s32 $0xFFFFFEF7, lr;
	s5 =	simm.s32 $0xFFFFFFFF;
	p2 =	slt.u32 s8, $0xFFFFF086  }
0x1c: {  	p1 =	slt.u32 s9, $0xF7A;
	s5 =	simm.s32 @!p2 $0x0  }
0x1d: {  	s5 =	simm.s32 @p1 $0x1;
	p0 =	seq.s32 s7, s2  }
0x1e: {  	s7 =	smul.u32 @!p0 $0xF7A, s2;
	p2 =	seq.s32 @!p0 s5, $0x0  }
0x1f: {  	s9 =	smul.u32 $0xF7A, s1;
	s8 =	simm.s32 @!p0 $0x1BF5;
	p2 =	por !p2, p0  }
0x20: {  	[sflag:s8] =	ssyncset.s32 @!p0 $0xFFFFF086;
	s6 =	sadd.s32 @!p0 s3, s7;
	s7 =	simm.s32 @!p0 $0x108  }
0x21: {  	s3 =	sadd.s32 s3, s9;
	s6 =	sadd.s32 @!p0 $0x88, s6;
	s7 =	simm.s32 @p2 $0x1082  }
0x22: {  	[simem:s7], [sflag:s8] =	dma.local @!p0 [hbm:s6], $0xF7A  }
0x23: {  	s9 =	sor.u32 $0xD0000000, s2;
	s6 =	simm.s32 $0x108;
	_ =	swait.ge @!p0 [sflag:s8], $0x0  }
0x24: {  	s3 =	sadd.s32 $0x88, s3;
	s6 =	simm.s32 @!p1 $0x1082;
	[sflag:s4] =	ssyncset.s32 $0xFFFFF086  }
0x25: {  	[simem:s6], [sflag:s4] =	dma.local [hbm:s3], $0xF7A  }
0x26: {  	[smem:$0x3F9B] =	sst s1;
	(tag) =	ssettag s2;
	_ =	strace s9  }
0x27: {  	s1 =	sld [smem:$0x3FAB]  }
0x28: {  	s2 =	sld [smem:$0x3FAC]  }
0x29: {  	s4 =	sld [smem:$0x3FAE]  }
0x2a: {  	p0 =	seq.s32 s5, $0x0;
	s5 =	sld [smem:$0x3FAF]  }
0x2b: {  	s6 =	sld [smem:$0x3FB0]  }
0x2c: {  	s7 =	sld [smem:$0x3FB1]  }
0x2d: {  	s3 =	simm.s32 $0x108;
	s8 =	sld [smem:$0x3FB2]  }
0x2e: {  	s3 =	simm.s32 @!p0 $0x1082;
	s9 =	sld [smem:$0x3FB3]  }
0x2f: {  	lr =	sadd.s32 s0, s3;
	s0 =	sld [smem:$0x3FAA]  }
0x30: {  	s3 =	sld [smem:$0x3FAD]  }
0x31: {  	[smem:$0x3FB6] =	sst s10  }
0x32: {  	s10 =	sld [smem:$0x3FB4];
	_ =	sdelay $0x3  }
0x33: {  	p0 =	seq.s32 s10, $0x1;
	s10 =	sld [smem:$0x3FB6];
	_ =	sdelay $0x3  }
0x34: {  	[smem:$0x3FB6] =	sst s10  }
0x35: {  	s10 =	sld [smem:$0x3FB5];
	_ =	sdelay $0x3  }
0x36: {  	p1 =	seq.s32 s10, $0x1;
	s10 =	sld [smem:$0x3FB6];
	_ =	sdelay $0x3  }
0x37: {  	[smem:$0x3FB6] =	sst s10  }
0x38: {  	s10 =	sld [smem:$0x3FB7]  }
0x39: {  	_ = 	snop;
	(pc) =	sbr.ind lr, $3  }
0x3a: {  	_ = 	snop  }
0x3b: {  	_ = 	snop  }
0x3c: {  	p2 =	seq.s32 s10, $0x1;
	s10 =	sld [smem:$0x3FB6]  }
0x3d: {  	_ =	shalt  }
0x3e: {  	_ =	shalt  }
0x3f: {  	_ =	shalt  }
0x40: {  	_ =	shalt  }
0x41: {  	_ =	shalt  }
0x42: {  	_ =	shalt  }
0x43: {  	_ =	shalt  }
0x44: {  	_ =	shalt  }
0x45: {  	_ =	shalt  }
0x46: {  	_ =	shalt  }
0x47: {  	_ =	shalt  }
0x48: {  	_ =	shalt  }
0x49: {  	_ =	shalt  }
0x4a: {  	_ =	shalt  }
0x4b: {  	_ =	shalt  }
0x4c: {  	_ =	shalt  }
0x4d: {  	_ =	shalt  }
0x4e: {  	_ =	shalt  }
0x4f: {  	_ =	shalt  }
0x50: {  	_ =	shalt  }
0x51: {  	_ =	shalt  }
0x52: {  	_ =	shalt  }
0x53: {  	_ =	shalt  }
0x54: {  	_ =	shalt  }
0x55: {  	_ =	shalt  }
0x56: {  	_ =	shalt  }
0x57: {  	_ =	shalt  }
0x58: {  	_ =	shalt  }
0x59: {  	_ =	shalt  }
0x5a: {  	_ =	shalt  }
0x5b: {  	_ =	shalt  }
0x5c: {  	_ =	shalt  }
0x5d: {  	_ =	shalt  }
0x5e: {  	_ =	shalt  }
0x5f: {  	_ =	shalt  }
0x60: {  	_ =	shalt  }
0x61: {  	_ =	shalt  }
0x62: {  	_ =	shalt  }
0x63: {  	_ =	shalt  }
0x64: {  	_ =	shalt  }
0x65: {  	_ =	shalt  }
0x66: {  	_ =	shalt  }
0x67: {  	_ =	shalt  }
0x68: {  	_ =	shalt  }
0x69: {  	_ =	shalt  }
0x6a: {  	_ =	shalt  }
0x6b: {  	_ =	shalt  }
0x6c: {  	_ =	shalt  }
0x6d: {  	_ =	shalt  }
0x6e: {  	_ =	shalt  }
0x6f: {  	_ =	shalt  }
0x70: {  	_ =	shalt  }
0x71: {  	_ =	shalt  }
0x72: {  	_ =	shalt  }
0x73: {  	_ =	shalt  }
0x74: {  	_ =	shalt  }
0x75: {  	_ =	shalt  }
0x76: {  	_ =	shalt  }
0x77: {  	_ =	shalt  }
0x78: {  	_ =	shalt  }
0x79: {  	_ =	shalt  }
0x7a: {  	_ =	shalt  }
0x7b: {  	_ =	shalt  }
0x7c: {  	_ =	shalt  }
0x7d: {  	_ =	shalt  }
0x7e: {  	_ =	shalt  }
0x7f: {  	_ =	shalt  }
0x80: {  	_ =	shalt  }
0x81: {  	_ =	shalt  }
0x82: {  	_ =	shalt  }
0x83: {  	_ =	shalt  }
0x84: {  	_ =	shalt  }
0x85: {  	_ =	shalt  }
0x86: {  	_ =	shalt  }
0x87: {  	_ =	shalt  }
.Lfunc_end0:
.L_simem_size_0:
called_computation_lowered:
.L_overlay_start_0:
0x88: {  	s2 =	sld [smem:$0x3FD9]  }
0x89: {  	s3 =	sld [smem:$0x3FFE];
	_ =	sdelay $0x1  }
0x8a: {  	s1 =	srdreg.scid  }
0x8b: {  	s0 =	sand.u32 $0x1, s1  }
0x8c: {  	s16 =	sshll.u32 s0, $0xA;
	s2 =	sadd.s32 s3, s2  }
0x8d: {  	s2 =	sadd.s32 s2, s16  }
0x8e: {  	[smem:$0x3FC2] =	sst s2  }
0x8f: {  	_ = 	snop  }
0x90: {  	(tm) =	ssettm $0x1  }
0x91: {  	s17 =	sld [smem:$0x3FFB];
	_ =	sdelay $0x3  }
0x92: {  	_ =	strace s17  }
0x93: {  	s2 =	sld [smem:$0x3FFC];
	_ =	sdelay $0x3  }
0x94: {  	_ =	strace s2  }
0x95: {  	s2 =	sld [smem:$0x3FFD];
	_ =	sdelay $0x3  }
0x96: {  	_ =	strace s2  }
0x97: {  	_ =	strace $0x8FFFFFFF  }
0x98: {  	s18 =	sld [smem:$0x3FDB];
	_ =	sdelay $0x1  }
0x99: {  	s19 =	simm.s32 $_scs_section_size  }
0x9a: {  	s4 =	simm.s32 $_size__tile_overlayer_lowered;
	s5 =	simm.s32 $_tile_overlayer_lowered  }
0x9b: {  	s22 =	simm.s32 $0x1BFF;
	s21 =	sshll.u32 s5, $0x1;
	s2 =	sadd.s32 s19, s18  }
0x9c: {  	s6 =	simm.s32 $0x0;
	s20 =	sshll.u32 s4, $0x1;
	s4 =	sadd.s32 s21, s2  }
0x9d: {  	[timem:s6], [sflag:s22] =	dma.local [hbm:s4], s20  }
0x9e: {  	_ =	swait.ge [sflag:s22], s20  }
0x9f: {  	s3 =	ssub.s32 $0x0, s20;
	[sflag:s22] =	ssyncset.done $0x0  }
0xa0: {  	[sflag:s22] =	ssyncadd.s32 s3;
	_ =	sdelay $0x1  }
0xa1: {  	s23 =	simm.s32 $0x1B8B  }
0xa2: {  	_ =	swait.ge [sflag:s23], $0x1  }
0xa3: {  	[sflag:s23] =	ssyncset.done $0x0  }
0xa4: {  	s25 =	simm.s32 $0x1B8E;
	s24 =	sld [smem:$0x3FFE];
	[sflag:s23] =	ssyncadd.s32 $0xFFFFFFFF  }
0xa5: {  	s26 =	simm.s32 $execute0_lowered;
	[smem:$0x3FD2] =	sst s25  }
0xa6: {  	s4 =	sshll.u32 s26, $0x1;
	_ =	strace $0x80000046;
	[dreg:$0x1] =	wrdreg $0xFFFFFFFF  }
0xa7: {  	s28 =	simm.s32 $_size_execute0_lowered;
	s2 =	sadd.s32 s2, s4;
	[dreg:$0x0] =	wrdreg $0x0  }
0xa8: {  	s4 =	sshll.u32 s28, $0x1;
	[dreg:$0x2] =	wrdreg s2  }
0xa9: {  	[dreg:$0x3] =	wrdreg s4  }
0xaa: {  	[dreg:$0x4] =	wrdreg $0xC0  }
0xab: {  	_ =	task [dreg:s6], $0x5FFFF  }
0xac: {  	[dreg:$0x1] =	wrdreg $0xFFFFFFFF  }
0xad: {  	[dreg:$0x0] =	wrdreg $0x60  }
0xae: {  	[dreg:$0x2] =	wrdreg s24  }
0xaf: {  	[dreg:$0x3] =	wrdreg $0x9  }
0xb0: {  	_ =	task.clear_ibuf [dreg:s6], $0x4FFFF;
	_ =	strace $0x90000046  }
0xb1: {  	s29 =	simm.s32 $0x9;
	_ =	strace $0x80000048  }
0xb2: {  	_ =	swait.ge [sflag:s29], $0x1  }
0xb3: {  	[sflag:s29] =	ssyncadd.s32 $0xFFFFFFFF  }
0xb4: {  	_ =	strace $0x90000048  }
0xb5: {  	_ =	sfence  }
0xb6: {  	s30 =	sld [smem:$0x0];
	_ =	sdelay $0x2  }
0xb7: {  	s31 =	sshll.u32 s1, $0xD;
	s1 =	sshrl.u32 s1, $0x2  }
0xb8: {  	s3 =	sand.u32 $0x4000, s31;
	s1 =	sadd.s32 s1, s30  }
0xb9: {  	s0 =	sor.u32 s3, s0;
	s1 =	sshll.u32 s1, $0x11  }
0xba: {  	s0 =	sor.u32 s1, s0  }
0xbb: {  	s0 =	sadd.s32 $0x8F2B, s0  }
0xbc: {  	[sflag:s0] =	ssyncadd.remote.s32 $0x1  }
0xbd: {  	_ =	sfence.sel $0xFFFF  }
0xbe: {  	[dreg:$0x0] =	wrdreg $0xFFFFFFFF;
	(pc) =	sbr.abs _section_cstart, $3  }
0xbf: {  	[dreg:$0x1] =	wrdreg $0xFFFFFFFF  }
0xc0: {  	_ =	task.clear_ibuf [dreg:s6], $0x2FFFF;
	_ =	strace $0x9FFFFFFF  }
0xc1: {  	(tm) =	ssettm $0x7FFFFFFF  }
tec
execute0_lowered:
.L_overlay_start_1:
0x0: {  	(tag) =	ssettag $0x1  }
0x1: {  	s1 =	srdreg.scid  }
0x2: {  	s0 =	stileid.u32;
	s4 =	rddreg [dreg:$0x0]  }
0x3: {  	s2 =	simm.s32 $0x0;
	s3 =	sand.u32 $0x1, s1;
	s31 =	sshll.u32 s0, $0x1  }
0x4: {  	s9 =	simm.s32 $0x0;
	s1 =	rddreg [dreg:$0x1];
	s5 =	sor.u32 s3, s31  }
0x5: {  	[smem:$0x7FF] =	sst s2;
	s7 =	ssub.s32 $0x2, s3;
	s6 =	smul.u32 $0x500, s5  }
0x6: {  	_ =	strace $0x80000047;
	s5 =	smul.u32 $0x4F0, s5;
	s8 =	sshrl.u32 s7, $0x1  }
0x7: {  	s3 =	sadd.s32 $0xD400, s4;
	s7 =	ssub.s32 s7, s8;
	s6 =	sadd.s32 s6, s4  }
0x8: {  	s8 =	simm.s32 $0x1;
	s5 =	sadd.s32 s5, s4;
	s4 =	sadd.s32 $0x3200, s6  }
0x9: {  	v0 =	vimm.f32 $1.000000000e+00;
	s5 =	sadd.s32 $0xDA00, s5;
	s6 =	smax.u32 s7, $0x1;
	s7 =	simm.s32 $0x2800  }
.LBB2_1:
0xa: {  	[tilespmem:s7], [sflag:$0x1] =	stream.linear.gather [hbm4b:s3+s2], $0x2780, $0x38;
	[tilespmem:$0x4F80] =	vst v63  }
0xb: {  	_ =	swait.ge [sflag:s8], $0x2780  }
0xc: {  	[sflag:s8] =	ssyncset.done $0x0  }
0xd: {  	[sflag:s8] =	ssyncadd.s32 $0xFFFFD880  }
0xe: {  	[tilespmem:s2], [sflag:$0x1] =	stream.linear.gather [hbm4b:s4+s2], $0x2800, $0x38;
	[tilespmem:$0x4F80] =	vst v63  }
0xf: {  	_ =	swait.ge [sflag:s8], $0x2800  }
0x10: {  	[sflag:s8] =	ssyncset.done $0x0  }
0x11: {  	s11 =	simm.s32 $0x0;
	s10 =	simm.s32 $0x40;
	[sflag:s8] =	ssyncadd.s32 $0xFFFFD800  }
.LBB2_2:
0x12: {  	p0 =	sne.s32 s10, $0x9FC0;
	v1 =	vld [tilespmem:s11+$0x0];
	_ =	sdelay $0x3  }
.Ltmp0:
0x13: {  	(pc) =	sbr.rel @p0 .LBB2_2-.Ltmp0, $2  }
0x14: {  	_ =	sdelay $0x2  }
0x15: {  	s11 =	sshra.s32 s10, $0x2;
	s10 =	sadd.s32 $0x40, s10;
	[tilespmem:v1+s7+$0x0] =	vst.idx.add.f32.msk $0xffff, v0  }
0x16: {  	v1 =	vld [tilespmem:s11+$0x0];
	_ =	sdelay $0x5  }
0x17: {  	s9 =	sadd.s32 $0x1, s9  }
0x18: {  	p0 =	sne.s32 s9, s6  }
.Ltmp1:
0x19: {  	[tilespmem:v1+s7+$0x0] =	vst.idx.add.f32.msk $0xffff, v0;
	(pc) =	sbr.rel @p0 .LBB2_1-.Ltmp1, $4  }
0x1a: {  	[hbm4b:s5+s2] =	stream.linear.scatter [tilespmem:s7], [sflag:$0x1], $0x2780, $0x38;
	[tilespmem:$0x4F80] =	vst v63  }
0x1b: {  	_ =	swait.ge [sflag:s8], $0x2780  }
0x1c: {  	[sflag:s8] =	ssyncset.done $0x0  }
0x1d: {  	[sflag:s8] =	ssyncadd.s32 $0xFFFFD880  }
0x1e: {  	_ =	sfence.sel $0x180000  }
0x1f: {  	[bflag:$0x0] =	sbarrier.arrive $0xFFFF  }
0x20: {  	p0 =	sne.s32 s0, $0x0;
	_ =	strace $0x90000047  }
0x21: {  	s0 =	sadd.s32 @!p0 $0x100000, s1;
	[bflag:$0x2] =	sbarrier.arrive $0xFFFF  }
0x22: {  	[sflag:s0] =	ssyncadd.tile.s32 @!p0 $0x1;
	_ =	shalt  }
.Lfunc_end2:
_tile_overlayer_lowered:
.L_overlay_start_2:
0x23: {  	(tag) =	ssettag $0x2  }
0x24: {  	s0 =	rddreg [dreg:$0x0];
	s2 =	stileid.u32  }
0x25: {  	s1 =	rddreg [dreg:$0x1];
	p0 =	sne.s32 s2, $0x0  }
0x26: {  	s3 =	rddreg [dreg:$0x2];
	[bflag:$0x3] =	sbarrier.arrive $0xFFFF;
	s2 =	simm.s32 @!p0 $0x1C01  }
0x27: {  	[timem:s3], [sflag:s2] =	dma.local @!p0 [hbm:s0], s1  }
0x28: {  	s0 =	simm.s32 @!p0 $0x1  }
0x29: {  	_ =	swait.ge @!p0 [sflag:s0], s1  }
0x2a: {  	s1 =	ssub.s32 @!p0 $0x0, s1;
	[sflag:s0] =	ssyncset.done @!p0 $0x0  }
0x2b: {  	[sflag:s0] =	ssyncadd.s32 @!p0 s1  }
0x2c: {  	[bflag:$0x3] =	sbarrier.arrive $0xFFFF  }
0x2d: {  	_ =	shalt  }

</sc_bundles>
